<compile_context>
chip_gen: v7x
topology: tpu7x:2x2x1
jax: 0.10.2.dev20260603
libtpu: 0.0.44.dev20260713+nightly
codegen_flags: <defaults>
</compile_context>

<pallas_src>
import functools

import jax
import jax.numpy as jnp
from jax import lax
from jax.experimental import pallas as pl
from jax.experimental.pallas import tpu as pltpu
from jax.experimental.pallas import tpu_sc as plsc

N = 10000
E = 320000
F_IN = 128
H = 64
C = 10
G = 128

NC = 2
NS = 16
K = 80
CHUNKS = E // (NS * K)
W = 128
NP = 10240
NH = NP // NC
EPOCHS = 2
NQ = NH // EPOCHS
ACC = NQ + 8
NQT = NQ // NS
VEC = 16

DACC = NH + 8
NHT = NH // NS


def _sc_mesh():
    return plsc.VectorSubcoreMesh(core_axis_name="c", subcore_axis_name="s",
                                  num_cores=NC, num_subcores=NS)


ROWS = E // 128


def _clamp_body(dst_ref, deg_ref, conv_ref):
    d = dst_ref[...]
    for c in range(NC):
        local = d - c * NH
        ok = (local >= 0) & (local < NH)
        deg_ref[c] = jnp.where(ok, local, NH)
        for e in range(EPOCHS):
            lq = d - (c * NH + e * NQ)
            okq = (lq >= 0) & (lq < NQ)
            conv_ref[c, e] = jnp.where(okq, lq, NQ)


_CB = 2500


def _clamp_tc(dst_flat):
    return pl.pallas_call(
        _clamp_body,
        grid=(ROWS // _CB,),
        in_specs=[pl.BlockSpec((_CB, 128), lambda i: (i, 0))],
        out_specs=[
            pl.BlockSpec((NC, _CB, 128), lambda i: (0, i, 0)),
            pl.BlockSpec((NC, EPOCHS, _CB, 128), lambda i: (0, 0, i, 0)),
        ],
        out_shape=[
            jax.ShapeDtypeStruct((NC, ROWS, 128), jnp.int32),
            jax.ShapeDtypeStruct((NC, EPOCHS, ROWS, 128), jnp.int32),
        ],
    )(dst_flat)


@functools.cache
def _deg_sc_kernel():
    return pl.kernel(
        _deg_body,
        out_type=jax.ShapeDtypeStruct((NP, 16), jnp.float32),
        mesh=_sc_mesh(),
        scratch_types=[
            pltpu.VMEM((CHUNKS, K), jnp.int32),
            pltpu.VMEM((K, 16), jnp.float32),
            pltpu.VMEM((NHT, 16), jnp.float32),
            pltpu.VMEM_SHARED((DACC, 16), jnp.float32),
        ],
    )


def _deg_body(dstl_hbm, ones_hbm, zeros_hbm, out_hbm, dstl_v, ones_v,
              bounce_v, acc_sh):
    c = lax.axis_index("c")
    s = lax.axis_index("s")
    pltpu.sync_copy(dstl_hbm.at[c, s], dstl_v)
    pltpu.sync_copy(ones_hbm, ones_v)
    pltpu.sync_copy(zeros_hbm, bounce_v)
    pltpu.sync_copy(bounce_v, acc_sh.at[pl.ds(s * NHT, NHT)])
    plsc.subcore_barrier()

    def body(j, carry):
        pltpu.sync_copy(ones_v, acc_sh.at[dstl_v.at[j]], add=True)
        return carry

    lax.fori_loop(0, CHUNKS, body, 0)
    plsc.subcore_barrier()
    pltpu.sync_copy(acc_sh.at[pl.ds(s * NHT, NHT)], bounce_v)
    pltpu.sync_copy(bounce_v, out_hbm.at[pl.ds(c * NH + s * NHT, NHT)])


@functools.cache
def _conv_sc_kernel():
    return pl.kernel(
        _conv_body,
        out_type=jax.ShapeDtypeStruct((NP, W), jnp.float32),
        mesh=_sc_mesh(),
        scratch_types=[
            pltpu.VMEM((CHUNKS, K), jnp.int32),
            pltpu.VMEM((CHUNKS, K), jnp.int32),
            pltpu.VMEM((K, W), jnp.float32),
            pltpu.VMEM((NQT, W), jnp.float32),
            pltpu.VMEM_SHARED((ACC, W), jnp.float32),
            pltpu.SemaphoreType.DMA,
        ],
    )


def _conv_body(src_hbm, dstl_hbm, hs_hbm, zeros_hbm, out_hbm, src_v,
               dstl_v, rows_v, bounce_v, acc_sh, sem):
    c = lax.axis_index("c")
    s = lax.axis_index("s")
    pltpu.sync_copy(src_hbm.at[s], src_v)

    for e in range(EPOCHS):
        base = c * NH + e * NQ
        pltpu.sync_copy(dstl_hbm.at[c, e, s], dstl_v)
        pltpu.sync_copy(zeros_hbm, bounce_v)
        pltpu.sync_copy(bounce_v, acc_sh.at[pl.ds(s * NQT, NQT)])
        plsc.subcore_barrier()

        def body(j, carry):
            pltpu.async_copy(hs_hbm.at[src_v.at[j]], rows_v, sem).wait()
            pltpu.sync_copy(rows_v, acc_sh.at[dstl_v.at[j]], add=True)
            return carry

        lax.fori_loop(0, CHUNKS, body, 0)
        plsc.subcore_barrier()
        pltpu.sync_copy(acc_sh.at[pl.ds(s * NQT, NQT)], bounce_v)
        pltpu.sync_copy(bounce_v, out_hbm.at[pl.ds(base + s * NQT, NQT)])



_BN = 1000


def _stage0_body(deg_ref, x_ref, w1_ref, dis_ref, hs_ref):
    deg = deg_ref[:, 0] + 1.0
    dis = lax.rsqrt(deg)
    dis_ref[...] = dis[:, None]
    h = jnp.dot(x_ref[...], w1_ref[...], precision=lax.Precision.HIGHEST,
                preferred_element_type=jnp.float32)
    hs = h * dis[:, None]
    hs_ref[...] = jnp.concatenate([hs, jnp.zeros_like(hs)], axis=1)


def _stage0(deg, x, w1):
    return pl.pallas_call(
        _stage0_body,
        grid=(N // _BN,),
        in_specs=[
            pl.BlockSpec((_BN, W), lambda i: (i, 0)),
            pl.BlockSpec((_BN, F_IN), lambda i: (i, 0)),
            pl.BlockSpec((F_IN, H), lambda i: (0, 0)),
        ],
        out_specs=[
            pl.BlockSpec((_BN, 1), lambda i: (i, 0)),
            pl.BlockSpec((_BN, W), lambda i: (i, 0)),
        ],
        out_shape=[
            jax.ShapeDtypeStruct((N, 1), jnp.float32),
            jax.ShapeDtypeStruct((N, W), jnp.float32),
        ],
    )(deg, x, w1)


def _mid_body(acc_ref, hs_ref, dis_ref, b_ref, w_ref, out_ref):
    a = acc_ref[:, :H] + hs_ref[:, :H]
    dis = dis_ref[...]
    xn = jnp.maximum(a * dis + b_ref[...], 0.0)
    hs = jnp.dot(xn, w_ref[...], precision=lax.Precision.HIGHEST,
                 preferred_element_type=jnp.float32) * dis
    out_ref[...] = jnp.concatenate([hs, jnp.zeros_like(hs)], axis=1)


def _mid(acc, hs, dis, b, w_next):
    return pl.pallas_call(
        _mid_body,
        grid=(N // _BN,),
        in_specs=[
            pl.BlockSpec((_BN, W), lambda i: (i, 0)),
            pl.BlockSpec((_BN, W), lambda i: (i, 0)),
            pl.BlockSpec((_BN, 1), lambda i: (i, 0)),
            pl.BlockSpec((1, H), lambda i: (0, 0)),
            pl.BlockSpec((H, H), lambda i: (0, 0)),
        ],
        out_specs=pl.BlockSpec((_BN, W), lambda i: (i, 0)),
        out_shape=jax.ShapeDtypeStruct((N, W), jnp.float32),
    )(acc, hs, dis, b, w_next)


def _final_body(acc_ref, hs_ref, dis_ref, b_ref, batch_ref, wl_ref, bl_ref,
                out_ref, sums, counts):
    i = pl.program_id(0)

    @pl.when(i == 0)
    def _():
        sums[...] = jnp.zeros_like(sums)
        counts[...] = jnp.zeros_like(counts)

    a = acc_ref[:, :H] + hs_ref[:, :H]
    h = a * dis_ref[...] + b_ref[...]
    gids = lax.broadcasted_iota(jnp.int32, (1, G), 1)
    onehot = (batch_ref[...] == gids).astype(jnp.float32)
    sums[...] += lax.dot_general(onehot, h, (((0,), (0,)), ((), ())),
                                 precision=lax.Precision.HIGHEST,
                                 preferred_element_type=jnp.float32)
    counts[...] += jnp.sum(onehot, axis=0)[:, None]

    @pl.when(i == pl.num_programs(0) - 1)
    def _():
        pooled = sums[...] / jnp.maximum(counts[...], 1.0)
        out_ref[...] = jnp.dot(pooled, wl_ref[...],
                               precision=lax.Precision.HIGHEST,
                               preferred_element_type=jnp.float32) + bl_ref[...]


def _final(acc, hs, dis, b, batch2d, wl, bl):
    return pl.pallas_call(
        _final_body,
        grid=(N // _BN,),
        in_specs=[
            pl.BlockSpec((_BN, W), lambda i: (i, 0)),
            pl.BlockSpec((_BN, W), lambda i: (i, 0)),
            pl.BlockSpec((_BN, 1), lambda i: (i, 0)),
            pl.BlockSpec((1, H), lambda i: (0, 0)),
            pl.BlockSpec((_BN, 1), lambda i: (i, 0)),
            pl.BlockSpec((H, C), lambda i: (0, 0)),
            pl.BlockSpec((1, C), lambda i: (0, 0)),
        ],
        out_specs=pl.BlockSpec((G, C), lambda i: (0, 0)),
        out_shape=jax.ShapeDtypeStruct((G, C), jnp.float32),
        scratch_shapes=[
            pltpu.VMEM((G, H), jnp.float32),
            pltpu.VMEM((G, 1), jnp.float32),
        ],
    )(acc, hs, dis, b, batch2d, wl, bl)



def kernel(x, edge_index, batch, W1, b1, W2, b2, W3, b3, Wl, bl):
    src = edge_index[0].reshape(NS, CHUNKS, K)
    ones16 = jnp.ones((K, 16), jnp.float32)
    zeros16 = jnp.zeros((NHT, 16), jnp.float32)
    zerosW = jnp.zeros((NQT, W), jnp.float32)

    dstl_deg, dstl_conv = _clamp_tc(edge_index[1].reshape(ROWS, 128))
    dstl_deg = dstl_deg.reshape(NC, NS, CHUNKS, K)
    dstl_conv = dstl_conv.reshape(NC, EPOCHS, NS, CHUNKS, K)

    conv = _conv_sc_kernel()
    ones_tab = jnp.ones((N, W), jnp.float32)
    deg = conv(src, dstl_conv, ones_tab, zerosW)
    dis, hs1 = _stage0(deg, x, W1)
    acc1 = conv(src, dstl_conv, hs1, zerosW)
    hs2 = _mid(acc1, hs1, dis, b1.reshape(1, H), W2)
    acc2 = conv(src, dstl_conv, hs2, zerosW)
    hs3 = _mid(acc2, hs2, dis, b2.reshape(1, H), W3)
    acc3 = conv(src, dstl_conv, hs3, zerosW)
    return _final(acc3, hs3, dis, b3.reshape(1, H), batch.reshape(N, 1),
                  Wl, bl.reshape(1, C))

# --- scband reference (transcript-rebuilt; emitter-appended) ---
"""Pipeline reference for scband-gcn-61280593379662 (READ-ONLY COPY).

The authoritative reference and input builder live on the scoring server;
editing this copy changes nothing except your own understanding.
"""

import jax, jax.numpy as jnp
import numpy as np

N = 10000
E = 320000
F_IN = 128
H = 64
C = 10
G = 128


def setup_inputs(seed: int = 0) -> dict:
    key = jax.random.key(seed)
    ks = jax.random.split(key, 12)
    x = jax.random.normal(ks[0], (N, F_IN), dtype=jnp.float32)
    edge_index = jax.random.randint(ks[1], (2, E), 0, N, dtype=jnp.int32)
    batch = jnp.sort(jax.random.randint(ks[2], (N,), 0, G, dtype=jnp.int32))
    W1 = jax.random.normal(ks[3], (F_IN, H), dtype=jnp.float32) * 0.05
    b1 = jnp.zeros((H,), dtype=jnp.float32)
    W2 = jax.random.normal(ks[4], (H, H), dtype=jnp.float32) * 0.05
    b2 = jnp.zeros((H,), dtype=jnp.float32)
    W3 = jax.random.normal(ks[5], (H, H), dtype=jnp.float32) * 0.05
    b3 = jnp.zeros((H,), dtype=jnp.float32)
    Wl = jax.random.normal(ks[6], (H, C), dtype=jnp.float32) * 0.05
    bl = jnp.zeros((C,), dtype=jnp.float32)
    return {"x": x, "edge_index": edge_index, "batch": batch,
            "W1": W1, "b1": b1, "W2": W2, "b2": b2, "W3": W3, "b3": b3,
            "Wl": Wl, "bl": bl}


def _gcn_norm(edge_index):
    # add self loops, compute symmetric normalization (GCN)
    loops = jnp.arange(N, dtype=edge_index.dtype)
    src = jnp.concatenate([edge_index[0], loops])
    dst = jnp.concatenate([edge_index[1], loops])
    ones = jnp.ones_like(src, dtype=jnp.float32)
    deg = jax.ops.segment_sum(ones, dst, num_segments=N)
    deg_inv_sqrt = jnp.where(deg > 0, jax.lax.rsqrt(jnp.maximum(deg, 1e-12)), 0.0)
    norm = deg_inv_sqrt[src] * deg_inv_sqrt[dst]
    return src, dst, norm


def _gcn_conv(x, src, dst, norm, W, b):
    h = x @ W
    msg = h[src] * norm[:, None]
    out = jax.ops.segment_sum(msg, dst, num_segments=N)
    return out + b


def reference(x, edge_index, batch, W1, b1, W2, b2, W3, b3, Wl, bl):
    src, dst, norm = _gcn_norm(edge_index)
    h = jax.nn.relu(_gcn_conv(x, src, dst, norm, W1, b1))
    h = jax.nn.relu(_gcn_conv(h, src, dst, norm, W2, b2))
    h = _gcn_conv(h, src, dst, norm, W3, b3)
    # global mean pool over graphs in batch
    sums = jax.ops.segment_sum(h, batch, num_segments=G)
    counts = jax.ops.segment_sum(jnp.ones((N,), dtype=jnp.float32), batch, num_segments=G)
    pooled = sums / jnp.maximum(counts, 1.0)[:, None]
    # dropout is identity at inference (training=False)
    return pooled @ Wl + bl

if __name__ == "__main__":
    import jax
    _d = setup_inputs()
    print(jax.jit(kernel)(*tuple(_d.values())))

</pallas_src>

<mosaic_0001>
#map = affine_map<(d0, d1) -> (0, 0, 0)>
#map1 = affine_map<(d0, d1) -> (0, 0, 0, 0, 0)>
#map2 = affine_map<(d0, d1) -> (0, 0)>
module attributes {stable_mosaic.version = 14 : i64} {
  func.func @_conv_body(%arg0: i32, %arg1: i32, %arg2: memref<16x250x80xi32, #tpu.memory_space<hbm>>, %arg3: memref<2x2x16x250x80xi32, #tpu.memory_space<hbm>>, %arg4: memref<10000x128xf32, #tpu.memory_space<hbm>>, %arg5: memref<160x128xf32, #tpu.memory_space<hbm>>, %arg6: memref<10240x128xf32, #tpu.memory_space<hbm>>, %arg7: memref<250x80xi32, #tpu.memory_space<vmem>>, %arg8: memref<250x80xi32, #tpu.memory_space<vmem>>, %arg9: memref<80x128xf32, #tpu.memory_space<vmem>>, %arg10: memref<160x128xf32, #tpu.memory_space<vmem>>, %arg11: memref<2568x128xf32, #tpu.memory_space<vmem_shared>>, %arg12: memref<!tpu.dma_semaphore, #tpu.memory_space<semaphore_mem>>) attributes {dimension_semantics = [#tpu.dimension_semantics<core_parallel>, #tpu.dimension_semantics<subcore_parallel>], iteration_bounds = array<i64: 2, 16>, scalar_prefetch = 0 : i64, scratch_operands = 6 : i64, tpu.core_type = #tpu.core_type<sc_vector_subcore>, window_params = [{transform_indices = #map}, {transform_indices = #map1}, {transform_indices = #map2}, {transform_indices = #map2}, {transform_indices = #map2}]} {
    "tpu.region"() ({
      %run_scoped3A_35 = tpu.sem_alloc : memref<!tpu.dma_semaphore, #tpu.memory_space<semaphore_mem>>
      %dma_start3A = arith.constant 0 : i32
      %dma_start3A_36 = arith.constant 0 : i32
      %dma_start3A_37 = tpu.memref_slice %arg2[%arg1, %dma_start3A, %dma_start3A_36] : memref<16x250x80xi32, #tpu.memory_space<hbm>> -> memref<1x250x80xi32, #tpu.memory_space<hbm>>
      %dma_start3A_38 = tpu.memref_squeeze %dma_start3A_37 : memref<1x250x80xi32, #tpu.memory_space<hbm>> -> memref<250x80xi32, #tpu.memory_space<hbm>>
      %dma_start3A_39 = arith.constant 0 : i32
      %dma_start3A_40 = arith.constant 0 : i32
      %dma_start3A_41 = tpu.memref_slice %arg2[%arg1, %dma_start3A_39, %dma_start3A_40] : memref<16x250x80xi32, #tpu.memory_space<hbm>> -> memref<1x250x80xi32, #tpu.memory_space<hbm>>
      %dma_start3A_42 = tpu.memref_squeeze %dma_start3A_41 : memref<1x250x80xi32, #tpu.memory_space<hbm>> -> memref<250x80xi32, #tpu.memory_space<hbm>>
      tpu.enqueue_dma source(%dma_start3A_42 : memref<250x80xi32, #tpu.memory_space<hbm>>) target(%arg7 : memref<250x80xi32, #tpu.memory_space<vmem>>) target_semaphore(%run_scoped3A_35 : memref<!tpu.dma_semaphore, #tpu.memory_space<semaphore_mem>>)
      %dma_wait3A = arith.constant 0 : i32
      %dma_wait3A_43 = arith.constant 0 : i32
      %dma_wait3A_44 = tpu.memref_slice %arg2[%arg1, %dma_wait3A, %dma_wait3A_43] : memref<16x250x80xi32, #tpu.memory_space<hbm>> -> memref<1x250x80xi32, #tpu.memory_space<hbm>>
      %dma_wait3A_45 = tpu.memref_squeeze %dma_wait3A_44 : memref<1x250x80xi32, #tpu.memory_space<hbm>> -> memref<250x80xi32, #tpu.memory_space<hbm>>
      %dma_wait3A_46 = arith.constant 0 : i32
      %dma_wait3A_47 = arith.constant 0 : i32
      %dma_wait3A_48 = tpu.memref_slice %arg2[%arg1, %dma_wait3A_46, %dma_wait3A_47] : memref<16x250x80xi32, #tpu.memory_space<hbm>> -> memref<1x250x80xi32, #tpu.memory_space<hbm>>
      %dma_wait3A_49 = tpu.memref_squeeze %dma_wait3A_48 : memref<1x250x80xi32, #tpu.memory_space<hbm>> -> memref<250x80xi32, #tpu.memory_space<hbm>>
      tpu.wait_dma2 semaphore(%run_scoped3A_35 : memref<!tpu.dma_semaphore, #tpu.memory_space<semaphore_mem>>) src(%dma_wait3A_49 : memref<250x80xi32, #tpu.memory_space<hbm>>) dst(%arg7 : memref<250x80xi32, #tpu.memory_space<vmem>>)
      tpu.yield
    }) : () -> ()
    %mul3A = arith.constant 5120 : i32
    %mul3A_0 = arith.muli %arg0, %mul3A : i32
    %add3A = arith.constant 0 : i32
    %add3A_1 = arith.addi %mul3A_0, %add3A : i32
    %run_scoped3A = arith.constant 0 : i32
    "tpu.region"() ({
      %run_scoped3A_35 = tpu.sem_alloc : memref<!tpu.dma_semaphore, #tpu.memory_space<semaphore_mem>>
      %dma_start3A = arith.constant 0 : i32
      %dma_start3A_36 = arith.constant 0 : i32
      %dma_start3A_37 = tpu.memref_slice %arg3[%arg0, %run_scoped3A, %arg1, %dma_start3A, %dma_start3A_36] : memref<2x2x16x250x80xi32, #tpu.memory_space<hbm>> -> memref<1x1x1x250x80xi32, #tpu.memory_space<hbm>>
      %dma_start3A_38 = tpu.memref_squeeze %dma_start3A_37 : memref<1x1x1x250x80xi32, #tpu.memory_space<hbm>> -> memref<250x80xi32, #tpu.memory_space<hbm>>
      %dma_start3A_39 = arith.constant 0 : i32
      %dma_start3A_40 = arith.constant 0 : i32
      %dma_start3A_41 = tpu.memref_slice %arg3[%arg0, %run_scoped3A, %arg1, %dma_start3A_39, %dma_start3A_40] : memref<2x2x16x250x80xi32, #tpu.memory_space<hbm>> -> memref<1x1x1x250x80xi32, #tpu.memory_space<hbm>>
      %dma_start3A_42 = tpu.memref_squeeze %dma_start3A_41 : memref<1x1x1x250x80xi32, #tpu.memory_space<hbm>> -> memref<250x80xi32, #tpu.memory_space<hbm>>
      tpu.enqueue_dma source(%dma_start3A_42 : memref<250x80xi32, #tpu.memory_space<hbm>>) target(%arg8 : memref<250x80xi32, #tpu.memory_space<vmem>>) target_semaphore(%run_scoped3A_35 : memref<!tpu.dma_semaphore, #tpu.memory_space<semaphore_mem>>)
      %dma_wait3A = arith.constant 0 : i32
      %dma_wait3A_43 = arith.constant 0 : i32
      %dma_wait3A_44 = tpu.memref_slice %arg3[%arg0, %run_scoped3A, %arg1, %dma_wait3A, %dma_wait3A_43] : memref<2x2x16x250x80xi32, #tpu.memory_space<hbm>> -> memref<1x1x1x250x80xi32, #tpu.memory_space<hbm>>
      %dma_wait3A_45 = tpu.memref_squeeze %dma_wait3A_44 : memref<1x1x1x250x80xi32, #tpu.memory_space<hbm>> -> memref<250x80xi32, #tpu.memory_space<hbm>>
      %dma_wait3A_46 = arith.constant 0 : i32
      %dma_wait3A_47 = arith.constant 0 : i32
      %dma_wait3A_48 = tpu.memref_slice %arg3[%arg0, %run_scoped3A, %arg1, %dma_wait3A_46, %dma_wait3A_47] : memref<2x2x16x250x80xi32, #tpu.memory_space<hbm>> -> memref<1x1x1x250x80xi32, #tpu.memory_space<hbm>>
      %dma_wait3A_49 = tpu.memref_squeeze %dma_wait3A_48 : memref<1x1x1x250x80xi32, #tpu.memory_space<hbm>> -> memref<250x80xi32, #tpu.memory_space<hbm>>
      tpu.wait_dma2 semaphore(%run_scoped3A_35 : memref<!tpu.dma_semaphore, #tpu.memory_space<semaphore_mem>>) src(%dma_wait3A_49 : memref<250x80xi32, #tpu.memory_space<hbm>>) dst(%arg8 : memref<250x80xi32, #tpu.memory_space<vmem>>)
      tpu.yield
    }) : () -> ()
    "tpu.region"() ({
      %run_scoped3A_35 = tpu.sem_alloc : memref<!tpu.dma_semaphore, #tpu.memory_space<semaphore_mem>>
      tpu.enqueue_dma source(%arg5 : memref<160x128xf32, #tpu.memory_space<hbm>>) target(%arg10 : memref<160x128xf32, #tpu.memory_space<vmem>>) target_semaphore(%run_scoped3A_35 : memref<!tpu.dma_semaphore, #tpu.memory_space<semaphore_mem>>)
      tpu.wait_dma2 semaphore(%run_scoped3A_35 : memref<!tpu.dma_semaphore, #tpu.memory_space<semaphore_mem>>) src(%arg5 : memref<160x128xf32, #tpu.memory_space<hbm>>) dst(%arg10 : memref<160x128xf32, #tpu.memory_space<vmem>>)
      tpu.yield
    }) : () -> ()
    %mul3A_2 = arith.constant 160 : i32
    %mul3A_3 = arith.muli %arg1, %mul3A_2 : i32
    "tpu.region"() ({
      %run_scoped3A_35 = tpu.sem_alloc : memref<!tpu.dma_semaphore, #tpu.memory_space<semaphore_mem>>
      %dma_start3A = arith.constant 0 : i32
      %dma_start3A_36 = tpu.memref_slice %arg11[%mul3A_3, %dma_start3A] : memref<2568x128xf32, #tpu.memory_space<vmem_shared>> -> memref<160x128xf32, #tpu.memory_space<vmem_shared>>
      %dma_start3A_37 = arith.constant 0 : i32
      %dma_start3A_38 = tpu.memref_slice %arg11[%mul3A_3, %dma_start3A_37] : memref<2568x128xf32, #tpu.memory_space<vmem_shared>> -> memref<160x128xf32, #tpu.memory_space<vmem_shared>>
      tpu.enqueue_dma source(%arg10 : memref<160x128xf32, #tpu.memory_space<vmem>>) target(%dma_start3A_38 : memref<160x128xf32, #tpu.memory_space<vmem_shared>>) target_semaphore(%run_scoped3A_35 : memref<!tpu.dma_semaphore, #tpu.memory_space<semaphore_mem>>)
      %dma_wait3A = arith.constant 0 : i32
      %dma_wait3A_39 = tpu.memref_slice %arg11[%mul3A_3, %dma_wait3A] : memref<2568x128xf32, #tpu.memory_space<vmem_shared>> -> memref<160x128xf32, #tpu.memory_space<vmem_shared>>
      %dma_wait3A_40 = arith.constant 0 : i32
      %dma_wait3A_41 = tpu.memref_slice %arg11[%mul3A_3, %dma_wait3A_40] : memref<2568x128xf32, #tpu.memory_space<vmem_shared>> -> memref<160x128xf32, #tpu.memory_space<vmem_shared>>
      tpu.wait_dma2 semaphore(%run_scoped3A_35 : memref<!tpu.dma_semaphore, #tpu.memory_space<semaphore_mem>>) src(%arg10 : memref<160x128xf32, #tpu.memory_space<vmem>>) dst(%dma_wait3A_41 : memref<160x128xf32, #tpu.memory_space<vmem_shared>>)
      tpu.yield
    }) : () -> ()
    %barrier3A = arith.constant 0 : index
    tpu.barrier barrier_id(%barrier3A)
    %scan3A = arith.constant 0 : i32
    %scan3A_4 = arith.constant 0 : i32
    %scan3A_5 = arith.constant 250 : i32
    %scan3A_6 = arith.addi %scan3A_4, %scan3A_5 : i32
    %scan3A_7 = arith.constant 1 : i32
    scf.for %scan3A_35 = %scan3A_4 to %scan3A_6 step %scan3A_7  : i32 {
      %dma_start3A = arith.constant 0 : i32
      %dma_start3A_36 = tpu.memref_slice %arg7[%scan3A_35, %dma_start3A] : memref<250x80xi32, #tpu.memory_space<vmem>> -> memref<1x80xi32, #tpu.memory_space<vmem>>
      %dma_start3A_37 = tpu.memref_squeeze %dma_start3A_36 : memref<1x80xi32, #tpu.memory_space<vmem>> -> memref<80xi32, #tpu.memory_space<vmem>>
      %dma_start3A_38 = arith.constant 0 : i32
      %dma_start3A_39 = arith.constant 0 : i32
      %dma_start3A_40 = tpu.memref_slice %arg4[%dma_start3A_38, %dma_start3A_39] : memref<10000x128xf32, #tpu.memory_space<hbm>> -> memref<10000x128xf32, #tpu.memory_space<hbm>>
      tpu.enqueue_indirect_dma source(%dma_start3A_40 : memref<10000x128xf32, #tpu.memory_space<hbm>>) target(%arg9 : memref<80x128xf32, #tpu.memory_space<vmem>>) offsets(%dma_start3A_37 : memref<80xi32, #tpu.memory_space<vmem>>) semaphore(%arg12 : memref<!tpu.dma_semaphore, #tpu.memory_space<semaphore_mem>>)
      %dma_wait3A = arith.constant 0 : i32
      %dma_wait3A_41 = tpu.memref_slice %arg7[%scan3A_35, %dma_wait3A] : memref<250x80xi32, #tpu.memory_space<vmem>> -> memref<1x80xi32, #tpu.memory_space<vmem>>
      %dma_wait3A_42 = tpu.memref_squeeze %dma_wait3A_41 : memref<1x80xi32, #tpu.memory_space<vmem>> -> memref<80xi32, #tpu.memory_space<vmem>>
      %dma_wait3A_43 = arith.constant 0 : i32
      %dma_wait3A_44 = arith.constant 0 : i32
      %dma_wait3A_45 = tpu.memref_slice %arg4[%dma_wait3A_43, %dma_wait3A_44] : memref<10000x128xf32, #tpu.memory_space<hbm>> -> memref<10000x128xf32, #tpu.memory_space<hbm>>
      tpu.wait_indirect_dma semaphore(%arg12 : memref<!tpu.dma_semaphore, #tpu.memory_space<semaphore_mem>>) src(%dma_wait3A_45 : memref<10000x128xf32, #tpu.memory_space<hbm>>) dst(%arg9 : memref<80x128xf32, #tpu.memory_space<vmem>>)
      "tpu.region"() ({
        %run_scoped3A_46 = tpu.sem_alloc : memref<!tpu.dma_semaphore, #tpu.memory_space<semaphore_mem>>
        %dma_start3A_47 = arith.constant 0 : i32
        %dma_start3A_48 = tpu.memref_slice %arg8[%scan3A_35, %dma_start3A_47] : memref<250x80xi32, #tpu.memory_space<vmem>> -> memref<1x80xi32, #tpu.memory_space<vmem>>
        %dma_start3A_49 = tpu.memref_squeeze %dma_start3A_48 : memref<1x80xi32, #tpu.memory_space<vmem>> -> memref<80xi32, #tpu.memory_space<vmem>>
        %dma_start3A_50 = arith.constant 0 : i32
        %dma_start3A_51 = arith.constant 0 : i32
        %dma_start3A_52 = tpu.memref_slice %arg11[%dma_start3A_50, %dma_start3A_51] : memref<2568x128xf32, #tpu.memory_space<vmem_shared>> -> memref<2568x128xf32, #tpu.memory_space<vmem_shared>>
        tpu.enqueue_indirect_dma source(%arg9 : memref<80x128xf32, #tpu.memory_space<vmem>>) target(%dma_start3A_52 : memref<2568x128xf32, #tpu.memory_space<vmem_shared>>) offsets(%dma_start3A_49 : memref<80xi32, #tpu.memory_space<vmem>>) semaphore(%run_scoped3A_46 : memref<!tpu.dma_semaphore, #tpu.memory_space<semaphore_mem>>) {add = true}
        %dma_wait3A_53 = arith.constant 0 : i32
        %dma_wait3A_54 = tpu.memref_slice %arg8[%scan3A_35, %dma_wait3A_53] : memref<250x80xi32, #tpu.memory_space<vmem>> -> memref<1x80xi32, #tpu.memory_space<vmem>>
        %dma_wait3A_55 = tpu.memref_squeeze %dma_wait3A_54 : memref<1x80xi32, #tpu.memory_space<vmem>> -> memref<80xi32, #tpu.memory_space<vmem>>
        %dma_wait3A_56 = arith.constant 0 : i32
        %dma_wait3A_57 = arith.constant 0 : i32
        %dma_wait3A_58 = tpu.memref_slice %arg11[%dma_wait3A_56, %dma_wait3A_57] : memref<2568x128xf32, #tpu.memory_space<vmem_shared>> -> memref<2568x128xf32, #tpu.memory_space<vmem_shared>>
        tpu.wait_indirect_dma semaphore(%run_scoped3A_46 : memref<!tpu.dma_semaphore, #tpu.memory_space<semaphore_mem>>) src(%arg9 : memref<80x128xf32, #tpu.memory_space<vmem>>) dst(%dma_wait3A_58 : memref<2568x128xf32, #tpu.memory_space<vmem_shared>>)
        tpu.yield
      }) : () -> ()
    }
    %scan3A_8 = arith.constant 250 : i32
    %barrier3A_9 = arith.constant 0 : index
    tpu.barrier barrier_id(%barrier3A_9)
    %mul3A_10 = arith.constant 160 : i32
    %mul3A_11 = arith.muli %arg1, %mul3A_10 : i32
    "tpu.region"() ({
      %run_scoped3A_35 = tpu.sem_alloc : memref<!tpu.dma_semaphore, #tpu.memory_space<semaphore_mem>>
      %dma_start3A = arith.constant 0 : i32
      %dma_start3A_36 = tpu.memref_slice %arg11[%mul3A_11, %dma_start3A] : memref<2568x128xf32, #tpu.memory_space<vmem_shared>> -> memref<160x128xf32, #tpu.memory_space<vmem_shared>>
      %dma_start3A_37 = arith.constant 0 : i32
      %dma_start3A_38 = tpu.memref_slice %arg11[%mul3A_11, %dma_start3A_37] : memref<2568x128xf32, #tpu.memory_space<vmem_shared>> -> memref<160x128xf32, #tpu.memory_space<vmem_shared>>
      tpu.enqueue_dma source(%dma_start3A_38 : memref<160x128xf32, #tpu.memory_space<vmem_shared>>) target(%arg10 : memref<160x128xf32, #tpu.memory_space<vmem>>) target_semaphore(%run_scoped3A_35 : memref<!tpu.dma_semaphore, #tpu.memory_space<semaphore_mem>>)
      %dma_wait3A = arith.constant 0 : i32
      %dma_wait3A_39 = tpu.memref_slice %arg11[%mul3A_11, %dma_wait3A] : memref<2568x128xf32, #tpu.memory_space<vmem_shared>> -> memref<160x128xf32, #tpu.memory_space<vmem_shared>>
      %dma_wait3A_40 = arith.constant 0 : i32
      %dma_wait3A_41 = tpu.memref_slice %arg11[%mul3A_11, %dma_wait3A_40] : memref<2568x128xf32, #tpu.memory_space<vmem_shared>> -> memref<160x128xf32, #tpu.memory_space<vmem_shared>>
      tpu.wait_dma2 semaphore(%run_scoped3A_35 : memref<!tpu.dma_semaphore, #tpu.memory_space<semaphore_mem>>) src(%dma_wait3A_41 : memref<160x128xf32, #tpu.memory_space<vmem_shared>>) dst(%arg10 : memref<160x128xf32, #tpu.memory_space<vmem>>)
      tpu.yield
    }) : () -> ()
    %mul3A_12 = arith.constant 160 : i32
    %mul3A_13 = arith.muli %arg1, %mul3A_12 : i32
    %add3A_14 = arith.addi %add3A_1, %mul3A_13 : i32
    "tpu.region"() ({
      %run_scoped3A_35 = tpu.sem_alloc : memref<!tpu.dma_semaphore, #tpu.memory_space<semaphore_mem>>
      %dma_start3A = arith.constant 0 : i32
      %dma_start3A_36 = tpu.memref_slice %arg6[%add3A_14, %dma_start3A] : memref<10240x128xf32, #tpu.memory_space<hbm>> -> memref<160x128xf32, #tpu.memory_space<hbm>>
      %dma_start3A_37 = arith.constant 0 : i32
      %dma_start3A_38 = tpu.memref_slice %arg6[%add3A_14, %dma_start3A_37] : memref<10240x128xf32, #tpu.memory_space<hbm>> -> memref<160x128xf32, #tpu.memory_space<hbm>>
      tpu.enqueue_dma source(%arg10 : memref<160x128xf32, #tpu.memory_space<vmem>>) target(%dma_start3A_38 : memref<160x128xf32, #tpu.memory_space<hbm>>) target_semaphore(%run_scoped3A_35 : memref<!tpu.dma_semaphore, #tpu.memory_space<semaphore_mem>>)
      %dma_wait3A = arith.constant 0 : i32
      %dma_wait3A_39 = tpu.memref_slice %arg6[%add3A_14, %dma_wait3A] : memref<10240x128xf32, #tpu.memory_space<hbm>> -> memref<160x128xf32, #tpu.memory_space<hbm>>
      %dma_wait3A_40 = arith.constant 0 : i32
      %dma_wait3A_41 = tpu.memref_slice %arg6[%add3A_14, %dma_wait3A_40] : memref<10240x128xf32, #tpu.memory_space<hbm>> -> memref<160x128xf32, #tpu.memory_space<hbm>>
      tpu.wait_dma2 semaphore(%run_scoped3A_35 : memref<!tpu.dma_semaphore, #tpu.memory_space<semaphore_mem>>) src(%arg10 : memref<160x128xf32, #tpu.memory_space<vmem>>) dst(%dma_wait3A_41 : memref<160x128xf32, #tpu.memory_space<hbm>>)
      tpu.yield
    }) : () -> ()
    %mul3A_15 = arith.constant 5120 : i32
    %mul3A_16 = arith.muli %arg0, %mul3A_15 : i32
    %add3A_17 = arith.constant 2560 : i32
    %add3A_18 = arith.addi %mul3A_16, %add3A_17 : i32
    %run_scoped3A_19 = arith.constant 1 : i32
    "tpu.region"() ({
      %run_scoped3A_35 = tpu.sem_alloc : memref<!tpu.dma_semaphore, #tpu.memory_space<semaphore_mem>>
      %dma_start3A = arith.constant 0 : i32
      %dma_start3A_36 = arith.constant 0 : i32
      %dma_start3A_37 = tpu.memref_slice %arg3[%arg0, %run_scoped3A_19, %arg1, %dma_start3A, %dma_start3A_36] : memref<2x2x16x250x80xi32, #tpu.memory_space<hbm>> -> memref<1x1x1x250x80xi32, #tpu.memory_space<hbm>>
      %dma_start3A_38 = tpu.memref_squeeze %dma_start3A_37 : memref<1x1x1x250x80xi32, #tpu.memory_space<hbm>> -> memref<250x80xi32, #tpu.memory_space<hbm>>
      %dma_start3A_39 = arith.constant 0 : i32
      %dma_start3A_40 = arith.constant 0 : i32
      %dma_start3A_41 = tpu.memref_slice %arg3[%arg0, %run_scoped3A_19, %arg1, %dma_start3A_39, %dma_start3A_40] : memref<2x2x16x250x80xi32, #tpu.memory_space<hbm>> -> memref<1x1x1x250x80xi32, #tpu.memory_space<hbm>>
      %dma_start3A_42 = tpu.memref_squeeze %dma_start3A_41 : memref<1x1x1x250x80xi32, #tpu.memory_space<hbm>> -> memref<250x80xi32, #tpu.memory_space<hbm>>
      tpu.enqueue_dma source(%dma_start3A_42 : memref<250x80xi32, #tpu.memory_space<hbm>>) target(%arg8 : memref<250x80xi32, #tpu.memory_space<vmem>>) target_semaphore(%run_scoped3A_35 : memref<!tpu.dma_semaphore, #tpu.memory_space<semaphore_mem>>)
      %dma_wait3A = arith.constant 0 : i32
      %dma_wait3A_43 = arith.constant 0 : i32
      %dma_wait3A_44 = tpu.memref_slice %arg3[%arg0, %run_scoped3A_19, %arg1, %dma_wait3A, %dma_wait3A_43] : memref<2x2x16x250x80xi32, #tpu.memory_space<hbm>> -> memref<1x1x1x250x80xi32, #tpu.memory_space<hbm>>
      %dma_wait3A_45 = tpu.memref_squeeze %dma_wait3A_44 : memref<1x1x1x250x80xi32, #tpu.memory_space<hbm>> -> memref<250x80xi32, #tpu.memory_space<hbm>>
      %dma_wait3A_46 = arith.constant 0 : i32
      %dma_wait3A_47 = arith.constant 0 : i32
      %dma_wait3A_48 = tpu.memref_slice %arg3[%arg0, %run_scoped3A_19, %arg1, %dma_wait3A_46, %dma_wait3A_47] : memref<2x2x16x250x80xi32, #tpu.memory_space<hbm>> -> memref<1x1x1x250x80xi32, #tpu.memory_space<hbm>>
      %dma_wait3A_49 = tpu.memref_squeeze %dma_wait3A_48 : memref<1x1x1x250x80xi32, #tpu.memory_space<hbm>> -> memref<250x80xi32, #tpu.memory_space<hbm>>
      tpu.wait_dma2 semaphore(%run_scoped3A_35 : memref<!tpu.dma_semaphore, #tpu.memory_space<semaphore_mem>>) src(%dma_wait3A_49 : memref<250x80xi32, #tpu.memory_space<hbm>>) dst(%arg8 : memref<250x80xi32, #tpu.memory_space<vmem>>)
      tpu.yield
    }) : () -> ()
    "tpu.region"() ({
      %run_scoped3A_35 = tpu.sem_alloc : memref<!tpu.dma_semaphore, #tpu.memory_space<semaphore_mem>>
      tpu.enqueue_dma source(%arg5 : memref<160x128xf32, #tpu.memory_space<hbm>>) target(%arg10 : memref<160x128xf32, #tpu.memory_space<vmem>>) target_semaphore(%run_scoped3A_35 : memref<!tpu.dma_semaphore, #tpu.memory_space<semaphore_mem>>)
      tpu.wait_dma2 semaphore(%run_scoped3A_35 : memref<!tpu.dma_semaphore, #tpu.memory_space<semaphore_mem>>) src(%arg5 : memref<160x128xf32, #tpu.memory_space<hbm>>) dst(%arg10 : memref<160x128xf32, #tpu.memory_space<vmem>>)
      tpu.yield
    }) : () -> ()
    %mul3A_20 = arith.constant 160 : i32
    %mul3A_21 = arith.muli %arg1, %mul3A_20 : i32
    "tpu.region"() ({
      %run_scoped3A_35 = tpu.sem_alloc : memref<!tpu.dma_semaphore, #tpu.memory_space<semaphore_mem>>
      %dma_start3A = arith.constant 0 : i32
      %dma_start3A_36 = tpu.memref_slice %arg11[%mul3A_21, %dma_start3A] : memref<2568x128xf32, #tpu.memory_space<vmem_shared>> -> memref<160x128xf32, #tpu.memory_space<vmem_shared>>
      %dma_start3A_37 = arith.constant 0 : i32
      %dma_start3A_38 = tpu.memref_slice %arg11[%mul3A_21, %dma_start3A_37] : memref<2568x128xf32, #tpu.memory_space<vmem_shared>> -> memref<160x128xf32, #tpu.memory_space<vmem_shared>>
      tpu.enqueue_dma source(%arg10 : memref<160x128xf32, #tpu.memory_space<vmem>>) target(%dma_start3A_38 : memref<160x128xf32, #tpu.memory_space<vmem_shared>>) target_semaphore(%run_scoped3A_35 : memref<!tpu.dma_semaphore, #tpu.memory_space<semaphore_mem>>)
      %dma_wait3A = arith.constant 0 : i32
      %dma_wait3A_39 = tpu.memref_slice %arg11[%mul3A_21, %dma_wait3A] : memref<2568x128xf32, #tpu.memory_space<vmem_shared>> -> memref<160x128xf32, #tpu.memory_space<vmem_shared>>
      %dma_wait3A_40 = arith.constant 0 : i32
      %dma_wait3A_41 = tpu.memref_slice %arg11[%mul3A_21, %dma_wait3A_40] : memref<2568x128xf32, #tpu.memory_space<vmem_shared>> -> memref<160x128xf32, #tpu.memory_space<vmem_shared>>
      tpu.wait_dma2 semaphore(%run_scoped3A_35 : memref<!tpu.dma_semaphore, #tpu.memory_space<semaphore_mem>>) src(%arg10 : memref<160x128xf32, #tpu.memory_space<vmem>>) dst(%dma_wait3A_41 : memref<160x128xf32, #tpu.memory_space<vmem_shared>>)
      tpu.yield
    }) : () -> ()
    %barrier3A_22 = arith.constant 0 : index
    tpu.barrier barrier_id(%barrier3A_22)
    %scan3A_23 = arith.constant 0 : i32
    %scan3A_24 = arith.constant 0 : i32
    %scan3A_25 = arith.constant 250 : i32
    %scan3A_26 = arith.addi %scan3A_24, %scan3A_25 : i32
    %scan3A_27 = arith.constant 1 : i32
    scf.for %scan3A_35 = %scan3A_24 to %scan3A_26 step %scan3A_27  : i32 {
      %dma_start3A = arith.constant 0 : i32
      %dma_start3A_36 = tpu.memref_slice %arg7[%scan3A_35, %dma_start3A] : memref<250x80xi32, #tpu.memory_space<vmem>> -> memref<1x80xi32, #tpu.memory_space<vmem>>
      %dma_start3A_37 = tpu.memref_squeeze %dma_start3A_36 : memref<1x80xi32, #tpu.memory_space<vmem>> -> memref<80xi32, #tpu.memory_space<vmem>>
      %dma_start3A_38 = arith.constant 0 : i32
      %dma_start3A_39 = arith.constant 0 : i32
      %dma_start3A_40 = tpu.memref_slice %arg4[%dma_start3A_38, %dma_start3A_39] : memref<10000x128xf32, #tpu.memory_space<hbm>> -> memref<10000x128xf32, #tpu.memory_space<hbm>>
      tpu.enqueue_indirect_dma source(%dma_start3A_40 : memref<10000x128xf32, #tpu.memory_space<hbm>>) target(%arg9 : memref<80x128xf32, #tpu.memory_space<vmem>>) offsets(%dma_start3A_37 : memref<80xi32, #tpu.memory_space<vmem>>) semaphore(%arg12 : memref<!tpu.dma_semaphore, #tpu.memory_space<semaphore_mem>>)
      %dma_wait3A = arith.constant 0 : i32
      %dma_wait3A_41 = tpu.memref_slice %arg7[%scan3A_35, %dma_wait3A] : memref<250x80xi32, #tpu.memory_space<vmem>> -> memref<1x80xi32, #tpu.memory_space<vmem>>
      %dma_wait3A_42 = tpu.memref_squeeze %dma_wait3A_41 : memref<1x80xi32, #tpu.memory_space<vmem>> -> memref<80xi32, #tpu.memory_space<vmem>>
      %dma_wait3A_43 = arith.constant 0 : i32
      %dma_wait3A_44 = arith.constant 0 : i32
      %dma_wait3A_45 = tpu.memref_slice %arg4[%dma_wait3A_43, %dma_wait3A_44] : memref<10000x128xf32, #tpu.memory_space<hbm>> -> memref<10000x128xf32, #tpu.memory_space<hbm>>
      tpu.wait_indirect_dma semaphore(%arg12 : memref<!tpu.dma_semaphore, #tpu.memory_space<semaphore_mem>>) src(%dma_wait3A_45 : memref<10000x128xf32, #tpu.memory_space<hbm>>) dst(%arg9 : memref<80x128xf32, #tpu.memory_space<vmem>>)
      "tpu.region"() ({
        %run_scoped3A_46 = tpu.sem_alloc : memref<!tpu.dma_semaphore, #tpu.memory_space<semaphore_mem>>
        %dma_start3A_47 = arith.constant 0 : i32
        %dma_start3A_48 = tpu.memref_slice %arg8[%scan3A_35, %dma_start3A_47] : memref<250x80xi32, #tpu.memory_space<vmem>> -> memref<1x80xi32, #tpu.memory_space<vmem>>
        %dma_start3A_49 = tpu.memref_squeeze %dma_start3A_48 : memref<1x80xi32, #tpu.memory_space<vmem>> -> memref<80xi32, #tpu.memory_space<vmem>>
        %dma_start3A_50 = arith.constant 0 : i32
        %dma_start3A_51 = arith.constant 0 : i32
        %dma_start3A_52 = tpu.memref_slice %arg11[%dma_start3A_50, %dma_start3A_51] : memref<2568x128xf32, #tpu.memory_space<vmem_shared>> -> memref<2568x128xf32, #tpu.memory_space<vmem_shared>>
        tpu.enqueue_indirect_dma source(%arg9 : memref<80x128xf32, #tpu.memory_space<vmem>>) target(%dma_start3A_52 : memref<2568x128xf32, #tpu.memory_space<vmem_shared>>) offsets(%dma_start3A_49 : memref<80xi32, #tpu.memory_space<vmem>>) semaphore(%run_scoped3A_46 : memref<!tpu.dma_semaphore, #tpu.memory_space<semaphore_mem>>) {add = true}
        %dma_wait3A_53 = arith.constant 0 : i32
        %dma_wait3A_54 = tpu.memref_slice %arg8[%scan3A_35, %dma_wait3A_53] : memref<250x80xi32, #tpu.memory_space<vmem>> -> memref<1x80xi32, #tpu.memory_space<vmem>>
        %dma_wait3A_55 = tpu.memref_squeeze %dma_wait3A_54 : memref<1x80xi32, #tpu.memory_space<vmem>> -> memref<80xi32, #tpu.memory_space<vmem>>
        %dma_wait3A_56 = arith.constant 0 : i32
        %dma_wait3A_57 = arith.constant 0 : i32
        %dma_wait3A_58 = tpu.memref_slice %arg11[%dma_wait3A_56, %dma_wait3A_57] : memref<2568x128xf32, #tpu.memory_space<vmem_shared>> -> memref<2568x128xf32, #tpu.memory_space<vmem_shared>>
        tpu.wait_indirect_dma semaphore(%run_scoped3A_46 : memref<!tpu.dma_semaphore, #tpu.memory_space<semaphore_mem>>) src(%arg9 : memref<80x128xf32, #tpu.memory_space<vmem>>) dst(%dma_wait3A_58 : memref<2568x128xf32, #tpu.memory_space<vmem_shared>>)
        tpu.yield
      }) : () -> ()
    }
    %scan3A_28 = arith.constant 250 : i32
    %barrier3A_29 = arith.constant 0 : index
    tpu.barrier barrier_id(%barrier3A_29)
    %mul3A_30 = arith.constant 160 : i32
    %mul3A_31 = arith.muli %arg1, %mul3A_30 : i32
    "tpu.region"() ({
      %run_scoped3A_35 = tpu.sem_alloc : memref<!tpu.dma_semaphore, #tpu.memory_space<semaphore_mem>>
      %dma_start3A = arith.constant 0 : i32
      %dma_start3A_36 = tpu.memref_slice %arg11[%mul3A_31, %dma_start3A] : memref<2568x128xf32, #tpu.memory_space<vmem_shared>> -> memref<160x128xf32, #tpu.memory_space<vmem_shared>>
      %dma_start3A_37 = arith.constant 0 : i32
      %dma_start3A_38 = tpu.memref_slice %arg11[%mul3A_31, %dma_start3A_37] : memref<2568x128xf32, #tpu.memory_space<vmem_shared>> -> memref<160x128xf32, #tpu.memory_space<vmem_shared>>
      tpu.enqueue_dma source(%dma_start3A_38 : memref<160x128xf32, #tpu.memory_space<vmem_shared>>) target(%arg10 : memref<160x128xf32, #tpu.memory_space<vmem>>) target_semaphore(%run_scoped3A_35 : memref<!tpu.dma_semaphore, #tpu.memory_space<semaphore_mem>>)
      %dma_wait3A = arith.constant 0 : i32
      %dma_wait3A_39 = tpu.memref_slice %arg11[%mul3A_31, %dma_wait3A] : memref<2568x128xf32, #tpu.memory_space<vmem_shared>> -> memref<160x128xf32, #tpu.memory_space<vmem_shared>>
      %dma_wait3A_40 = arith.constant 0 : i32
      %dma_wait3A_41 = tpu.memref_slice %arg11[%mul3A_31, %dma_wait3A_40] : memref<2568x128xf32, #tpu.memory_space<vmem_shared>> -> memref<160x128xf32, #tpu.memory_space<vmem_shared>>
      tpu.wait_dma2 semaphore(%run_scoped3A_35 : memref<!tpu.dma_semaphore, #tpu.memory_space<semaphore_mem>>) src(%dma_wait3A_41 : memref<160x128xf32, #tpu.memory_space<vmem_shared>>) dst(%arg10 : memref<160x128xf32, #tpu.memory_space<vmem>>)
      tpu.yield
    }) : () -> ()
    %mul3A_32 = arith.constant 160 : i32
    %mul3A_33 = arith.muli %arg1, %mul3A_32 : i32
    %add3A_34 = arith.addi %add3A_18, %mul3A_33 : i32
    "tpu.region"() ({
      %run_scoped3A_35 = tpu.sem_alloc : memref<!tpu.dma_semaphore, #tpu.memory_space<semaphore_mem>>
      %dma_start3A = arith.constant 0 : i32
      %dma_start3A_36 = tpu.memref_slice %arg6[%add3A_34, %dma_start3A] : memref<10240x128xf32, #tpu.memory_space<hbm>> -> memref<160x128xf32, #tpu.memory_space<hbm>>
      %dma_start3A_37 = arith.constant 0 : i32
      %dma_start3A_38 = tpu.memref_slice %arg6[%add3A_34, %dma_start3A_37] : memref<10240x128xf32, #tpu.memory_space<hbm>> -> memref<160x128xf32, #tpu.memory_space<hbm>>
      tpu.enqueue_dma source(%arg10 : memref<160x128xf32, #tpu.memory_space<vmem>>) target(%dma_start3A_38 : memref<160x128xf32, #tpu.memory_space<hbm>>) target_semaphore(%run_scoped3A_35 : memref<!tpu.dma_semaphore, #tpu.memory_space<semaphore_mem>>)
      %dma_wait3A = arith.constant 0 : i32
      %dma_wait3A_39 = tpu.memref_slice %arg6[%add3A_34, %dma_wait3A] : memref<10240x128xf32, #tpu.memory_space<hbm>> -> memref<160x128xf32, #tpu.memory_space<hbm>>
      %dma_wait3A_40 = arith.constant 0 : i32
      %dma_wait3A_41 = tpu.memref_slice %arg6[%add3A_34, %dma_wait3A_40] : memref<10240x128xf32, #tpu.memory_space<hbm>> -> memref<160x128xf32, #tpu.memory_space<hbm>>
      tpu.wait_dma2 semaphore(%run_scoped3A_35 : memref<!tpu.dma_semaphore, #tpu.memory_space<semaphore_mem>>) src(%arg10 : memref<160x128xf32, #tpu.memory_space<vmem>>) dst(%dma_wait3A_41 : memref<160x128xf32, #tpu.memory_space<hbm>>)
      tpu.yield
    }) : () -> ()
    return
  }
}

#map = affine_map<(d0, d1) -> (0, 0, 0)>
#map1 = affine_map<(d0, d1) -> (0, 0, 0, 0, 0)>
#map2 = affine_map<(d0, d1) -> (0, 0)>
module attributes {stable_mosaic.version = 14 : i64} {
  func.func @_conv_body(%arg0: i32, %arg1: i32, %arg2: memref<16x250x80xi32, #tpu.memory_space<hbm>>, %arg3: memref<2x2x16x250x80xi32, #tpu.memory_space<hbm>>, %arg4: memref<10000x128xf32, #tpu.memory_space<hbm>>, %arg5: memref<160x128xf32, #tpu.memory_space<hbm>>, %arg6: memref<10240x128xf32, #tpu.memory_space<hbm>>, %arg7: memref<250x80xi32, #tpu.memory_space<vmem>>, %arg8: memref<250x80xi32, #tpu.memory_space<vmem>>, %arg9: memref<80x128xf32, #tpu.memory_space<vmem>>, %arg10: memref<160x128xf32, #tpu.memory_space<vmem>>, %arg11: memref<2568x128xf32, #tpu.memory_space<vmem_shared>>, %arg12: memref<!tpu.dma_semaphore, #tpu.memory_space<semaphore_mem>>) attributes {dimension_semantics = [#tpu.dimension_semantics<core_parallel>, #tpu.dimension_semantics<subcore_parallel>], iteration_bounds = array<i64: 2, 16>, scalar_prefetch = 0 : i64, scratch_operands = 6 : i64, tpu.core_type = #tpu.core_type<sc_vector_subcore>, window_params = [{transform_indices = #map}, {transform_indices = #map1}, {transform_indices = #map2}, {transform_indices = #map2}, {transform_indices = #map2}]} {
    "tpu.region"() ({
      %run_scoped3A_35 = tpu.sem_alloc : memref<!tpu.dma_semaphore, #tpu.memory_space<semaphore_mem>>
      %dma_start3A = arith.constant 0 : i32
      %dma_start3A_36 = arith.constant 0 : i32
      %dma_start3A_37 = tpu.memref_slice %arg2[%arg1, %dma_start3A, %dma_start3A_36] : memref<16x250x80xi32, #tpu.memory_space<hbm>> -> memref<1x250x80xi32, #tpu.memory_space<hbm>>
      %dma_start3A_38 = tpu.memref_squeeze %dma_start3A_37 : memref<1x250x80xi32, #tpu.memory_space<hbm>> -> memref<250x80xi32, #tpu.memory_space<hbm>>
      %dma_start3A_39 = arith.constant 0 : i32
      %dma_start3A_40 = arith.constant 0 : i32
      %dma_start3A_41 = tpu.memref_slice %arg2[%arg1, %dma_start3A_39, %dma_start3A_40] : memref<16x250x80xi32, #tpu.memory_space<hbm>> -> memref<1x250x80xi32, #tpu.memory_space<hbm>>
      %dma_start3A_42 = tpu.memref_squeeze %dma_start3A_41 : memref<1x250x80xi32, #tpu.memory_space<hbm>> -> memref<250x80xi32, #tpu.memory_space<hbm>>
      tpu.enqueue_dma source(%dma_start3A_42 : memref<250x80xi32, #tpu.memory_space<hbm>>) target(%arg7 : memref<250x80xi32, #tpu.memory_space<vmem>>) target_semaphore(%run_scoped3A_35 : memref<!tpu.dma_semaphore, #tpu.memory_space<semaphore_mem>>)
      %dma_wait3A = arith.constant 0 : i32
      %dma_wait3A_43 = arith.constant 0 : i32
      %dma_wait3A_44 = tpu.memref_slice %arg2[%arg1, %dma_wait3A, %dma_wait3A_43] : memref<16x250x80xi32, #tpu.memory_space<hbm>> -> memref<1x250x80xi32, #tpu.memory_space<hbm>>
      %dma_wait3A_45 = tpu.memref_squeeze %dma_wait3A_44 : memref<1x250x80xi32, #tpu.memory_space<hbm>> -> memref<250x80xi32, #tpu.memory_space<hbm>>
      %dma_wait3A_46 = arith.constant 0 : i32
      %dma_wait3A_47 = arith.constant 0 : i32
      %dma_wait3A_48 = tpu.memref_slice %arg2[%arg1, %dma_wait3A_46, %dma_wait3A_47] : memref<16x250x80xi32, #tpu.memory_space<hbm>> -> memref<1x250x80xi32, #tpu.memory_space<hbm>>
      %dma_wait3A_49 = tpu.memref_squeeze %dma_wait3A_48 : memref<1x250x80xi32, #tpu.memory_space<hbm>> -> memref<250x80xi32, #tpu.memory_space<hbm>>
      tpu.wait_dma2 semaphore(%run_scoped3A_35 : memref<!tpu.dma_semaphore, #tpu.memory_space<semaphore_mem>>) src(%dma_wait3A_49 : memref<250x80xi32, #tpu.memory_space<hbm>>) dst(%arg7 : memref<250x80xi32, #tpu.memory_space<vmem>>)
      tpu.yield
    }) : () -> ()
    %mul3A = arith.constant 5120 : i32
    %mul3A_0 = arith.muli %arg0, %mul3A : i32
    %add3A = arith.constant 0 : i32
    %add3A_1 = arith.addi %mul3A_0, %add3A : i32
    %run_scoped3A = arith.constant 0 : i32
    "tpu.region"() ({
      %run_scoped3A_35 = tpu.sem_alloc : memref<!tpu.dma_semaphore, #tpu.memory_space<semaphore_mem>>
      %dma_start3A = arith.constant 0 : i32
      %dma_start3A_36 = arith.constant 0 : i32
      %dma_start3A_37 = tpu.memref_slice %arg3[%arg0, %run_scoped3A, %arg1, %dma_start3A, %dma_start3A_36] : memref<2x2x16x250x80xi32, #tpu.memory_space<hbm>> -> memref<1x1x1x250x80xi32, #tpu.memory_space<hbm>>
      %dma_start3A_38 = tpu.memref_squeeze %dma_start3A_37 : memref<1x1x1x250x80xi32, #tpu.memory_space<hbm>> -> memref<250x80xi32, #tpu.memory_space<hbm>>
      %dma_start3A_39 = arith.constant 0 : i32
      %dma_start3A_40 = arith.constant 0 : i32
      %dma_start3A_41 = tpu.memref_slice %arg3[%arg0, %run_scoped3A, %arg1, %dma_start3A_39, %dma_start3A_40] : memref<2x2x16x250x80xi32, #tpu.memory_space<hbm>> -> memref<1x1x1x250x80xi32, #tpu.memory_space<hbm>>
      %dma_start3A_42 = tpu.memref_squeeze %dma_start3A_41 : memref<1x1x1x250x80xi32, #tpu.memory_space<hbm>> -> memref<250x80xi32, #tpu.memory_space<hbm>>
      tpu.enqueue_dma source(%dma_start3A_42 : memref<250x80xi32, #tpu.memory_space<hbm>>) target(%arg8 : memref<250x80xi32, #tpu.memory_space<vmem>>) target_semaphore(%run_scoped3A_35 : memref<!tpu.dma_semaphore, #tpu.memory_space<semaphore_mem>>)
      %dma_wait3A = arith.constant 0 : i32
      %dma_wait3A_43 = arith.constant 0 : i32
      %dma_wait3A_44 = tpu.memref_slice %arg3[%arg0, %run_scoped3A, %arg1, %dma_wait3A, %dma_wait3A_43] : memref<2x2x16x250x80xi32, #tpu.memory_space<hbm>> -> memref<1x1x1x250x80xi32, #tpu.memory_space<hbm>>
      %dma_wait3A_45 = tpu.memref_squeeze %dma_wait3A_44 : memref<1x1x1x250x80xi32, #tpu.memory_space<hbm>> -> memref<250x80xi32, #tpu.memory_space<hbm>>
      %dma_wait3A_46 = arith.constant 0 : i32
      %dma_wait3A_47 = arith.constant 0 : i32
      %dma_wait3A_48 = tpu.memref_slice %arg3[%arg0, %run_scoped3A, %arg1, %dma_wait3A_46, %dma_wait3A_47] : memref<2x2x16x250x80xi32, #tpu.memory_space<hbm>> -> memref<1x1x1x250x80xi32, #tpu.memory_space<hbm>>
      %dma_wait3A_49 = tpu.memref_squeeze %dma_wait3A_48 : memref<1x1x1x250x80xi32, #tpu.memory_space<hbm>> -> memref<250x80xi32, #tpu.memory_space<hbm>>
      tpu.wait_dma2 semaphore(%run_scoped3A_35 : memref<!tpu.dma_semaphore, #tpu.memory_space<semaphore_mem>>) src(%dma_wait3A_49 : memref<250x80xi32, #tpu.memory_space<hbm>>) dst(%arg8 : memref<250x80xi32, #tpu.memory_space<vmem>>)
      tpu.yield
    }) : () -> ()
    "tpu.region"() ({
      %run_scoped3A_35 = tpu.sem_alloc : memref<!tpu.dma_semaphore, #tpu.memory_space<semaphore_mem>>
      tpu.enqueue_dma source(%arg5 : memref<160x128xf32, #tpu.memory_space<hbm>>) target(%arg10 : memref<160x128xf32, #tpu.memory_space<vmem>>) target_semaphore(%run_scoped3A_35 : memref<!tpu.dma_semaphore, #tpu.memory_space<semaphore_mem>>)
      tpu.wait_dma2 semaphore(%run_scoped3A_35 : memref<!tpu.dma_semaphore, #tpu.memory_space<semaphore_mem>>) src(%arg5 : memref<160x128xf32, #tpu.memory_space<hbm>>) dst(%arg10 : memref<160x128xf32, #tpu.memory_space<vmem>>)
      tpu.yield
    }) : () -> ()
    %mul3A_2 = arith.constant 160 : i32
    %mul3A_3 = arith.muli %arg1, %mul3A_2 : i32
    "tpu.region"() ({
      %run_scoped3A_35 = tpu.sem_alloc : memref<!tpu.dma_semaphore, #tpu.memory_space<semaphore_mem>>
      %dma_start3A = arith.constant 0 : i32
      %dma_start3A_36 = tpu.memref_slice %arg11[%mul3A_3, %dma_start3A] : memref<2568x128xf32, #tpu.memory_space<vmem_shared>> -> memref<160x128xf32, #tpu.memory_space<vmem_shared>>
      %dma_start3A_37 = arith.constant 0 : i32
      %dma_start3A_38 = tpu.memref_slice %arg11[%mul3A_3, %dma_start3A_37] : memref<2568x128xf32, #tpu.memory_space<vmem_shared>> -> memref<160x128xf32, #tpu.memory_space<vmem_shared>>
      tpu.enqueue_dma source(%arg10 : memref<160x128xf32, #tpu.memory_space<vmem>>) target(%dma_start3A_38 : memref<160x128xf32, #tpu.memory_space<vmem_shared>>) target_semaphore(%run_scoped3A_35 : memref<!tpu.dma_semaphore, #tpu.memory_space<semaphore_mem>>)
      %dma_wait3A = arith.constant 0 : i32
      %dma_wait3A_39 = tpu.memref_slice %arg11[%mul3A_3, %dma_wait3A] : memref<2568x128xf32, #tpu.memory_space<vmem_shared>> -> memref<160x128xf32, #tpu.memory_space<vmem_shared>>
      %dma_wait3A_40 = arith.constant 0 : i32
      %dma_wait3A_41 = tpu.memref_slice %arg11[%mul3A_3, %dma_wait3A_40] : memref<2568x128xf32, #tpu.memory_space<vmem_shared>> -> memref<160x128xf32, #tpu.memory_space<vmem_shared>>
      tpu.wait_dma2 semaphore(%run_scoped3A_35 : memref<!tpu.dma_semaphore, #tpu.memory_space<semaphore_mem>>) src(%arg10 : memref<160x128xf32, #tpu.memory_space<vmem>>) dst(%dma_wait3A_41 : memref<160x128xf32, #tpu.memory_space<vmem_shared>>)
      tpu.yield
    }) : () -> ()
    %barrier3A = arith.constant 0 : index
    tpu.barrier barrier_id(%barrier3A)
    %scan3A = arith.constant 0 : i32
    %scan3A_4 = arith.constant 0 : i32
    %scan3A_5 = arith.constant 250 : i32
    %scan3A_6 = arith.addi %scan3A_4, %scan3A_5 : i32
    %scan3A_7 = arith.constant 1 : i32
    scf.for %scan3A_35 = %scan3A_4 to %scan3A_6 step %scan3A_7  : i32 {
      %dma_start3A = arith.constant 0 : i32
      %dma_start3A_36 = tpu.memref_slice %arg7[%scan3A_35, %dma_start3A] : memref<250x80xi32, #tpu.memory_space<vmem>> -> memref<1x80xi32, #tpu.memory_space<vmem>>
      %dma_start3A_37 = tpu.memref_squeeze %dma_start3A_36 : memref<1x80xi32, #tpu.memory_space<vmem>> -> memref<80xi32, #tpu.memory_space<vmem>>
      %dma_start3A_38 = arith.constant 0 : i32
      %dma_start3A_39 = arith.constant 0 : i32
      %dma_start3A_40 = tpu.memref_slice %arg4[%dma_start3A_38, %dma_start3A_39] : memref<10000x128xf32, #tpu.memory_space<hbm>> -> memref<10000x128xf32, #tpu.memory_space<hbm>>
      tpu.enqueue_indirect_dma source(%dma_start3A_40 : memref<10000x128xf32, #tpu.memory_space<hbm>>) target(%arg9 : memref<80x128xf32, #tpu.memory_space<vmem>>) offsets(%dma_start3A_37 : memref<80xi32, #tpu.memory_space<vmem>>) semaphore(%arg12 : memref<!tpu.dma_semaphore, #tpu.memory_space<semaphore_mem>>)
      %dma_wait3A = arith.constant 0 : i32
      %dma_wait3A_41 = tpu.memref_slice %arg7[%scan3A_35, %dma_wait3A] : memref<250x80xi32, #tpu.memory_space<vmem>> -> memref<1x80xi32, #tpu.memory_space<vmem>>
      %dma_wait3A_42 = tpu.memref_squeeze %dma_wait3A_41 : memref<1x80xi32, #tpu.memory_space<vmem>> -> memref<80xi32, #tpu.memory_space<vmem>>
      %dma_wait3A_43 = arith.constant 0 : i32
      %dma_wait3A_44 = arith.constant 0 : i32
      %dma_wait3A_45 = tpu.memref_slice %arg4[%dma_wait3A_43, %dma_wait3A_44] : memref<10000x128xf32, #tpu.memory_space<hbm>> -> memref<10000x128xf32, #tpu.memory_space<hbm>>
      tpu.wait_indirect_dma semaphore(%arg12 : memref<!tpu.dma_semaphore, #tpu.memory_space<semaphore_mem>>) src(%dma_wait3A_45 : memref<10000x128xf32, #tpu.memory_space<hbm>>) dst(%arg9 : memref<80x128xf32, #tpu.memory_space<vmem>>)
      "tpu.region"() ({
        %run_scoped3A_46 = tpu.sem_alloc : memref<!tpu.dma_semaphore, #tpu.memory_space<semaphore_mem>>
        %dma_start3A_47 = arith.constant 0 : i32
        %dma_start3A_48 = tpu.memref_slice %arg8[%scan3A_35, %dma_start3A_47] : memref<250x80xi32, #tpu.memory_space<vmem>> -> memref<1x80xi32, #tpu.memory_space<vmem>>
        %dma_start3A_49 = tpu.memref_squeeze %dma_start3A_48 : memref<1x80xi32, #tpu.memory_space<vmem>> -> memref<80xi32, #tpu.memory_space<vmem>>
        %dma_start3A_50 = arith.constant 0 : i32
        %dma_start3A_51 = arith.constant 0 : i32
        %dma_start3A_52 = tpu.memref_slice %arg11[%dma_start3A_50, %dma_start3A_51] : memref<2568x128xf32, #tpu.memory_space<vmem_shared>> -> memref<2568x128xf32, #tpu.memory_space<vmem_shared>>
        tpu.enqueue_indirect_dma source(%arg9 : memref<80x128xf32, #tpu.memory_space<vmem>>) target(%dma_start3A_52 : memref<2568x128xf32, #tpu.memory_space<vmem_shared>>) offsets(%dma_start3A_49 : memref<80xi32, #tpu.memory_space<vmem>>) semaphore(%run_scoped3A_46 : memref<!tpu.dma_semaphore, #tpu.memory_space<semaphore_mem>>) {add = true}
        %dma_wait3A_53 = arith.constant 0 : i32
        %dma_wait3A_54 = tpu.memref_slice %arg8[%scan3A_35, %dma_wait3A_53] : memref<250x80xi32, #tpu.memory_space<vmem>> -> memref<1x80xi32, #tpu.memory_space<vmem>>
        %dma_wait3A_55 = tpu.memref_squeeze %dma_wait3A_54 : memref<1x80xi32, #tpu.memory_space<vmem>> -> memref<80xi32, #tpu.memory_space<vmem>>
        %dma_wait3A_56 = arith.constant 0 : i32
        %dma_wait3A_57 = arith.constant 0 : i32
        %dma_wait3A_58 = tpu.memref_slice %arg11[%dma_wait3A_56, %dma_wait3A_57] : memref<2568x128xf32, #tpu.memory_space<vmem_shared>> -> memref<2568x128xf32, #tpu.memory_space<vmem_shared>>
        tpu.wait_indirect_dma semaphore(%run_scoped3A_46 : memref<!tpu.dma_semaphore, #tpu.memory_space<semaphore_mem>>) src(%arg9 : memref<80x128xf32, #tpu.memory_space<vmem>>) dst(%dma_wait3A_58 : memref<2568x128xf32, #tpu.memory_space<vmem_shared>>)
        tpu.yield
      }) : () -> ()
    }
    %scan3A_8 = arith.constant 250 : i32
    %barrier3A_9 = arith.constant 0 : index
    tpu.barrier barrier_id(%barrier3A_9)
    %mul3A_10 = arith.constant 160 : i32
    %mul3A_11 = arith.muli %arg1, %mul3A_10 : i32
    "tpu.region"() ({
      %run_scoped3A_35 = tpu.sem_alloc : memref<!tpu.dma_semaphore, #tpu.memory_space<semaphore_mem>>
      %dma_start3A = arith.constant 0 : i32
      %dma_start3A_36 = tpu.memref_slice %arg11[%mul3A_11, %dma_start3A] : memref<2568x128xf32, #tpu.memory_space<vmem_shared>> -> memref<160x128xf32, #tpu.memory_space<vmem_shared>>
      %dma_start3A_37 = arith.constant 0 : i32
      %dma_start3A_38 = tpu.memref_slice %arg11[%mul3A_11, %dma_start3A_37] : memref<2568x128xf32, #tpu.memory_space<vmem_shared>> -> memref<160x128xf32, #tpu.memory_space<vmem_shared>>
      tpu.enqueue_dma source(%dma_start3A_38 : memref<160x128xf32, #tpu.memory_space<vmem_shared>>) target(%arg10 : memref<160x128xf32, #tpu.memory_space<vmem>>) target_semaphore(%run_scoped3A_35 : memref<!tpu.dma_semaphore, #tpu.memory_space<semaphore_mem>>)
      %dma_wait3A = arith.constant 0 : i32
      %dma_wait3A_39 = tpu.memref_slice %arg11[%mul3A_11, %dma_wait3A] : memref<2568x128xf32, #tpu.memory_space<vmem_shared>> -> memref<160x128xf32, #tpu.memory_space<vmem_shared>>
      %dma_wait3A_40 = arith.constant 0 : i32
      %dma_wait3A_41 = tpu.memref_slice %arg11[%mul3A_11, %dma_wait3A_40] : memref<2568x128xf32, #tpu.memory_space<vmem_shared>> -> memref<160x128xf32, #tpu.memory_space<vmem_shared>>
      tpu.wait_dma2 semaphore(%run_scoped3A_35 : memref<!tpu.dma_semaphore, #tpu.memory_space<semaphore_mem>>) src(%dma_wait3A_41 : memref<160x128xf32, #tpu.memory_space<vmem_shared>>) dst(%arg10 : memref<160x128xf32, #tpu.memory_space<vmem>>)
      tpu.yield
    }) : () -> ()
    %mul3A_12 = arith.constant 160 : i32
    %mul3A_13 = arith.muli %arg1, %mul3A_12 : i32
    %add3A_14 = arith.addi %add3A_1, %mul3A_13 : i32
    "tpu.region"() ({
      %run_scoped3A_35 = tpu.sem_alloc : memref<!tpu.dma_semaphore, #tpu.memory_space<semaphore_mem>>
      %dma_start3A = arith.constant 0 : i32
      %dma_start3A_36 = tpu.memref_slice %arg6[%add3A_14, %dma_start3A] : memref<10240x128xf32, #tpu.memory_space<hbm>> -> memref<160x128xf32, #tpu.memory_space<hbm>>
      %dma_start3A_37 = arith.constant 0 : i32
      %dma_start3A_38 = tpu.memref_slice %arg6[%add3A_14, %dma_start3A_37] : memref<10240x128xf32, #tpu.memory_space<hbm>> -> memref<160x128xf32, #tpu.memory_space<hbm>>
      tpu.enqueue_dma source(%arg10 : memref<160x128xf32, #tpu.memory_space<vmem>>) target(%dma_start3A_38 : memref<160x128xf32, #tpu.memory_space<hbm>>) target_semaphore(%run_scoped3A_35 : memref<!tpu.dma_semaphore, #tpu.memory_space<semaphore_mem>>)
      %dma_wait3A = arith.constant 0 : i32
      %dma_wait3A_39 = tpu.memref_slice %arg6[%add3A_14, %dma_wait3A] : memref<10240x128xf32, #tpu.memory_space<hbm>> -> memref<160x128xf32, #tpu.memory_space<hbm>>
      %dma_wait3A_40 = arith.constant 0 : i32
      %dma_wait3A_41 = tpu.memref_slice %arg6[%add3A_14, %dma_wait3A_40] : memref<10240x128xf32, #tpu.memory_space<hbm>> -> memref<160x128xf32, #tpu.memory_space<hbm>>
      tpu.wait_dma2 semaphore(%run_scoped3A_35 : memref<!tpu.dma_semaphore, #tpu.memory_space<semaphore_mem>>) src(%arg10 : memref<160x128xf32, #tpu.memory_space<vmem>>) dst(%dma_wait3A_41 : memref<160x128xf32, #tpu.memory_space<hbm>>)
      tpu.yield
    }) : () -> ()
    %mul3A_15 = arith.constant 5120 : i32
    %mul3A_16 = arith.muli %arg0, %mul3A_15 : i32
    %add3A_17 = arith.constant 2560 : i32
    %add3A_18 = arith.addi %mul3A_16, %add3A_17 : i32
    %run_scoped3A_19 = arith.constant 1 : i32
    "tpu.region"() ({
      %run_scoped3A_35 = tpu.sem_alloc : memref<!tpu.dma_semaphore, #tpu.memory_space<semaphore_mem>>
      %dma_start3A = arith.constant 0 : i32
      %dma_start3A_36 = arith.constant 0 : i32
      %dma_start3A_37 = tpu.memref_slice %arg3[%arg0, %run_scoped3A_19, %arg1, %dma_start3A, %dma_start3A_36] : memref<2x2x16x250x80xi32, #tpu.memory_space<hbm>> -> memref<1x1x1x250x80xi32, #tpu.memory_space<hbm>>
      %dma_start3A_38 = tpu.memref_squeeze %dma_start3A_37 : memref<1x1x1x250x80xi32, #tpu.memory_space<hbm>> -> memref<250x80xi32, #tpu.memory_space<hbm>>
      %dma_start3A_39 = arith.constant 0 : i32
      %dma_start3A_40 = arith.constant 0 : i32
      %dma_start3A_41 = tpu.memref_slice %arg3[%arg0, %run_scoped3A_19, %arg1, %dma_start3A_39, %dma_start3A_40] : memref<2x2x16x250x80xi32, #tpu.memory_space<hbm>> -> memref<1x1x1x250x80xi32, #tpu.memory_space<hbm>>
      %dma_start3A_42 = tpu.memref_squeeze %dma_start3A_41 : memref<1x1x1x250x80xi32, #tpu.memory_space<hbm>> -> memref<250x80xi32, #tpu.memory_space<hbm>>
      tpu.enqueue_dma source(%dma_start3A_42 : memref<250x80xi32, #tpu.memory_space<hbm>>) target(%arg8 : memref<250x80xi32, #tpu.memory_space<vmem>>) target_semaphore(%run_scoped3A_35 : memref<!tpu.dma_semaphore, #tpu.memory_space<semaphore_mem>>)
      %dma_wait3A = arith.constant 0 : i32
      %dma_wait3A_43 = arith.constant 0 : i32
      %dma_wait3A_44 = tpu.memref_slice %arg3[%arg0, %run_scoped3A_19, %arg1, %dma_wait3A, %dma_wait3A_43] : memref<2x2x16x250x80xi32, #tpu.memory_space<hbm>> -> memref<1x1x1x250x80xi32, #tpu.memory_space<hbm>>
      %dma_wait3A_45 = tpu.memref_squeeze %dma_wait3A_44 : memref<1x1x1x250x80xi32, #tpu.memory_space<hbm>> -> memref<250x80xi32, #tpu.memory_space<hbm>>
      %dma_wait3A_46 = arith.constant 0 : i32
      %dma_wait3A_47 = arith.constant 0 : i32
      %dma_wait3A_48 = tpu.memref_slice %arg3[%arg0, %run_scoped3A_19, %arg1, %dma_wait3A_46, %dma_wait3A_47] : memref<2x2x16x250x80xi32, #tpu.memory_space<hbm>> -> memref<1x1x1x250x80xi32, #tpu.memory_space<hbm>>
      %dma_wait3A_49 = tpu.memref_squeeze %dma_wait3A_48 : memref<1x1x1x250x80xi32, #tpu.memory_space<hbm>> -> memref<250x80xi32, #tpu.memory_space<hbm>>
      tpu.wait_dma2 semaphore(%run_scoped3A_35 : memref<!tpu.dma_semaphore, #tpu.memory_space<semaphore_mem>>) src(%dma_wait3A_49 : memref<250x80xi32, #tpu.memory_space<hbm>>) dst(%arg8 : memref<250x80xi32, #tpu.memory_space<vmem>>)
      tpu.yield
    }) : () -> ()
    "tpu.region"() ({
      %run_scoped3A_35 = tpu.sem_alloc : memref<!tpu.dma_semaphore, #tpu.memory_space<semaphore_mem>>
      tpu.enqueue_dma source(%arg5 : memref<160x128xf32, #tpu.memory_space<hbm>>) target(%arg10 : memref<160x128xf32, #tpu.memory_space<vmem>>) target_semaphore(%run_scoped3A_35 : memref<!tpu.dma_semaphore, #tpu.memory_space<semaphore_mem>>)
      tpu.wait_dma2 semaphore(%run_scoped3A_35 : memref<!tpu.dma_semaphore, #tpu.memory_space<semaphore_mem>>) src(%arg5 : memref<160x128xf32, #tpu.memory_space<hbm>>) dst(%arg10 : memref<160x128xf32, #tpu.memory_space<vmem>>)
      tpu.yield
    }) : () -> ()
    %mul3A_20 = arith.constant 160 : i32
    %mul3A_21 = arith.muli %arg1, %mul3A_20 : i32
    "tpu.region"() ({
      %run_scoped3A_35 = tpu.sem_alloc : memref<!tpu.dma_semaphore, #tpu.memory_space<semaphore_mem>>
      %dma_start3A = arith.constant 0 : i32
      %dma_start3A_36 = tpu.memref_slice %arg11[%mul3A_21, %dma_start3A] : memref<2568x128xf32, #tpu.memory_space<vmem_shared>> -> memref<160x128xf32, #tpu.memory_space<vmem_shared>>
      %dma_start3A_37 = arith.constant 0 : i32
      %dma_start3A_38 = tpu.memref_slice %arg11[%mul3A_21, %dma_start3A_37] : memref<2568x128xf32, #tpu.memory_space<vmem_shared>> -> memref<160x128xf32, #tpu.memory_space<vmem_shared>>
      tpu.enqueue_dma source(%arg10 : memref<160x128xf32, #tpu.memory_space<vmem>>) target(%dma_start3A_38 : memref<160x128xf32, #tpu.memory_space<vmem_shared>>) target_semaphore(%run_scoped3A_35 : memref<!tpu.dma_semaphore, #tpu.memory_space<semaphore_mem>>)
      %dma_wait3A = arith.constant 0 : i32
      %dma_wait3A_39 = tpu.memref_slice %arg11[%mul3A_21, %dma_wait3A] : memref<2568x128xf32, #tpu.memory_space<vmem_shared>> -> memref<160x128xf32, #tpu.memory_space<vmem_shared>>
      %dma_wait3A_40 = arith.constant 0 : i32
      %dma_wait3A_41 = tpu.memref_slice %arg11[%mul3A_21, %dma_wait3A_40] : memref<2568x128xf32, #tpu.memory_space<vmem_shared>> -> memref<160x128xf32, #tpu.memory_space<vmem_shared>>
      tpu.wait_dma2 semaphore(%run_scoped3A_35 : memref<!tpu.dma_semaphore, #tpu.memory_space<semaphore_mem>>) src(%arg10 : memref<160x128xf32, #tpu.memory_space<vmem>>) dst(%dma_wait3A_41 : memref<160x128xf32, #tpu.memory_space<vmem_shared>>)
      tpu.yield
    }) : () -> ()
    %barrier3A_22 = arith.constant 0 : index
    tpu.barrier barrier_id(%barrier3A_22)
    %scan3A_23 = arith.constant 0 : i32
    %scan3A_24 = arith.constant 0 : i32
    %scan3A_25 = arith.constant 250 : i32
    %scan3A_26 = arith.addi %scan3A_24, %scan3A_25 : i32
    %scan3A_27 = arith.constant 1 : i32
    scf.for %scan3A_35 = %scan3A_24 to %scan3A_26 step %scan3A_27  : i32 {
      %dma_start3A = arith.constant 0 : i32
      %dma_start3A_36 = tpu.memref_slice %arg7[%scan3A_35, %dma_start3A] : memref<250x80xi32, #tpu.memory_space<vmem>> -> memref<1x80xi32, #tpu.memory_space<vmem>>
      %dma_start3A_37 = tpu.memref_squeeze %dma_start3A_36 : memref<1x80xi32, #tpu.memory_space<vmem>> -> memref<80xi32, #tpu.memory_space<vmem>>
      %dma_start3A_38 = arith.constant 0 : i32
      %dma_start3A_39 = arith.constant 0 : i32
      %dma_start3A_40 = tpu.memref_slice %arg4[%dma_start3A_38, %dma_start3A_39] : memref<10000x128xf32, #tpu.memory_space<hbm>> -> memref<10000x128xf32, #tpu.memory_space<hbm>>
      tpu.enqueue_indirect_dma source(%dma_start3A_40 : memref<10000x128xf32, #tpu.memory_space<hbm>>) target(%arg9 : memref<80x128xf32, #tpu.memory_space<vmem>>) offsets(%dma_start3A_37 : memref<80xi32, #tpu.memory_space<vmem>>) semaphore(%arg12 : memref<!tpu.dma_semaphore, #tpu.memory_space<semaphore_mem>>)
      %dma_wait3A = arith.constant 0 : i32
      %dma_wait3A_41 = tpu.memref_slice %arg7[%scan3A_35, %dma_wait3A] : memref<250x80xi32, #tpu.memory_space<vmem>> -> memref<1x80xi32, #tpu.memory_space<vmem>>
      %dma_wait3A_42 = tpu.memref_squeeze %dma_wait3A_41 : memref<1x80xi32, #tpu.memory_space<vmem>> -> memref<80xi32, #tpu.memory_space<vmem>>
      %dma_wait3A_43 = arith.constant 0 : i32
      %dma_wait3A_44 = arith.constant 0 : i32
      %dma_wait3A_45 = tpu.memref_slice %arg4[%dma_wait3A_43, %dma_wait3A_44] : memref<10000x128xf32, #tpu.memory_space<hbm>> -> memref<10000x128xf32, #tpu.memory_space<hbm>>
      tpu.wait_indirect_dma semaphore(%arg12 : memref<!tpu.dma_semaphore, #tpu.memory_space<semaphore_mem>>) src(%dma_wait3A_45 : memref<10000x128xf32, #tpu.memory_space<hbm>>) dst(%arg9 : memref<80x128xf32, #tpu.memory_space<vmem>>)
      "tpu.region"() ({
        %run_scoped3A_46 = tpu.sem_alloc : memref<!tpu.dma_semaphore, #tpu.memory_space<semaphore_mem>>
        %dma_start3A_47 = arith.constant 0 : i32
        %dma_start3A_48 = tpu.memref_slice %arg8[%scan3A_35, %dma_start3A_47] : memref<250x80xi32, #tpu.memory_space<vmem>> -> memref<1x80xi32, #tpu.memory_space<vmem>>
        %dma_start3A_49 = tpu.memref_squeeze %dma_start3A_48 : memref<1x80xi32, #tpu.memory_space<vmem>> -> memref<80xi32, #tpu.memory_space<vmem>>
        %dma_start3A_50 = arith.constant 0 : i32
        %dma_start3A_51 = arith.constant 0 : i32
        %dma_start3A_52 = tpu.memref_slice %arg11[%dma_start3A_50, %dma_start3A_51] : memref<2568x128xf32, #tpu.memory_space<vmem_shared>> -> memref<2568x128xf32, #tpu.memory_space<vmem_shared>>
        tpu.enqueue_indirect_dma source(%arg9 : memref<80x128xf32, #tpu.memory_space<vmem>>) target(%dma_start3A_52 : memref<2568x128xf32, #tpu.memory_space<vmem_shared>>) offsets(%dma_start3A_49 : memref<80xi32, #tpu.memory_space<vmem>>) semaphore(%run_scoped3A_46 : memref<!tpu.dma_semaphore, #tpu.memory_space<semaphore_mem>>) {add = true}
        %dma_wait3A_53 = arith.constant 0 : i32
        %dma_wait3A_54 = tpu.memref_slice %arg8[%scan3A_35, %dma_wait3A_53] : memref<250x80xi32, #tpu.memory_space<vmem>> -> memref<1x80xi32, #tpu.memory_space<vmem>>
        %dma_wait3A_55 = tpu.memref_squeeze %dma_wait3A_54 : memref<1x80xi32, #tpu.memory_space<vmem>> -> memref<80xi32, #tpu.memory_space<vmem>>
        %dma_wait3A_56 = arith.constant 0 : i32
        %dma_wait3A_57 = arith.constant 0 : i32
        %dma_wait3A_58 = tpu.memref_slice %arg11[%dma_wait3A_56, %dma_wait3A_57] : memref<2568x128xf32, #tpu.memory_space<vmem_shared>> -> memref<2568x128xf32, #tpu.memory_space<vmem_shared>>
        tpu.wait_indirect_dma semaphore(%run_scoped3A_46 : memref<!tpu.dma_semaphore, #tpu.memory_space<semaphore_mem>>) src(%arg9 : memref<80x128xf32, #tpu.memory_space<vmem>>) dst(%dma_wait3A_58 : memref<2568x128xf32, #tpu.memory_space<vmem_shared>>)
        tpu.yield
      }) : () -> ()
    }
    %scan3A_28 = arith.constant 250 : i32
    %barrier3A_29 = arith.constant 0 : index
    tpu.barrier barrier_id(%barrier3A_29)
    %mul3A_30 = arith.constant 160 : i32
    %mul3A_31 = arith.muli %arg1, %mul3A_30 : i32
    "tpu.region"() ({
      %run_scoped3A_35 = tpu.sem_alloc : memref<!tpu.dma_semaphore, #tpu.memory_space<semaphore_mem>>
      %dma_start3A = arith.constant 0 : i32
      %dma_start3A_36 = tpu.memref_slice %arg11[%mul3A_31, %dma_start3A] : memref<2568x128xf32, #tpu.memory_space<vmem_shared>> -> memref<160x128xf32, #tpu.memory_space<vmem_shared>>
      %dma_start3A_37 = arith.constant 0 : i32
      %dma_start3A_38 = tpu.memref_slice %arg11[%mul3A_31, %dma_start3A_37] : memref<2568x128xf32, #tpu.memory_space<vmem_shared>> -> memref<160x128xf32, #tpu.memory_space<vmem_shared>>
      tpu.enqueue_dma source(%dma_start3A_38 : memref<160x128xf32, #tpu.memory_space<vmem_shared>>) target(%arg10 : memref<160x128xf32, #tpu.memory_space<vmem>>) target_semaphore(%run_scoped3A_35 : memref<!tpu.dma_semaphore, #tpu.memory_space<semaphore_mem>>)
      %dma_wait3A = arith.constant 0 : i32
      %dma_wait3A_39 = tpu.memref_slice %arg11[%mul3A_31, %dma_wait3A] : memref<2568x128xf32, #tpu.memory_space<vmem_shared>> -> memref<160x128xf32, #tpu.memory_space<vmem_shared>>
      %dma_wait3A_40 = arith.constant 0 : i32
      %dma_wait3A_41 = tpu.memref_slice %arg11[%mul3A_31, %dma_wait3A_40] : memref<2568x128xf32, #tpu.memory_space<vmem_shared>> -> memref<160x128xf32, #tpu.memory_space<vmem_shared>>
      tpu.wait_dma2 semaphore(%run_scoped3A_35 : memref<!tpu.dma_semaphore, #tpu.memory_space<semaphore_mem>>) src(%dma_wait3A_41 : memref<160x128xf32, #tpu.memory_space<vmem_shared>>) dst(%arg10 : memref<160x128xf32, #tpu.memory_space<vmem>>)
      tpu.yield
    }) : () -> ()
    %mul3A_32 = arith.constant 160 : i32
    %mul3A_33 = arith.muli %arg1, %mul3A_32 : i32
    %add3A_34 = arith.addi %add3A_18, %mul3A_33 : i32
    "tpu.region"() ({
      %run_scoped3A_35 = tpu.sem_alloc : memref<!tpu.dma_semaphore, #tpu.memory_space<semaphore_mem>>
      %dma_start3A = arith.constant 0 : i32
      %dma_start3A_36 = tpu.memref_slice %arg6[%add3A_34, %dma_start3A] : memref<10240x128xf32, #tpu.memory_space<hbm>> -> memref<160x128xf32, #tpu.memory_space<hbm>>
      %dma_start3A_37 = arith.constant 0 : i32
      %dma_start3A_38 = tpu.memref_slice %arg6[%add3A_34, %dma_start3A_37] : memref<10240x128xf32, #tpu.memory_space<hbm>> -> memref<160x128xf32, #tpu.memory_space<hbm>>
      tpu.enqueue_dma source(%arg10 : memref<160x128xf32, #tpu.memory_space<vmem>>) target(%dma_start3A_38 : memref<160x128xf32, #tpu.memory_space<hbm>>) target_semaphore(%run_scoped3A_35 : memref<!tpu.dma_semaphore, #tpu.memory_space<semaphore_mem>>)
      %dma_wait3A = arith.constant 0 : i32
      %dma_wait3A_39 = tpu.memref_slice %arg6[%add3A_34, %dma_wait3A] : memref<10240x128xf32, #tpu.memory_space<hbm>> -> memref<160x128xf32, #tpu.memory_space<hbm>>
      %dma_wait3A_40 = arith.constant 0 : i32
      %dma_wait3A_41 = tpu.memref_slice %arg6[%add3A_34, %dma_wait3A_40] : memref<10240x128xf32, #tpu.memory_space<hbm>> -> memref<160x128xf32, #tpu.memory_space<hbm>>
      tpu.wait_dma2 semaphore(%run_scoped3A_35 : memref<!tpu.dma_semaphore, #tpu.memory_space<semaphore_mem>>) src(%arg10 : memref<160x128xf32, #tpu.memory_space<vmem>>) dst(%dma_wait3A_41 : memref<160x128xf32, #tpu.memory_space<hbm>>)
      tpu.yield
    }) : () -> ()
    return
  }
}

#map = affine_map<(d0, d1) -> (0, 0, 0)>
#map1 = affine_map<(d0, d1) -> (0, 0, 0, 0, 0)>
#map2 = affine_map<(d0, d1) -> (0, 0)>
module attributes {stable_mosaic.version = 14 : i64} {
  func.func @_conv_body(%arg0: i32, %arg1: i32, %arg2: memref<16x250x80xi32, #tpu.memory_space<hbm>>, %arg3: memref<2x2x16x250x80xi32, #tpu.memory_space<hbm>>, %arg4: memref<10000x128xf32, #tpu.memory_space<hbm>>, %arg5: memref<160x128xf32, #tpu.memory_space<hbm>>, %arg6: memref<10240x128xf32, #tpu.memory_space<hbm>>, %arg7: memref<250x80xi32, #tpu.memory_space<vmem>>, %arg8: memref<250x80xi32, #tpu.memory_space<vmem>>, %arg9: memref<80x128xf32, #tpu.memory_space<vmem>>, %arg10: memref<160x128xf32, #tpu.memory_space<vmem>>, %arg11: memref<2568x128xf32, #tpu.memory_space<vmem_shared>>, %arg12: memref<!tpu.dma_semaphore, #tpu.memory_space<semaphore_mem>>) attributes {dimension_semantics = [#tpu.dimension_semantics<core_parallel>, #tpu.dimension_semantics<subcore_parallel>], iteration_bounds = array<i64: 2, 16>, scalar_prefetch = 0 : i64, scratch_operands = 6 : i64, tpu.core_type = #tpu.core_type<sc_vector_subcore>, window_params = [{transform_indices = #map}, {transform_indices = #map1}, {transform_indices = #map2}, {transform_indices = #map2}, {transform_indices = #map2}]} {
    "tpu.region"() ({
      %run_scoped3A_35 = tpu.sem_alloc : memref<!tpu.dma_semaphore, #tpu.memory_space<semaphore_mem>>
      %dma_start3A = arith.constant 0 : i32
      %dma_start3A_36 = arith.constant 0 : i32
      %dma_start3A_37 = tpu.memref_slice %arg2[%arg1, %dma_start3A, %dma_start3A_36] : memref<16x250x80xi32, #tpu.memory_space<hbm>> -> memref<1x250x80xi32, #tpu.memory_space<hbm>>
      %dma_start3A_38 = tpu.memref_squeeze %dma_start3A_37 : memref<1x250x80xi32, #tpu.memory_space<hbm>> -> memref<250x80xi32, #tpu.memory_space<hbm>>
      %dma_start3A_39 = arith.constant 0 : i32
      %dma_start3A_40 = arith.constant 0 : i32
      %dma_start3A_41 = tpu.memref_slice %arg2[%arg1, %dma_start3A_39, %dma_start3A_40] : memref<16x250x80xi32, #tpu.memory_space<hbm>> -> memref<1x250x80xi32, #tpu.memory_space<hbm>>
      %dma_start3A_42 = tpu.memref_squeeze %dma_start3A_41 : memref<1x250x80xi32, #tpu.memory_space<hbm>> -> memref<250x80xi32, #tpu.memory_space<hbm>>
      tpu.enqueue_dma source(%dma_start3A_42 : memref<250x80xi32, #tpu.memory_space<hbm>>) target(%arg7 : memref<250x80xi32, #tpu.memory_space<vmem>>) target_semaphore(%run_scoped3A_35 : memref<!tpu.dma_semaphore, #tpu.memory_space<semaphore_mem>>)
      %dma_wait3A = arith.constant 0 : i32
      %dma_wait3A_43 = arith.constant 0 : i32
      %dma_wait3A_44 = tpu.memref_slice %arg2[%arg1, %dma_wait3A, %dma_wait3A_43] : memref<16x250x80xi32, #tpu.memory_space<hbm>> -> memref<1x250x80xi32, #tpu.memory_space<hbm>>
      %dma_wait3A_45 = tpu.memref_squeeze %dma_wait3A_44 : memref<1x250x80xi32, #tpu.memory_space<hbm>> -> memref<250x80xi32, #tpu.memory_space<hbm>>
      %dma_wait3A_46 = arith.constant 0 : i32
      %dma_wait3A_47 = arith.constant 0 : i32
      %dma_wait3A_48 = tpu.memref_slice %arg2[%arg1, %dma_wait3A_46, %dma_wait3A_47] : memref<16x250x80xi32, #tpu.memory_space<hbm>> -> memref<1x250x80xi32, #tpu.memory_space<hbm>>
      %dma_wait3A_49 = tpu.memref_squeeze %dma_wait3A_48 : memref<1x250x80xi32, #tpu.memory_space<hbm>> -> memref<250x80xi32, #tpu.memory_space<hbm>>
      tpu.wait_dma2 semaphore(%run_scoped3A_35 : memref<!tpu.dma_semaphore, #tpu.memory_space<semaphore_mem>>) src(%dma_wait3A_49 : memref<250x80xi32, #tpu.memory_space<hbm>>) dst(%arg7 : memref<250x80xi32, #tpu.memory_space<vmem>>)
      tpu.yield
    }) : () -> ()
    %mul3A = arith.constant 5120 : i32
    %mul3A_0 = arith.muli %arg0, %mul3A : i32
    %add3A = arith.constant 0 : i32
    %add3A_1 = arith.addi %mul3A_0, %add3A : i32
    %run_scoped3A = arith.constant 0 : i32
    "tpu.region"() ({
      %run_scoped3A_35 = tpu.sem_alloc : memref<!tpu.dma_semaphore, #tpu.memory_space<semaphore_mem>>
      %dma_start3A = arith.constant 0 : i32
      %dma_start3A_36 = arith.constant 0 : i32
      %dma_start3A_37 = tpu.memref_slice %arg3[%arg0, %run_scoped3A, %arg1, %dma_start3A, %dma_start3A_36] : memref<2x2x16x250x80xi32, #tpu.memory_space<hbm>> -> memref<1x1x1x250x80xi32, #tpu.memory_space<hbm>>
      %dma_start3A_38 = tpu.memref_squeeze %dma_start3A_37 : memref<1x1x1x250x80xi32, #tpu.memory_space<hbm>> -> memref<250x80xi32, #tpu.memory_space<hbm>>
      %dma_start3A_39 = arith.constant 0 : i32
      %dma_start3A_40 = arith.constant 0 : i32
      %dma_start3A_41 = tpu.memref_slice %arg3[%arg0, %run_scoped3A, %arg1, %dma_start3A_39, %dma_start3A_40] : memref<2x2x16x250x80xi32, #tpu.memory_space<hbm>> -> memref<1x1x1x250x80xi32, #tpu.memory_space<hbm>>
      %dma_start3A_42 = tpu.memref_squeeze %dma_start3A_41 : memref<1x1x1x250x80xi32, #tpu.memory_space<hbm>> -> memref<250x80xi32, #tpu.memory_space<hbm>>
      tpu.enqueue_dma source(%dma_start3A_42 : memref<250x80xi32, #tpu.memory_space<hbm>>) target(%arg8 : memref<250x80xi32, #tpu.memory_space<vmem>>) target_semaphore(%run_scoped3A_35 : memref<!tpu.dma_semaphore, #tpu.memory_space<semaphore_mem>>)
      %dma_wait3A = arith.constant 0 : i32
      %dma_wait3A_43 = arith.constant 0 : i32
      %dma_wait3A_44 = tpu.memref_slice %arg3[%arg0, %run_scoped3A, %arg1, %dma_wait3A, %dma_wait3A_43] : memref<2x2x16x250x80xi32, #tpu.memory_space<hbm>> -> memref<1x1x1x250x80xi32, #tpu.memory_space<hbm>>
      %dma_wait3A_45 = tpu.memref_squeeze %dma_wait3A_44 : memref<1x1x1x250x80xi32, #tpu.memory_space<hbm>> -> memref<250x80xi32, #tpu.memory_space<hbm>>
      %dma_wait3A_46 = arith.constant 0 : i32
      %dma_wait3A_47 = arith.constant 0 : i32
      %dma_wait3A_48 = tpu.memref_slice %arg3[%arg0, %run_scoped3A, %arg1, %dma_wait3A_46, %dma_wait3A_47] : memref<2x2x16x250x80xi32, #tpu.memory_space<hbm>> -> memref<1x1x1x250x80xi32, #tpu.memory_space<hbm>>
      %dma_wait3A_49 = tpu.memref_squeeze %dma_wait3A_48 : memref<1x1x1x250x80xi32, #tpu.memory_space<hbm>> -> memref<250x80xi32, #tpu.memory_space<hbm>>
      tpu.wait_dma2 semaphore(%run_scoped3A_35 : memref<!tpu.dma_semaphore, #tpu.memory_space<semaphore_mem>>) src(%dma_wait3A_49 : memref<250x80xi32, #tpu.memory_space<hbm>>) dst(%arg8 : memref<250x80xi32, #tpu.memory_space<vmem>>)
      tpu.yield
    }) : () -> ()
    "tpu.region"() ({
      %run_scoped3A_35 = tpu.sem_alloc : memref<!tpu.dma_semaphore, #tpu.memory_space<semaphore_mem>>
      tpu.enqueue_dma source(%arg5 : memref<160x128xf32, #tpu.memory_space<hbm>>) target(%arg10 : memref<160x128xf32, #tpu.memory_space<vmem>>) target_semaphore(%run_scoped3A_35 : memref<!tpu.dma_semaphore, #tpu.memory_space<semaphore_mem>>)
      tpu.wait_dma2 semaphore(%run_scoped3A_35 : memref<!tpu.dma_semaphore, #tpu.memory_space<semaphore_mem>>) src(%arg5 : memref<160x128xf32, #tpu.memory_space<hbm>>) dst(%arg10 : memref<160x128xf32, #tpu.memory_space<vmem>>)
      tpu.yield
    }) : () -> ()
    %mul3A_2 = arith.constant 160 : i32
    %mul3A_3 = arith.muli %arg1, %mul3A_2 : i32
    "tpu.region"() ({
      %run_scoped3A_35 = tpu.sem_alloc : memref<!tpu.dma_semaphore, #tpu.memory_space<semaphore_mem>>
      %dma_start3A = arith.constant 0 : i32
      %dma_start3A_36 = tpu.memref_slice %arg11[%mul3A_3, %dma_start3A] : memref<2568x128xf32, #tpu.memory_space<vmem_shared>> -> memref<160x128xf32, #tpu.memory_space<vmem_shared>>
      %dma_start3A_37 = arith.constant 0 : i32
      %dma_start3A_38 = tpu.memref_slice %arg11[%mul3A_3, %dma_start3A_37] : memref<2568x128xf32, #tpu.memory_space<vmem_shared>> -> memref<160x128xf32, #tpu.memory_space<vmem_shared>>
      tpu.enqueue_dma source(%arg10 : memref<160x128xf32, #tpu.memory_space<vmem>>) target(%dma_start3A_38 : memref<160x128xf32, #tpu.memory_space<vmem_shared>>) target_semaphore(%run_scoped3A_35 : memref<!tpu.dma_semaphore, #tpu.memory_space<semaphore_mem>>)
      %dma_wait3A = arith.constant 0 : i32
      %dma_wait3A_39 = tpu.memref_slice %arg11[%mul3A_3, %dma_wait3A] : memref<2568x128xf32, #tpu.memory_space<vmem_shared>> -> memref<160x128xf32, #tpu.memory_space<vmem_shared>>
      %dma_wait3A_40 = arith.constant 0 : i32
      %dma_wait3A_41 = tpu.memref_slice %arg11[%mul3A_3, %dma_wait3A_40] : memref<2568x128xf32, #tpu.memory_space<vmem_shared>> -> memref<160x128xf32, #tpu.memory_space<vmem_shared>>
      tpu.wait_dma2 semaphore(%run_scoped3A_35 : memref<!tpu.dma_semaphore, #tpu.memory_space<semaphore_mem>>) src(%arg10 : memref<160x128xf32, #tpu.memory_space<vmem>>) dst(%dma_wait3A_41 : memref<160x128xf32, #tpu.memory_space<vmem_shared>>)
      tpu.yield
    }) : () -> ()
    %barrier3A = arith.constant 0 : index
    tpu.barrier barrier_id(%barrier3A)
    %scan3A = arith.constant 0 : i32
    %scan3A_4 = arith.constant 0 : i32
    %scan3A_5 = arith.constant 250 : i32
    %scan3A_6 = arith.addi %scan3A_4, %scan3A_5 : i32
    %scan3A_7 = arith.constant 1 : i32
    scf.for %scan3A_35 = %scan3A_4 to %scan3A_6 step %scan3A_7  : i32 {
      %dma_start3A = arith.constant 0 : i32
      %dma_start3A_36 = tpu.memref_slice %arg7[%scan3A_35, %dma_start3A] : memref<250x80xi32, #tpu.memory_space<vmem>> -> memref<1x80xi32, #tpu.memory_space<vmem>>
      %dma_start3A_37 = tpu.memref_squeeze %dma_start3A_36 : memref<1x80xi32, #tpu.memory_space<vmem>> -> memref<80xi32, #tpu.memory_space<vmem>>
      %dma_start3A_38 = arith.constant 0 : i32
      %dma_start3A_39 = arith.constant 0 : i32
      %dma_start3A_40 = tpu.memref_slice %arg4[%dma_start3A_38, %dma_start3A_39] : memref<10000x128xf32, #tpu.memory_space<hbm>> -> memref<10000x128xf32, #tpu.memory_space<hbm>>
      tpu.enqueue_indirect_dma source(%dma_start3A_40 : memref<10000x128xf32, #tpu.memory_space<hbm>>) target(%arg9 : memref<80x128xf32, #tpu.memory_space<vmem>>) offsets(%dma_start3A_37 : memref<80xi32, #tpu.memory_space<vmem>>) semaphore(%arg12 : memref<!tpu.dma_semaphore, #tpu.memory_space<semaphore_mem>>)
      %dma_wait3A = arith.constant 0 : i32
      %dma_wait3A_41 = tpu.memref_slice %arg7[%scan3A_35, %dma_wait3A] : memref<250x80xi32, #tpu.memory_space<vmem>> -> memref<1x80xi32, #tpu.memory_space<vmem>>
      %dma_wait3A_42 = tpu.memref_squeeze %dma_wait3A_41 : memref<1x80xi32, #tpu.memory_space<vmem>> -> memref<80xi32, #tpu.memory_space<vmem>>
      %dma_wait3A_43 = arith.constant 0 : i32
      %dma_wait3A_44 = arith.constant 0 : i32
      %dma_wait3A_45 = tpu.memref_slice %arg4[%dma_wait3A_43, %dma_wait3A_44] : memref<10000x128xf32, #tpu.memory_space<hbm>> -> memref<10000x128xf32, #tpu.memory_space<hbm>>
      tpu.wait_indirect_dma semaphore(%arg12 : memref<!tpu.dma_semaphore, #tpu.memory_space<semaphore_mem>>) src(%dma_wait3A_45 : memref<10000x128xf32, #tpu.memory_space<hbm>>) dst(%arg9 : memref<80x128xf32, #tpu.memory_space<vmem>>)
      "tpu.region"() ({
        %run_scoped3A_46 = tpu.sem_alloc : memref<!tpu.dma_semaphore, #tpu.memory_space<semaphore_mem>>
        %dma_start3A_47 = arith.constant 0 : i32
        %dma_start3A_48 = tpu.memref_slice %arg8[%scan3A_35, %dma_start3A_47] : memref<250x80xi32, #tpu.memory_space<vmem>> -> memref<1x80xi32, #tpu.memory_space<vmem>>
        %dma_start3A_49 = tpu.memref_squeeze %dma_start3A_48 : memref<1x80xi32, #tpu.memory_space<vmem>> -> memref<80xi32, #tpu.memory_space<vmem>>
        %dma_start3A_50 = arith.constant 0 : i32
        %dma_start3A_51 = arith.constant 0 : i32
        %dma_start3A_52 = tpu.memref_slice %arg11[%dma_start3A_50, %dma_start3A_51] : memref<2568x128xf32, #tpu.memory_space<vmem_shared>> -> memref<2568x128xf32, #tpu.memory_space<vmem_shared>>
        tpu.enqueue_indirect_dma source(%arg9 : memref<80x128xf32, #tpu.memory_space<vmem>>) target(%dma_start3A_52 : memref<2568x128xf32, #tpu.memory_space<vmem_shared>>) offsets(%dma_start3A_49 : memref<80xi32, #tpu.memory_space<vmem>>) semaphore(%run_scoped3A_46 : memref<!tpu.dma_semaphore, #tpu.memory_space<semaphore_mem>>) {add = true}
        %dma_wait3A_53 = arith.constant 0 : i32
        %dma_wait3A_54 = tpu.memref_slice %arg8[%scan3A_35, %dma_wait3A_53] : memref<250x80xi32, #tpu.memory_space<vmem>> -> memref<1x80xi32, #tpu.memory_space<vmem>>
        %dma_wait3A_55 = tpu.memref_squeeze %dma_wait3A_54 : memref<1x80xi32, #tpu.memory_space<vmem>> -> memref<80xi32, #tpu.memory_space<vmem>>
        %dma_wait3A_56 = arith.constant 0 : i32
        %dma_wait3A_57 = arith.constant 0 : i32
        %dma_wait3A_58 = tpu.memref_slice %arg11[%dma_wait3A_56, %dma_wait3A_57] : memref<2568x128xf32, #tpu.memory_space<vmem_shared>> -> memref<2568x128xf32, #tpu.memory_space<vmem_shared>>
        tpu.wait_indirect_dma semaphore(%run_scoped3A_46 : memref<!tpu.dma_semaphore, #tpu.memory_space<semaphore_mem>>) src(%arg9 : memref<80x128xf32, #tpu.memory_space<vmem>>) dst(%dma_wait3A_58 : memref<2568x128xf32, #tpu.memory_space<vmem_shared>>)
        tpu.yield
      }) : () -> ()
    }
    %scan3A_8 = arith.constant 250 : i32
    %barrier3A_9 = arith.constant 0 : index
    tpu.barrier barrier_id(%barrier3A_9)
    %mul3A_10 = arith.constant 160 : i32
    %mul3A_11 = arith.muli %arg1, %mul3A_10 : i32
    "tpu.region"() ({
      %run_scoped3A_35 = tpu.sem_alloc : memref<!tpu.dma_semaphore, #tpu.memory_space<semaphore_mem>>
      %dma_start3A = arith.constant 0 : i32
      %dma_start3A_36 = tpu.memref_slice %arg11[%mul3A_11, %dma_start3A] : memref<2568x128xf32, #tpu.memory_space<vmem_shared>> -> memref<160x128xf32, #tpu.memory_space<vmem_shared>>
      %dma_start3A_37 = arith.constant 0 : i32
      %dma_start3A_38 = tpu.memref_slice %arg11[%mul3A_11, %dma_start3A_37] : memref<2568x128xf32, #tpu.memory_space<vmem_shared>> -> memref<160x128xf32, #tpu.memory_space<vmem_shared>>
      tpu.enqueue_dma source(%dma_start3A_38 : memref<160x128xf32, #tpu.memory_space<vmem_shared>>) target(%arg10 : memref<160x128xf32, #tpu.memory_space<vmem>>) target_semaphore(%run_scoped3A_35 : memref<!tpu.dma_semaphore, #tpu.memory_space<semaphore_mem>>)
      %dma_wait3A = arith.constant 0 : i32
      %dma_wait3A_39 = tpu.memref_slice %arg11[%mul3A_11, %dma_wait3A] : memref<2568x128xf32, #tpu.memory_space<vmem_shared>> -> memref<160x128xf32, #tpu.memory_space<vmem_shared>>
      %dma_wait3A_40 = arith.constant 0 : i32
      %dma_wait3A_41 = tpu.memref_slice %arg11[%mul3A_11, %dma_wait3A_40] : memref<2568x128xf32, #tpu.memory_space<vmem_shared>> -> memref<160x128xf32, #tpu.memory_space<vmem_shared>>
      tpu.wait_dma2 semaphore(%run_scoped3A_35 : memref<!tpu.dma_semaphore, #tpu.memory_space<semaphore_mem>>) src(%dma_wait3A_41 : memref<160x128xf32, #tpu.memory_space<vmem_shared>>) dst(%arg10 : memref<160x128xf32, #tpu.memory_space<vmem>>)
      tpu.yield
    }) : () -> ()
    %mul3A_12 = arith.constant 160 : i32
    %mul3A_13 = arith.muli %arg1, %mul3A_12 : i32
    %add3A_14 = arith.addi %add3A_1, %mul3A_13 : i32
    "tpu.region"() ({
      %run_scoped3A_35 = tpu.sem_alloc : memref<!tpu.dma_semaphore, #tpu.memory_space<semaphore_mem>>
      %dma_start3A = arith.constant 0 : i32
      %dma_start3A_36 = tpu.memref_slice %arg6[%add3A_14, %dma_start3A] : memref<10240x128xf32, #tpu.memory_space<hbm>> -> memref<160x128xf32, #tpu.memory_space<hbm>>
      %dma_start3A_37 = arith.constant 0 : i32
      %dma_start3A_38 = tpu.memref_slice %arg6[%add3A_14, %dma_start3A_37] : memref<10240x128xf32, #tpu.memory_space<hbm>> -> memref<160x128xf32, #tpu.memory_space<hbm>>
      tpu.enqueue_dma source(%arg10 : memref<160x128xf32, #tpu.memory_space<vmem>>) target(%dma_start3A_38 : memref<160x128xf32, #tpu.memory_space<hbm>>) target_semaphore(%run_scoped3A_35 : memref<!tpu.dma_semaphore, #tpu.memory_space<semaphore_mem>>)
      %dma_wait3A = arith.constant 0 : i32
      %dma_wait3A_39 = tpu.memref_slice %arg6[%add3A_14, %dma_wait3A] : memref<10240x128xf32, #tpu.memory_space<hbm>> -> memref<160x128xf32, #tpu.memory_space<hbm>>
      %dma_wait3A_40 = arith.constant 0 : i32
      %dma_wait3A_41 = tpu.memref_slice %arg6[%add3A_14, %dma_wait3A_40] : memref<10240x128xf32, #tpu.memory_space<hbm>> -> memref<160x128xf32, #tpu.memory_space<hbm>>
      tpu.wait_dma2 semaphore(%run_scoped3A_35 : memref<!tpu.dma_semaphore, #tpu.memory_space<semaphore_mem>>) src(%arg10 : memref<160x128xf32, #tpu.memory_space<vmem>>) dst(%dma_wait3A_41 : memref<160x128xf32, #tpu.memory_space<hbm>>)
      tpu.yield
    }) : () -> ()
    %mul3A_15 = arith.constant 5120 : i32
    %mul3A_16 = arith.muli %arg0, %mul3A_15 : i32
    %add3A_17 = arith.constant 2560 : i32
    %add3A_18 = arith.addi %mul3A_16, %add3A_17 : i32
    %run_scoped3A_19 = arith.constant 1 : i32
    "tpu.region"() ({
      %run_scoped3A_35 = tpu.sem_alloc : memref<!tpu.dma_semaphore, #tpu.memory_space<semaphore_mem>>
      %dma_start3A = arith.constant 0 : i32
      %dma_start3A_36 = arith.constant 0 : i32
      %dma_start3A_37 = tpu.memref_slice %arg3[%arg0, %run_scoped3A_19, %arg1, %dma_start3A, %dma_start3A_36] : memref<2x2x16x250x80xi32, #tpu.memory_space<hbm>> -> memref<1x1x1x250x80xi32, #tpu.memory_space<hbm>>
      %dma_start3A_38 = tpu.memref_squeeze %dma_start3A_37 : memref<1x1x1x250x80xi32, #tpu.memory_space<hbm>> -> memref<250x80xi32, #tpu.memory_space<hbm>>
      %dma_start3A_39 = arith.constant 0 : i32
      %dma_start3A_40 = arith.constant 0 : i32
      %dma_start3A_41 = tpu.memref_slice %arg3[%arg0, %run_scoped3A_19, %arg1, %dma_start3A_39, %dma_start3A_40] : memref<2x2x16x250x80xi32, #tpu.memory_space<hbm>> -> memref<1x1x1x250x80xi32, #tpu.memory_space<hbm>>
      %dma_start3A_42 = tpu.memref_squeeze %dma_start3A_41 : memref<1x1x1x250x80xi32, #tpu.memory_space<hbm>> -> memref<250x80xi32, #tpu.memory_space<hbm>>
      tpu.enqueue_dma source(%dma_start3A_42 : memref<250x80xi32, #tpu.memory_space<hbm>>) target(%arg8 : memref<250x80xi32, #tpu.memory_space<vmem>>) target_semaphore(%run_scoped3A_35 : memref<!tpu.dma_semaphore, #tpu.memory_space<semaphore_mem>>)
      %dma_wait3A = arith.constant 0 : i32
      %dma_wait3A_43 = arith.constant 0 : i32
      %dma_wait3A_44 = tpu.memref_slice %arg3[%arg0, %run_scoped3A_19, %arg1, %dma_wait3A, %dma_wait3A_43] : memref<2x2x16x250x80xi32, #tpu.memory_space<hbm>> -> memref<1x1x1x250x80xi32, #tpu.memory_space<hbm>>
      %dma_wait3A_45 = tpu.memref_squeeze %dma_wait3A_44 : memref<1x1x1x250x80xi32, #tpu.memory_space<hbm>> -> memref<250x80xi32, #tpu.memory_space<hbm>>
      %dma_wait3A_46 = arith.constant 0 : i32
      %dma_wait3A_47 = arith.constant 0 : i32
      %dma_wait3A_48 = tpu.memref_slice %arg3[%arg0, %run_scoped3A_19, %arg1, %dma_wait3A_46, %dma_wait3A_47] : memref<2x2x16x250x80xi32, #tpu.memory_space<hbm>> -> memref<1x1x1x250x80xi32, #tpu.memory_space<hbm>>
      %dma_wait3A_49 = tpu.memref_squeeze %dma_wait3A_48 : memref<1x1x1x250x80xi32, #tpu.memory_space<hbm>> -> memref<250x80xi32, #tpu.memory_space<hbm>>
      tpu.wait_dma2 semaphore(%run_scoped3A_35 : memref<!tpu.dma_semaphore, #tpu.memory_space<semaphore_mem>>) src(%dma_wait3A_49 : memref<250x80xi32, #tpu.memory_space<hbm>>) dst(%arg8 : memref<250x80xi32, #tpu.memory_space<vmem>>)
      tpu.yield
    }) : () -> ()
    "tpu.region"() ({
      %run_scoped3A_35 = tpu.sem_alloc : memref<!tpu.dma_semaphore, #tpu.memory_space<semaphore_mem>>
      tpu.enqueue_dma source(%arg5 : memref<160x128xf32, #tpu.memory_space<hbm>>) target(%arg10 : memref<160x128xf32, #tpu.memory_space<vmem>>) target_semaphore(%run_scoped3A_35 : memref<!tpu.dma_semaphore, #tpu.memory_space<semaphore_mem>>)
      tpu.wait_dma2 semaphore(%run_scoped3A_35 : memref<!tpu.dma_semaphore, #tpu.memory_space<semaphore_mem>>) src(%arg5 : memref<160x128xf32, #tpu.memory_space<hbm>>) dst(%arg10 : memref<160x128xf32, #tpu.memory_space<vmem>>)
      tpu.yield
    }) : () -> ()
    %mul3A_20 = arith.constant 160 : i32
    %mul3A_21 = arith.muli %arg1, %mul3A_20 : i32
    "tpu.region"() ({
      %run_scoped3A_35 = tpu.sem_alloc : memref<!tpu.dma_semaphore, #tpu.memory_space<semaphore_mem>>
      %dma_start3A = arith.constant 0 : i32
      %dma_start3A_36 = tpu.memref_slice %arg11[%mul3A_21, %dma_start3A] : memref<2568x128xf32, #tpu.memory_space<vmem_shared>> -> memref<160x128xf32, #tpu.memory_space<vmem_shared>>
      %dma_start3A_37 = arith.constant 0 : i32
      %dma_start3A_38 = tpu.memref_slice %arg11[%mul3A_21, %dma_start3A_37] : memref<2568x128xf32, #tpu.memory_space<vmem_shared>> -> memref<160x128xf32, #tpu.memory_space<vmem_shared>>
      tpu.enqueue_dma source(%arg10 : memref<160x128xf32, #tpu.memory_space<vmem>>) target(%dma_start3A_38 : memref<160x128xf32, #tpu.memory_space<vmem_shared>>) target_semaphore(%run_scoped3A_35 : memref<!tpu.dma_semaphore, #tpu.memory_space<semaphore_mem>>)
      %dma_wait3A = arith.constant 0 : i32
      %dma_wait3A_39 = tpu.memref_slice %arg11[%mul3A_21, %dma_wait3A] : memref<2568x128xf32, #tpu.memory_space<vmem_shared>> -> memref<160x128xf32, #tpu.memory_space<vmem_shared>>
      %dma_wait3A_40 = arith.constant 0 : i32
      %dma_wait3A_41 = tpu.memref_slice %arg11[%mul3A_21, %dma_wait3A_40] : memref<2568x128xf32, #tpu.memory_space<vmem_shared>> -> memref<160x128xf32, #tpu.memory_space<vmem_shared>>
      tpu.wait_dma2 semaphore(%run_scoped3A_35 : memref<!tpu.dma_semaphore, #tpu.memory_space<semaphore_mem>>) src(%arg10 : memref<160x128xf32, #tpu.memory_space<vmem>>) dst(%dma_wait3A_41 : memref<160x128xf32, #tpu.memory_space<vmem_shared>>)
      tpu.yield
    }) : () -> ()
    %barrier3A_22 = arith.constant 0 : index
    tpu.barrier barrier_id(%barrier3A_22)
    %scan3A_23 = arith.constant 0 : i32
    %scan3A_24 = arith.constant 0 : i32
    %scan3A_25 = arith.constant 250 : i32
    %scan3A_26 = arith.addi %scan3A_24, %scan3A_25 : i32
    %scan3A_27 = arith.constant 1 : i32
    scf.for %scan3A_35 = %scan3A_24 to %scan3A_26 step %scan3A_27  : i32 {
      %dma_start3A = arith.constant 0 : i32
      %dma_start3A_36 = tpu.memref_slice %arg7[%scan3A_35, %dma_start3A] : memref<250x80xi32, #tpu.memory_space<vmem>> -> memref<1x80xi32, #tpu.memory_space<vmem>>
      %dma_start3A_37 = tpu.memref_squeeze %dma_start3A_36 : memref<1x80xi32, #tpu.memory_space<vmem>> -> memref<80xi32, #tpu.memory_space<vmem>>
      %dma_start3A_38 = arith.constant 0 : i32
      %dma_start3A_39 = arith.constant 0 : i32
      %dma_start3A_40 = tpu.memref_slice %arg4[%dma_start3A_38, %dma_start3A_39] : memref<10000x128xf32, #tpu.memory_space<hbm>> -> memref<10000x128xf32, #tpu.memory_space<hbm>>
      tpu.enqueue_indirect_dma source(%dma_start3A_40 : memref<10000x128xf32, #tpu.memory_space<hbm>>) target(%arg9 : memref<80x128xf32, #tpu.memory_space<vmem>>) offsets(%dma_start3A_37 : memref<80xi32, #tpu.memory_space<vmem>>) semaphore(%arg12 : memref<!tpu.dma_semaphore, #tpu.memory_space<semaphore_mem>>)
      %dma_wait3A = arith.constant 0 : i32
      %dma_wait3A_41 = tpu.memref_slice %arg7[%scan3A_35, %dma_wait3A] : memref<250x80xi32, #tpu.memory_space<vmem>> -> memref<1x80xi32, #tpu.memory_space<vmem>>
      %dma_wait3A_42 = tpu.memref_squeeze %dma_wait3A_41 : memref<1x80xi32, #tpu.memory_space<vmem>> -> memref<80xi32, #tpu.memory_space<vmem>>
      %dma_wait3A_43 = arith.constant 0 : i32
      %dma_wait3A_44 = arith.constant 0 : i32
      %dma_wait3A_45 = tpu.memref_slice %arg4[%dma_wait3A_43, %dma_wait3A_44] : memref<10000x128xf32, #tpu.memory_space<hbm>> -> memref<10000x128xf32, #tpu.memory_space<hbm>>
      tpu.wait_indirect_dma semaphore(%arg12 : memref<!tpu.dma_semaphore, #tpu.memory_space<semaphore_mem>>) src(%dma_wait3A_45 : memref<10000x128xf32, #tpu.memory_space<hbm>>) dst(%arg9 : memref<80x128xf32, #tpu.memory_space<vmem>>)
      "tpu.region"() ({
        %run_scoped3A_46 = tpu.sem_alloc : memref<!tpu.dma_semaphore, #tpu.memory_space<semaphore_mem>>
        %dma_start3A_47 = arith.constant 0 : i32
        %dma_start3A_48 = tpu.memref_slice %arg8[%scan3A_35, %dma_start3A_47] : memref<250x80xi32, #tpu.memory_space<vmem>> -> memref<1x80xi32, #tpu.memory_space<vmem>>
        %dma_start3A_49 = tpu.memref_squeeze %dma_start3A_48 : memref<1x80xi32, #tpu.memory_space<vmem>> -> memref<80xi32, #tpu.memory_space<vmem>>
        %dma_start3A_50 = arith.constant 0 : i32
        %dma_start3A_51 = arith.constant 0 : i32
        %dma_start3A_52 = tpu.memref_slice %arg11[%dma_start3A_50, %dma_start3A_51] : memref<2568x128xf32, #tpu.memory_space<vmem_shared>> -> memref<2568x128xf32, #tpu.memory_space<vmem_shared>>
        tpu.enqueue_indirect_dma source(%arg9 : memref<80x128xf32, #tpu.memory_space<vmem>>) target(%dma_start3A_52 : memref<2568x128xf32, #tpu.memory_space<vmem_shared>>) offsets(%dma_start3A_49 : memref<80xi32, #tpu.memory_space<vmem>>) semaphore(%run_scoped3A_46 : memref<!tpu.dma_semaphore, #tpu.memory_space<semaphore_mem>>) {add = true}
        %dma_wait3A_53 = arith.constant 0 : i32
        %dma_wait3A_54 = tpu.memref_slice %arg8[%scan3A_35, %dma_wait3A_53] : memref<250x80xi32, #tpu.memory_space<vmem>> -> memref<1x80xi32, #tpu.memory_space<vmem>>
        %dma_wait3A_55 = tpu.memref_squeeze %dma_wait3A_54 : memref<1x80xi32, #tpu.memory_space<vmem>> -> memref<80xi32, #tpu.memory_space<vmem>>
        %dma_wait3A_56 = arith.constant 0 : i32
        %dma_wait3A_57 = arith.constant 0 : i32
        %dma_wait3A_58 = tpu.memref_slice %arg11[%dma_wait3A_56, %dma_wait3A_57] : memref<2568x128xf32, #tpu.memory_space<vmem_shared>> -> memref<2568x128xf32, #tpu.memory_space<vmem_shared>>
        tpu.wait_indirect_dma semaphore(%run_scoped3A_46 : memref<!tpu.dma_semaphore, #tpu.memory_space<semaphore_mem>>) src(%arg9 : memref<80x128xf32, #tpu.memory_space<vmem>>) dst(%dma_wait3A_58 : memref<2568x128xf32, #tpu.memory_space<vmem_shared>>)
        tpu.yield
      }) : () -> ()
    }
    %scan3A_28 = arith.constant 250 : i32
    %barrier3A_29 = arith.constant 0 : index
    tpu.barrier barrier_id(%barrier3A_29)
    %mul3A_30 = arith.constant 160 : i32
    %mul3A_31 = arith.muli %arg1, %mul3A_30 : i32
    "tpu.region"() ({
      %run_scoped3A_35 = tpu.sem_alloc : memref<!tpu.dma_semaphore, #tpu.memory_space<semaphore_mem>>
      %dma_start3A = arith.constant 0 : i32
      %dma_start3A_36 = tpu.memref_slice %arg11[%mul3A_31, %dma_start3A] : memref<2568x128xf32, #tpu.memory_space<vmem_shared>> -> memref<160x128xf32, #tpu.memory_space<vmem_shared>>
      %dma_start3A_37 = arith.constant 0 : i32
      %dma_start3A_38 = tpu.memref_slice %arg11[%mul3A_31, %dma_start3A_37] : memref<2568x128xf32, #tpu.memory_space<vmem_shared>> -> memref<160x128xf32, #tpu.memory_space<vmem_shared>>
      tpu.enqueue_dma source(%dma_start3A_38 : memref<160x128xf32, #tpu.memory_space<vmem_shared>>) target(%arg10 : memref<160x128xf32, #tpu.memory_space<vmem>>) target_semaphore(%run_scoped3A_35 : memref<!tpu.dma_semaphore, #tpu.memory_space<semaphore_mem>>)
      %dma_wait3A = arith.constant 0 : i32
      %dma_wait3A_39 = tpu.memref_slice %arg11[%mul3A_31, %dma_wait3A] : memref<2568x128xf32, #tpu.memory_space<vmem_shared>> -> memref<160x128xf32, #tpu.memory_space<vmem_shared>>
      %dma_wait3A_40 = arith.constant 0 : i32
      %dma_wait3A_41 = tpu.memref_slice %arg11[%mul3A_31, %dma_wait3A_40] : memref<2568x128xf32, #tpu.memory_space<vmem_shared>> -> memref<160x128xf32, #tpu.memory_space<vmem_shared>>
      tpu.wait_dma2 semaphore(%run_scoped3A_35 : memref<!tpu.dma_semaphore, #tpu.memory_space<semaphore_mem>>) src(%dma_wait3A_41 : memref<160x128xf32, #tpu.memory_space<vmem_shared>>) dst(%arg10 : memref<160x128xf32, #tpu.memory_space<vmem>>)
      tpu.yield
    }) : () -> ()
    %mul3A_32 = arith.constant 160 : i32
    %mul3A_33 = arith.muli %arg1, %mul3A_32 : i32
    %add3A_34 = arith.addi %add3A_18, %mul3A_33 : i32
    "tpu.region"() ({
      %run_scoped3A_35 = tpu.sem_alloc : memref<!tpu.dma_semaphore, #tpu.memory_space<semaphore_mem>>
      %dma_start3A = arith.constant 0 : i32
      %dma_start3A_36 = tpu.memref_slice %arg6[%add3A_34, %dma_start3A] : memref<10240x128xf32, #tpu.memory_space<hbm>> -> memref<160x128xf32, #tpu.memory_space<hbm>>
      %dma_start3A_37 = arith.constant 0 : i32
      %dma_start3A_38 = tpu.memref_slice %arg6[%add3A_34, %dma_start3A_37] : memref<10240x128xf32, #tpu.memory_space<hbm>> -> memref<160x128xf32, #tpu.memory_space<hbm>>
      tpu.enqueue_dma source(%arg10 : memref<160x128xf32, #tpu.memory_space<vmem>>) target(%dma_start3A_38 : memref<160x128xf32, #tpu.memory_space<hbm>>) target_semaphore(%run_scoped3A_35 : memref<!tpu.dma_semaphore, #tpu.memory_space<semaphore_mem>>)
      %dma_wait3A = arith.constant 0 : i32
      %dma_wait3A_39 = tpu.memref_slice %arg6[%add3A_34, %dma_wait3A] : memref<10240x128xf32, #tpu.memory_space<hbm>> -> memref<160x128xf32, #tpu.memory_space<hbm>>
      %dma_wait3A_40 = arith.constant 0 : i32
      %dma_wait3A_41 = tpu.memref_slice %arg6[%add3A_34, %dma_wait3A_40] : memref<10240x128xf32, #tpu.memory_space<hbm>> -> memref<160x128xf32, #tpu.memory_space<hbm>>
      tpu.wait_dma2 semaphore(%run_scoped3A_35 : memref<!tpu.dma_semaphore, #tpu.memory_space<semaphore_mem>>) src(%arg10 : memref<160x128xf32, #tpu.memory_space<vmem>>) dst(%dma_wait3A_41 : memref<160x128xf32, #tpu.memory_space<hbm>>)
      tpu.yield
    }) : () -> ()
    return
  }
}

#map = affine_map<(d0, d1) -> (0, 0, 0)>
#map1 = affine_map<(d0, d1) -> (0, 0, 0, 0, 0)>
#map2 = affine_map<(d0, d1) -> (0, 0)>
module attributes {stable_mosaic.version = 14 : i64} {
  func.func @_conv_body(%arg0: i32, %arg1: i32, %arg2: memref<16x250x80xi32, #tpu.memory_space<hbm>>, %arg3: memref<2x2x16x250x80xi32, #tpu.memory_space<hbm>>, %arg4: memref<10000x128xf32, #tpu.memory_space<hbm>>, %arg5: memref<160x128xf32, #tpu.memory_space<hbm>>, %arg6: memref<10240x128xf32, #tpu.memory_space<hbm>>, %arg7: memref<250x80xi32, #tpu.memory_space<vmem>>, %arg8: memref<250x80xi32, #tpu.memory_space<vmem>>, %arg9: memref<80x128xf32, #tpu.memory_space<vmem>>, %arg10: memref<160x128xf32, #tpu.memory_space<vmem>>, %arg11: memref<2568x128xf32, #tpu.memory_space<vmem_shared>>, %arg12: memref<!tpu.dma_semaphore, #tpu.memory_space<semaphore_mem>>) attributes {dimension_semantics = [#tpu.dimension_semantics<core_parallel>, #tpu.dimension_semantics<subcore_parallel>], iteration_bounds = array<i64: 2, 16>, scalar_prefetch = 0 : i64, scratch_operands = 6 : i64, tpu.core_type = #tpu.core_type<sc_vector_subcore>, window_params = [{transform_indices = #map}, {transform_indices = #map1}, {transform_indices = #map2}, {transform_indices = #map2}, {transform_indices = #map2}]} {
    "tpu.region"() ({
      %run_scoped3A_35 = tpu.sem_alloc : memref<!tpu.dma_semaphore, #tpu.memory_space<semaphore_mem>>
      %dma_start3A = arith.constant 0 : i32
      %dma_start3A_36 = arith.constant 0 : i32
      %dma_start3A_37 = tpu.memref_slice %arg2[%arg1, %dma_start3A, %dma_start3A_36] : memref<16x250x80xi32, #tpu.memory_space<hbm>> -> memref<1x250x80xi32, #tpu.memory_space<hbm>>
      %dma_start3A_38 = tpu.memref_squeeze %dma_start3A_37 : memref<1x250x80xi32, #tpu.memory_space<hbm>> -> memref<250x80xi32, #tpu.memory_space<hbm>>
      %dma_start3A_39 = arith.constant 0 : i32
      %dma_start3A_40 = arith.constant 0 : i32
      %dma_start3A_41 = tpu.memref_slice %arg2[%arg1, %dma_start3A_39, %dma_start3A_40] : memref<16x250x80xi32, #tpu.memory_space<hbm>> -> memref<1x250x80xi32, #tpu.memory_space<hbm>>
      %dma_start3A_42 = tpu.memref_squeeze %dma_start3A_41 : memref<1x250x80xi32, #tpu.memory_space<hbm>> -> memref<250x80xi32, #tpu.memory_space<hbm>>
      tpu.enqueue_dma source(%dma_start3A_42 : memref<250x80xi32, #tpu.memory_space<hbm>>) target(%arg7 : memref<250x80xi32, #tpu.memory_space<vmem>>) target_semaphore(%run_scoped3A_35 : memref<!tpu.dma_semaphore, #tpu.memory_space<semaphore_mem>>)
      %dma_wait3A = arith.constant 0 : i32
      %dma_wait3A_43 = arith.constant 0 : i32
      %dma_wait3A_44 = tpu.memref_slice %arg2[%arg1, %dma_wait3A, %dma_wait3A_43] : memref<16x250x80xi32, #tpu.memory_space<hbm>> -> memref<1x250x80xi32, #tpu.memory_space<hbm>>
      %dma_wait3A_45 = tpu.memref_squeeze %dma_wait3A_44 : memref<1x250x80xi32, #tpu.memory_space<hbm>> -> memref<250x80xi32, #tpu.memory_space<hbm>>
      %dma_wait3A_46 = arith.constant 0 : i32
      %dma_wait3A_47 = arith.constant 0 : i32
      %dma_wait3A_48 = tpu.memref_slice %arg2[%arg1, %dma_wait3A_46, %dma_wait3A_47] : memref<16x250x80xi32, #tpu.memory_space<hbm>> -> memref<1x250x80xi32, #tpu.memory_space<hbm>>
      %dma_wait3A_49 = tpu.memref_squeeze %dma_wait3A_48 : memref<1x250x80xi32, #tpu.memory_space<hbm>> -> memref<250x80xi32, #tpu.memory_space<hbm>>
      tpu.wait_dma2 semaphore(%run_scoped3A_35 : memref<!tpu.dma_semaphore, #tpu.memory_space<semaphore_mem>>) src(%dma_wait3A_49 : memref<250x80xi32, #tpu.memory_space<hbm>>) dst(%arg7 : memref<250x80xi32, #tpu.memory_space<vmem>>)
      tpu.yield
    }) : () -> ()
    %mul3A = arith.constant 5120 : i32
    %mul3A_0 = arith.muli %arg0, %mul3A : i32
    %add3A = arith.constant 0 : i32
    %add3A_1 = arith.addi %mul3A_0, %add3A : i32
    %run_scoped3A = arith.constant 0 : i32
    "tpu.region"() ({
      %run_scoped3A_35 = tpu.sem_alloc : memref<!tpu.dma_semaphore, #tpu.memory_space<semaphore_mem>>
      %dma_start3A = arith.constant 0 : i32
      %dma_start3A_36 = arith.constant 0 : i32
      %dma_start3A_37 = tpu.memref_slice %arg3[%arg0, %run_scoped3A, %arg1, %dma_start3A, %dma_start3A_36] : memref<2x2x16x250x80xi32, #tpu.memory_space<hbm>> -> memref<1x1x1x250x80xi32, #tpu.memory_space<hbm>>
      %dma_start3A_38 = tpu.memref_squeeze %dma_start3A_37 : memref<1x1x1x250x80xi32, #tpu.memory_space<hbm>> -> memref<250x80xi32, #tpu.memory_space<hbm>>
      %dma_start3A_39 = arith.constant 0 : i32
      %dma_start3A_40 = arith.constant 0 : i32
      %dma_start3A_41 = tpu.memref_slice %arg3[%arg0, %run_scoped3A, %arg1, %dma_start3A_39, %dma_start3A_40] : memref<2x2x16x250x80xi32, #tpu.memory_space<hbm>> -> memref<1x1x1x250x80xi32, #tpu.memory_space<hbm>>
      %dma_start3A_42 = tpu.memref_squeeze %dma_start3A_41 : memref<1x1x1x250x80xi32, #tpu.memory_space<hbm>> -> memref<250x80xi32, #tpu.memory_space<hbm>>
      tpu.enqueue_dma source(%dma_start3A_42 : memref<250x80xi32, #tpu.memory_space<hbm>>) target(%arg8 : memref<250x80xi32, #tpu.memory_space<vmem>>) target_semaphore(%run_scoped3A_35 : memref<!tpu.dma_semaphore, #tpu.memory_space<semaphore_mem>>)
      %dma_wait3A = arith.constant 0 : i32
      %dma_wait3A_43 = arith.constant 0 : i32
      %dma_wait3A_44 = tpu.memref_slice %arg3[%arg0, %run_scoped3A, %arg1, %dma_wait3A, %dma_wait3A_43] : memref<2x2x16x250x80xi32, #tpu.memory_space<hbm>> -> memref<1x1x1x250x80xi32, #tpu.memory_space<hbm>>
      %dma_wait3A_45 = tpu.memref_squeeze %dma_wait3A_44 : memref<1x1x1x250x80xi32, #tpu.memory_space<hbm>> -> memref<250x80xi32, #tpu.memory_space<hbm>>
      %dma_wait3A_46 = arith.constant 0 : i32
      %dma_wait3A_47 = arith.constant 0 : i32
      %dma_wait3A_48 = tpu.memref_slice %arg3[%arg0, %run_scoped3A, %arg1, %dma_wait3A_46, %dma_wait3A_47] : memref<2x2x16x250x80xi32, #tpu.memory_space<hbm>> -> memref<1x1x1x250x80xi32, #tpu.memory_space<hbm>>
      %dma_wait3A_49 = tpu.memref_squeeze %dma_wait3A_48 : memref<1x1x1x250x80xi32, #tpu.memory_space<hbm>> -> memref<250x80xi32, #tpu.memory_space<hbm>>
      tpu.wait_dma2 semaphore(%run_scoped3A_35 : memref<!tpu.dma_semaphore, #tpu.memory_space<semaphore_mem>>) src(%dma_wait3A_49 : memref<250x80xi32, #tpu.memory_space<hbm>>) dst(%arg8 : memref<250x80xi32, #tpu.memory_space<vmem>>)
      tpu.yield
    }) : () -> ()
    "tpu.region"() ({
      %run_scoped3A_35 = tpu.sem_alloc : memref<!tpu.dma_semaphore, #tpu.memory_space<semaphore_mem>>
      tpu.enqueue_dma source(%arg5 : memref<160x128xf32, #tpu.memory_space<hbm>>) target(%arg10 : memref<160x128xf32, #tpu.memory_space<vmem>>) target_semaphore(%run_scoped3A_35 : memref<!tpu.dma_semaphore, #tpu.memory_space<semaphore_mem>>)
      tpu.wait_dma2 semaphore(%run_scoped3A_35 : memref<!tpu.dma_semaphore, #tpu.memory_space<semaphore_mem>>) src(%arg5 : memref<160x128xf32, #tpu.memory_space<hbm>>) dst(%arg10 : memref<160x128xf32, #tpu.memory_space<vmem>>)
      tpu.yield
    }) : () -> ()
    %mul3A_2 = arith.constant 160 : i32
    %mul3A_3 = arith.muli %arg1, %mul3A_2 : i32
    "tpu.region"() ({
      %run_scoped3A_35 = tpu.sem_alloc : memref<!tpu.dma_semaphore, #tpu.memory_space<semaphore_mem>>
      %dma_start3A = arith.constant 0 : i32
      %dma_start3A_36 = tpu.memref_slice %arg11[%mul3A_3, %dma_start3A] : memref<2568x128xf32, #tpu.memory_space<vmem_shared>> -> memref<160x128xf32, #tpu.memory_space<vmem_shared>>
      %dma_start3A_37 = arith.constant 0 : i32
      %dma_start3A_38 = tpu.memref_slice %arg11[%mul3A_3, %dma_start3A_37] : memref<2568x128xf32, #tpu.memory_space<vmem_shared>> -> memref<160x128xf32, #tpu.memory_space<vmem_shared>>
      tpu.enqueue_dma source(%arg10 : memref<160x128xf32, #tpu.memory_space<vmem>>) target(%dma_start3A_38 : memref<160x128xf32, #tpu.memory_space<vmem_shared>>) target_semaphore(%run_scoped3A_35 : memref<!tpu.dma_semaphore, #tpu.memory_space<semaphore_mem>>)
      %dma_wait3A = arith.constant 0 : i32
      %dma_wait3A_39 = tpu.memref_slice %arg11[%mul3A_3, %dma_wait3A] : memref<2568x128xf32, #tpu.memory_space<vmem_shared>> -> memref<160x128xf32, #tpu.memory_space<vmem_shared>>
      %dma_wait3A_40 = arith.constant 0 : i32
      %dma_wait3A_41 = tpu.memref_slice %arg11[%mul3A_3, %dma_wait3A_40] : memref<2568x128xf32, #tpu.memory_space<vmem_shared>> -> memref<160x128xf32, #tpu.memory_space<vmem_shared>>
      tpu.wait_dma2 semaphore(%run_scoped3A_35 : memref<!tpu.dma_semaphore, #tpu.memory_space<semaphore_mem>>) src(%arg10 : memref<160x128xf32, #tpu.memory_space<vmem>>) dst(%dma_wait3A_41 : memref<160x128xf32, #tpu.memory_space<vmem_shared>>)
      tpu.yield
    }) : () -> ()
    %barrier3A = arith.constant 0 : index
    tpu.barrier barrier_id(%barrier3A)
    %scan3A = arith.constant 0 : i32
    %scan3A_4 = arith.constant 0 : i32
    %scan3A_5 = arith.constant 250 : i32
    %scan3A_6 = arith.addi %scan3A_4, %scan3A_5 : i32
    %scan3A_7 = arith.constant 1 : i32
    scf.for %scan3A_35 = %scan3A_4 to %scan3A_6 step %scan3A_7  : i32 {
      %dma_start3A = arith.constant 0 : i32
      %dma_start3A_36 = tpu.memref_slice %arg7[%scan3A_35, %dma_start3A] : memref<250x80xi32, #tpu.memory_space<vmem>> -> memref<1x80xi32, #tpu.memory_space<vmem>>
      %dma_start3A_37 = tpu.memref_squeeze %dma_start3A_36 : memref<1x80xi32, #tpu.memory_space<vmem>> -> memref<80xi32, #tpu.memory_space<vmem>>
      %dma_start3A_38 = arith.constant 0 : i32
      %dma_start3A_39 = arith.constant 0 : i32
      %dma_start3A_40 = tpu.memref_slice %arg4[%dma_start3A_38, %dma_start3A_39] : memref<10000x128xf32, #tpu.memory_space<hbm>> -> memref<10000x128xf32, #tpu.memory_space<hbm>>
      tpu.enqueue_indirect_dma source(%dma_start3A_40 : memref<10000x128xf32, #tpu.memory_space<hbm>>) target(%arg9 : memref<80x128xf32, #tpu.memory_space<vmem>>) offsets(%dma_start3A_37 : memref<80xi32, #tpu.memory_space<vmem>>) semaphore(%arg12 : memref<!tpu.dma_semaphore, #tpu.memory_space<semaphore_mem>>)
      %dma_wait3A = arith.constant 0 : i32
      %dma_wait3A_41 = tpu.memref_slice %arg7[%scan3A_35, %dma_wait3A] : memref<250x80xi32, #tpu.memory_space<vmem>> -> memref<1x80xi32, #tpu.memory_space<vmem>>
      %dma_wait3A_42 = tpu.memref_squeeze %dma_wait3A_41 : memref<1x80xi32, #tpu.memory_space<vmem>> -> memref<80xi32, #tpu.memory_space<vmem>>
      %dma_wait3A_43 = arith.constant 0 : i32
      %dma_wait3A_44 = arith.constant 0 : i32
      %dma_wait3A_45 = tpu.memref_slice %arg4[%dma_wait3A_43, %dma_wait3A_44] : memref<10000x128xf32, #tpu.memory_space<hbm>> -> memref<10000x128xf32, #tpu.memory_space<hbm>>
      tpu.wait_indirect_dma semaphore(%arg12 : memref<!tpu.dma_semaphore, #tpu.memory_space<semaphore_mem>>) src(%dma_wait3A_45 : memref<10000x128xf32, #tpu.memory_space<hbm>>) dst(%arg9 : memref<80x128xf32, #tpu.memory_space<vmem>>)
      "tpu.region"() ({
        %run_scoped3A_46 = tpu.sem_alloc : memref<!tpu.dma_semaphore, #tpu.memory_space<semaphore_mem>>
        %dma_start3A_47 = arith.constant 0 : i32
        %dma_start3A_48 = tpu.memref_slice %arg8[%scan3A_35, %dma_start3A_47] : memref<250x80xi32, #tpu.memory_space<vmem>> -> memref<1x80xi32, #tpu.memory_space<vmem>>
        %dma_start3A_49 = tpu.memref_squeeze %dma_start3A_48 : memref<1x80xi32, #tpu.memory_space<vmem>> -> memref<80xi32, #tpu.memory_space<vmem>>
        %dma_start3A_50 = arith.constant 0 : i32
        %dma_start3A_51 = arith.constant 0 : i32
        %dma_start3A_52 = tpu.memref_slice %arg11[%dma_start3A_50, %dma_start3A_51] : memref<2568x128xf32, #tpu.memory_space<vmem_shared>> -> memref<2568x128xf32, #tpu.memory_space<vmem_shared>>
        tpu.enqueue_indirect_dma source(%arg9 : memref<80x128xf32, #tpu.memory_space<vmem>>) target(%dma_start3A_52 : memref<2568x128xf32, #tpu.memory_space<vmem_shared>>) offsets(%dma_start3A_49 : memref<80xi32, #tpu.memory_space<vmem>>) semaphore(%run_scoped3A_46 : memref<!tpu.dma_semaphore, #tpu.memory_space<semaphore_mem>>) {add = true}
        %dma_wait3A_53 = arith.constant 0 : i32
        %dma_wait3A_54 = tpu.memref_slice %arg8[%scan3A_35, %dma_wait3A_53] : memref<250x80xi32, #tpu.memory_space<vmem>> -> memref<1x80xi32, #tpu.memory_space<vmem>>
        %dma_wait3A_55 = tpu.memref_squeeze %dma_wait3A_54 : memref<1x80xi32, #tpu.memory_space<vmem>> -> memref<80xi32, #tpu.memory_space<vmem>>
        %dma_wait3A_56 = arith.constant 0 : i32
        %dma_wait3A_57 = arith.constant 0 : i32
        %dma_wait3A_58 = tpu.memref_slice %arg11[%dma_wait3A_56, %dma_wait3A_57] : memref<2568x128xf32, #tpu.memory_space<vmem_shared>> -> memref<2568x128xf32, #tpu.memory_space<vmem_shared>>
        tpu.wait_indirect_dma semaphore(%run_scoped3A_46 : memref<!tpu.dma_semaphore, #tpu.memory_space<semaphore_mem>>) src(%arg9 : memref<80x128xf32, #tpu.memory_space<vmem>>) dst(%dma_wait3A_58 : memref<2568x128xf32, #tpu.memory_space<vmem_shared>>)
        tpu.yield
      }) : () -> ()
    }
    %scan3A_8 = arith.constant 250 : i32
    %barrier3A_9 = arith.constant 0 : index
    tpu.barrier barrier_id(%barrier3A_9)
    %mul3A_10 = arith.constant 160 : i32
    %mul3A_11 = arith.muli %arg1, %mul3A_10 : i32
    "tpu.region"() ({
      %run_scoped3A_35 = tpu.sem_alloc : memref<!tpu.dma_semaphore, #tpu.memory_space<semaphore_mem>>
      %dma_start3A = arith.constant 0 : i32
      %dma_start3A_36 = tpu.memref_slice %arg11[%mul3A_11, %dma_start3A] : memref<2568x128xf32, #tpu.memory_space<vmem_shared>> -> memref<160x128xf32, #tpu.memory_space<vmem_shared>>
      %dma_start3A_37 = arith.constant 0 : i32
      %dma_start3A_38 = tpu.memref_slice %arg11[%mul3A_11, %dma_start3A_37] : memref<2568x128xf32, #tpu.memory_space<vmem_shared>> -> memref<160x128xf32, #tpu.memory_space<vmem_shared>>
      tpu.enqueue_dma source(%dma_start3A_38 : memref<160x128xf32, #tpu.memory_space<vmem_shared>>) target(%arg10 : memref<160x128xf32, #tpu.memory_space<vmem>>) target_semaphore(%run_scoped3A_35 : memref<!tpu.dma_semaphore, #tpu.memory_space<semaphore_mem>>)
      %dma_wait3A = arith.constant 0 : i32
      %dma_wait3A_39 = tpu.memref_slice %arg11[%mul3A_11, %dma_wait3A] : memref<2568x128xf32, #tpu.memory_space<vmem_shared>> -> memref<160x128xf32, #tpu.memory_space<vmem_shared>>
      %dma_wait3A_40 = arith.constant 0 : i32
      %dma_wait3A_41 = tpu.memref_slice %arg11[%mul3A_11, %dma_wait3A_40] : memref<2568x128xf32, #tpu.memory_space<vmem_shared>> -> memref<160x128xf32, #tpu.memory_space<vmem_shared>>
      tpu.wait_dma2 semaphore(%run_scoped3A_35 : memref<!tpu.dma_semaphore, #tpu.memory_space<semaphore_mem>>) src(%dma_wait3A_41 : memref<160x128xf32, #tpu.memory_space<vmem_shared>>) dst(%arg10 : memref<160x128xf32, #tpu.memory_space<vmem>>)
      tpu.yield
    }) : () -> ()
    %mul3A_12 = arith.constant 160 : i32
    %mul3A_13 = arith.muli %arg1, %mul3A_12 : i32
    %add3A_14 = arith.addi %add3A_1, %mul3A_13 : i32
    "tpu.region"() ({
      %run_scoped3A_35 = tpu.sem_alloc : memref<!tpu.dma_semaphore, #tpu.memory_space<semaphore_mem>>
      %dma_start3A = arith.constant 0 : i32
      %dma_start3A_36 = tpu.memref_slice %arg6[%add3A_14, %dma_start3A] : memref<10240x128xf32, #tpu.memory_space<hbm>> -> memref<160x128xf32, #tpu.memory_space<hbm>>
      %dma_start3A_37 = arith.constant 0 : i32
      %dma_start3A_38 = tpu.memref_slice %arg6[%add3A_14, %dma_start3A_37] : memref<10240x128xf32, #tpu.memory_space<hbm>> -> memref<160x128xf32, #tpu.memory_space<hbm>>
      tpu.enqueue_dma source(%arg10 : memref<160x128xf32, #tpu.memory_space<vmem>>) target(%dma_start3A_38 : memref<160x128xf32, #tpu.memory_space<hbm>>) target_semaphore(%run_scoped3A_35 : memref<!tpu.dma_semaphore, #tpu.memory_space<semaphore_mem>>)
      %dma_wait3A = arith.constant 0 : i32
      %dma_wait3A_39 = tpu.memref_slice %arg6[%add3A_14, %dma_wait3A] : memref<10240x128xf32, #tpu.memory_space<hbm>> -> memref<160x128xf32, #tpu.memory_space<hbm>>
      %dma_wait3A_40 = arith.constant 0 : i32
      %dma_wait3A_41 = tpu.memref_slice %arg6[%add3A_14, %dma_wait3A_40] : memref<10240x128xf32, #tpu.memory_space<hbm>> -> memref<160x128xf32, #tpu.memory_space<hbm>>
      tpu.wait_dma2 semaphore(%run_scoped3A_35 : memref<!tpu.dma_semaphore, #tpu.memory_space<semaphore_mem>>) src(%arg10 : memref<160x128xf32, #tpu.memory_space<vmem>>) dst(%dma_wait3A_41 : memref<160x128xf32, #tpu.memory_space<hbm>>)
      tpu.yield
    }) : () -> ()
    %mul3A_15 = arith.constant 5120 : i32
    %mul3A_16 = arith.muli %arg0, %mul3A_15 : i32
    %add3A_17 = arith.constant 2560 : i32
    %add3A_18 = arith.addi %mul3A_16, %add3A_17 : i32
    %run_scoped3A_19 = arith.constant 1 : i32
    "tpu.region"() ({
      %run_scoped3A_35 = tpu.sem_alloc : memref<!tpu.dma_semaphore, #tpu.memory_space<semaphore_mem>>
      %dma_start3A = arith.constant 0 : i32
      %dma_start3A_36 = arith.constant 0 : i32
      %dma_start3A_37 = tpu.memref_slice %arg3[%arg0, %run_scoped3A_19, %arg1, %dma_start3A, %dma_start3A_36] : memref<2x2x16x250x80xi32, #tpu.memory_space<hbm>> -> memref<1x1x1x250x80xi32, #tpu.memory_space<hbm>>
      %dma_start3A_38 = tpu.memref_squeeze %dma_start3A_37 : memref<1x1x1x250x80xi32, #tpu.memory_space<hbm>> -> memref<250x80xi32, #tpu.memory_space<hbm>>
      %dma_start3A_39 = arith.constant 0 : i32
      %dma_start3A_40 = arith.constant 0 : i32
      %dma_start3A_41 = tpu.memref_slice %arg3[%arg0, %run_scoped3A_19, %arg1, %dma_start3A_39, %dma_start3A_40] : memref<2x2x16x250x80xi32, #tpu.memory_space<hbm>> -> memref<1x1x1x250x80xi32, #tpu.memory_space<hbm>>
      %dma_start3A_42 = tpu.memref_squeeze %dma_start3A_41 : memref<1x1x1x250x80xi32, #tpu.memory_space<hbm>> -> memref<250x80xi32, #tpu.memory_space<hbm>>
      tpu.enqueue_dma source(%dma_start3A_42 : memref<250x80xi32, #tpu.memory_space<hbm>>) target(%arg8 : memref<250x80xi32, #tpu.memory_space<vmem>>) target_semaphore(%run_scoped3A_35 : memref<!tpu.dma_semaphore, #tpu.memory_space<semaphore_mem>>)
      %dma_wait3A = arith.constant 0 : i32
      %dma_wait3A_43 = arith.constant 0 : i32
      %dma_wait3A_44 = tpu.memref_slice %arg3[%arg0, %run_scoped3A_19, %arg1, %dma_wait3A, %dma_wait3A_43] : memref<2x2x16x250x80xi32, #tpu.memory_space<hbm>> -> memref<1x1x1x250x80xi32, #tpu.memory_space<hbm>>
      %dma_wait3A_45 = tpu.memref_squeeze %dma_wait3A_44 : memref<1x1x1x250x80xi32, #tpu.memory_space<hbm>> -> memref<250x80xi32, #tpu.memory_space<hbm>>
      %dma_wait3A_46 = arith.constant 0 : i32
      %dma_wait3A_47 = arith.constant 0 : i32
      %dma_wait3A_48 = tpu.memref_slice %arg3[%arg0, %run_scoped3A_19, %arg1, %dma_wait3A_46, %dma_wait3A_47] : memref<2x2x16x250x80xi32, #tpu.memory_space<hbm>> -> memref<1x1x1x250x80xi32, #tpu.memory_space<hbm>>
      %dma_wait3A_49 = tpu.memref_squeeze %dma_wait3A_48 : memref<1x1x1x250x80xi32, #tpu.memory_space<hbm>> -> memref<250x80xi32, #tpu.memory_space<hbm>>
      tpu.wait_dma2 semaphore(%run_scoped3A_35 : memref<!tpu.dma_semaphore, #tpu.memory_space<semaphore_mem>>) src(%dma_wait3A_49 : memref<250x80xi32, #tpu.memory_space<hbm>>) dst(%arg8 : memref<250x80xi32, #tpu.memory_space<vmem>>)
      tpu.yield
    }) : () -> ()
    "tpu.region"() ({
      %run_scoped3A_35 = tpu.sem_alloc : memref<!tpu.dma_semaphore, #tpu.memory_space<semaphore_mem>>
      tpu.enqueue_dma source(%arg5 : memref<160x128xf32, #tpu.memory_space<hbm>>) target(%arg10 : memref<160x128xf32, #tpu.memory_space<vmem>>) target_semaphore(%run_scoped3A_35 : memref<!tpu.dma_semaphore, #tpu.memory_space<semaphore_mem>>)
      tpu.wait_dma2 semaphore(%run_scoped3A_35 : memref<!tpu.dma_semaphore, #tpu.memory_space<semaphore_mem>>) src(%arg5 : memref<160x128xf32, #tpu.memory_space<hbm>>) dst(%arg10 : memref<160x128xf32, #tpu.memory_space<vmem>>)
      tpu.yield
    }) : () -> ()
    %mul3A_20 = arith.constant 160 : i32
    %mul3A_21 = arith.muli %arg1, %mul3A_20 : i32
    "tpu.region"() ({
      %run_scoped3A_35 = tpu.sem_alloc : memref<!tpu.dma_semaphore, #tpu.memory_space<semaphore_mem>>
      %dma_start3A = arith.constant 0 : i32
      %dma_start3A_36 = tpu.memref_slice %arg11[%mul3A_21, %dma_start3A] : memref<2568x128xf32, #tpu.memory_space<vmem_shared>> -> memref<160x128xf32, #tpu.memory_space<vmem_shared>>
      %dma_start3A_37 = arith.constant 0 : i32
      %dma_start3A_38 = tpu.memref_slice %arg11[%mul3A_21, %dma_start3A_37] : memref<2568x128xf32, #tpu.memory_space<vmem_shared>> -> memref<160x128xf32, #tpu.memory_space<vmem_shared>>
      tpu.enqueue_dma source(%arg10 : memref<160x128xf32, #tpu.memory_space<vmem>>) target(%dma_start3A_38 : memref<160x128xf32, #tpu.memory_space<vmem_shared>>) target_semaphore(%run_scoped3A_35 : memref<!tpu.dma_semaphore, #tpu.memory_space<semaphore_mem>>)
      %dma_wait3A = arith.constant 0 : i32
      %dma_wait3A_39 = tpu.memref_slice %arg11[%mul3A_21, %dma_wait3A] : memref<2568x128xf32, #tpu.memory_space<vmem_shared>> -> memref<160x128xf32, #tpu.memory_space<vmem_shared>>
      %dma_wait3A_40 = arith.constant 0 : i32
      %dma_wait3A_41 = tpu.memref_slice %arg11[%mul3A_21, %dma_wait3A_40] : memref<2568x128xf32, #tpu.memory_space<vmem_shared>> -> memref<160x128xf32, #tpu.memory_space<vmem_shared>>
      tpu.wait_dma2 semaphore(%run_scoped3A_35 : memref<!tpu.dma_semaphore, #tpu.memory_space<semaphore_mem>>) src(%arg10 : memref<160x128xf32, #tpu.memory_space<vmem>>) dst(%dma_wait3A_41 : memref<160x128xf32, #tpu.memory_space<vmem_shared>>)
      tpu.yield
    }) : () -> ()
    %barrier3A_22 = arith.constant 0 : index
    tpu.barrier barrier_id(%barrier3A_22)
    %scan3A_23 = arith.constant 0 : i32
    %scan3A_24 = arith.constant 0 : i32
    %scan3A_25 = arith.constant 250 : i32
    %scan3A_26 = arith.addi %scan3A_24, %scan3A_25 : i32
    %scan3A_27 = arith.constant 1 : i32
    scf.for %scan3A_35 = %scan3A_24 to %scan3A_26 step %scan3A_27  : i32 {
      %dma_start3A = arith.constant 0 : i32
      %dma_start3A_36 = tpu.memref_slice %arg7[%scan3A_35, %dma_start3A] : memref<250x80xi32, #tpu.memory_space<vmem>> -> memref<1x80xi32, #tpu.memory_space<vmem>>
      %dma_start3A_37 = tpu.memref_squeeze %dma_start3A_36 : memref<1x80xi32, #tpu.memory_space<vmem>> -> memref<80xi32, #tpu.memory_space<vmem>>
      %dma_start3A_38 = arith.constant 0 : i32
      %dma_start3A_39 = arith.constant 0 : i32
      %dma_start3A_40 = tpu.memref_slice %arg4[%dma_start3A_38, %dma_start3A_39] : memref<10000x128xf32, #tpu.memory_space<hbm>> -> memref<10000x128xf32, #tpu.memory_space<hbm>>
      tpu.enqueue_indirect_dma source(%dma_start3A_40 : memref<10000x128xf32, #tpu.memory_space<hbm>>) target(%arg9 : memref<80x128xf32, #tpu.memory_space<vmem>>) offsets(%dma_start3A_37 : memref<80xi32, #tpu.memory_space<vmem>>) semaphore(%arg12 : memref<!tpu.dma_semaphore, #tpu.memory_space<semaphore_mem>>)
      %dma_wait3A = arith.constant 0 : i32
      %dma_wait3A_41 = tpu.memref_slice %arg7[%scan3A_35, %dma_wait3A] : memref<250x80xi32, #tpu.memory_space<vmem>> -> memref<1x80xi32, #tpu.memory_space<vmem>>
      %dma_wait3A_42 = tpu.memref_squeeze %dma_wait3A_41 : memref<1x80xi32, #tpu.memory_space<vmem>> -> memref<80xi32, #tpu.memory_space<vmem>>
      %dma_wait3A_43 = arith.constant 0 : i32
      %dma_wait3A_44 = arith.constant 0 : i32
      %dma_wait3A_45 = tpu.memref_slice %arg4[%dma_wait3A_43, %dma_wait3A_44] : memref<10000x128xf32, #tpu.memory_space<hbm>> -> memref<10000x128xf32, #tpu.memory_space<hbm>>
      tpu.wait_indirect_dma semaphore(%arg12 : memref<!tpu.dma_semaphore, #tpu.memory_space<semaphore_mem>>) src(%dma_wait3A_45 : memref<10000x128xf32, #tpu.memory_space<hbm>>) dst(%arg9 : memref<80x128xf32, #tpu.memory_space<vmem>>)
      "tpu.region"() ({
        %run_scoped3A_46 = tpu.sem_alloc : memref<!tpu.dma_semaphore, #tpu.memory_space<semaphore_mem>>
        %dma_start3A_47 = arith.constant 0 : i32
        %dma_start3A_48 = tpu.memref_slice %arg8[%scan3A_35, %dma_start3A_47] : memref<250x80xi32, #tpu.memory_space<vmem>> -> memref<1x80xi32, #tpu.memory_space<vmem>>
        %dma_start3A_49 = tpu.memref_squeeze %dma_start3A_48 : memref<1x80xi32, #tpu.memory_space<vmem>> -> memref<80xi32, #tpu.memory_space<vmem>>
        %dma_start3A_50 = arith.constant 0 : i32
        %dma_start3A_51 = arith.constant 0 : i32
        %dma_start3A_52 = tpu.memref_slice %arg11[%dma_start3A_50, %dma_start3A_51] : memref<2568x128xf32, #tpu.memory_space<vmem_shared>> -> memref<2568x128xf32, #tpu.memory_space<vmem_shared>>
        tpu.enqueue_indirect_dma source(%arg9 : memref<80x128xf32, #tpu.memory_space<vmem>>) target(%dma_start3A_52 : memref<2568x128xf32, #tpu.memory_space<vmem_shared>>) offsets(%dma_start3A_49 : memref<80xi32, #tpu.memory_space<vmem>>) semaphore(%run_scoped3A_46 : memref<!tpu.dma_semaphore, #tpu.memory_space<semaphore_mem>>) {add = true}
        %dma_wait3A_53 = arith.constant 0 : i32
        %dma_wait3A_54 = tpu.memref_slice %arg8[%scan3A_35, %dma_wait3A_53] : memref<250x80xi32, #tpu.memory_space<vmem>> -> memref<1x80xi32, #tpu.memory_space<vmem>>
        %dma_wait3A_55 = tpu.memref_squeeze %dma_wait3A_54 : memref<1x80xi32, #tpu.memory_space<vmem>> -> memref<80xi32, #tpu.memory_space<vmem>>
        %dma_wait3A_56 = arith.constant 0 : i32
        %dma_wait3A_57 = arith.constant 0 : i32
        %dma_wait3A_58 = tpu.memref_slice %arg11[%dma_wait3A_56, %dma_wait3A_57] : memref<2568x128xf32, #tpu.memory_space<vmem_shared>> -> memref<2568x128xf32, #tpu.memory_space<vmem_shared>>
        tpu.wait_indirect_dma semaphore(%run_scoped3A_46 : memref<!tpu.dma_semaphore, #tpu.memory_space<semaphore_mem>>) src(%arg9 : memref<80x128xf32, #tpu.memory_space<vmem>>) dst(%dma_wait3A_58 : memref<2568x128xf32, #tpu.memory_space<vmem_shared>>)
        tpu.yield
      }) : () -> ()
    }
    %scan3A_28 = arith.constant 250 : i32
    %barrier3A_29 = arith.constant 0 : index
    tpu.barrier barrier_id(%barrier3A_29)
    %mul3A_30 = arith.constant 160 : i32
    %mul3A_31 = arith.muli %arg1, %mul3A_30 : i32
    "tpu.region"() ({
      %run_scoped3A_35 = tpu.sem_alloc : memref<!tpu.dma_semaphore, #tpu.memory_space<semaphore_mem>>
      %dma_start3A = arith.constant 0 : i32
      %dma_start3A_36 = tpu.memref_slice %arg11[%mul3A_31, %dma_start3A] : memref<2568x128xf32, #tpu.memory_space<vmem_shared>> -> memref<160x128xf32, #tpu.memory_space<vmem_shared>>
      %dma_start3A_37 = arith.constant 0 : i32
      %dma_start3A_38 = tpu.memref_slice %arg11[%mul3A_31, %dma_start3A_37] : memref<2568x128xf32, #tpu.memory_space<vmem_shared>> -> memref<160x128xf32, #tpu.memory_space<vmem_shared>>
      tpu.enqueue_dma source(%dma_start3A_38 : memref<160x128xf32, #tpu.memory_space<vmem_shared>>) target(%arg10 : memref<160x128xf32, #tpu.memory_space<vmem>>) target_semaphore(%run_scoped3A_35 : memref<!tpu.dma_semaphore, #tpu.memory_space<semaphore_mem>>)
      %dma_wait3A = arith.constant 0 : i32
      %dma_wait3A_39 = tpu.memref_slice %arg11[%mul3A_31, %dma_wait3A] : memref<2568x128xf32, #tpu.memory_space<vmem_shared>> -> memref<160x128xf32, #tpu.memory_space<vmem_shared>>
      %dma_wait3A_40 = arith.constant 0 : i32
      %dma_wait3A_41 = tpu.memref_slice %arg11[%mul3A_31, %dma_wait3A_40] : memref<2568x128xf32, #tpu.memory_space<vmem_shared>> -> memref<160x128xf32, #tpu.memory_space<vmem_shared>>
      tpu.wait_dma2 semaphore(%run_scoped3A_35 : memref<!tpu.dma_semaphore, #tpu.memory_space<semaphore_mem>>) src(%dma_wait3A_41 : memref<160x128xf32, #tpu.memory_space<vmem_shared>>) dst(%arg10 : memref<160x128xf32, #tpu.memory_space<vmem>>)
      tpu.yield
    }) : () -> ()
    %mul3A_32 = arith.constant 160 : i32
    %mul3A_33 = arith.muli %arg1, %mul3A_32 : i32
    %add3A_34 = arith.addi %add3A_18, %mul3A_33 : i32
    "tpu.region"() ({
      %run_scoped3A_35 = tpu.sem_alloc : memref<!tpu.dma_semaphore, #tpu.memory_space<semaphore_mem>>
      %dma_start3A = arith.constant 0 : i32
      %dma_start3A_36 = tpu.memref_slice %arg6[%add3A_34, %dma_start3A] : memref<10240x128xf32, #tpu.memory_space<hbm>> -> memref<160x128xf32, #tpu.memory_space<hbm>>
      %dma_start3A_37 = arith.constant 0 : i32
      %dma_start3A_38 = tpu.memref_slice %arg6[%add3A_34, %dma_start3A_37] : memref<10240x128xf32, #tpu.memory_space<hbm>> -> memref<160x128xf32, #tpu.memory_space<hbm>>
      tpu.enqueue_dma source(%arg10 : memref<160x128xf32, #tpu.memory_space<vmem>>) target(%dma_start3A_38 : memref<160x128xf32, #tpu.memory_space<hbm>>) target_semaphore(%run_scoped3A_35 : memref<!tpu.dma_semaphore, #tpu.memory_space<semaphore_mem>>)
      %dma_wait3A = arith.constant 0 : i32
      %dma_wait3A_39 = tpu.memref_slice %arg6[%add3A_34, %dma_wait3A] : memref<10240x128xf32, #tpu.memory_space<hbm>> -> memref<160x128xf32, #tpu.memory_space<hbm>>
      %dma_wait3A_40 = arith.constant 0 : i32
      %dma_wait3A_41 = tpu.memref_slice %arg6[%add3A_34, %dma_wait3A_40] : memref<10240x128xf32, #tpu.memory_space<hbm>> -> memref<160x128xf32, #tpu.memory_space<hbm>>
      tpu.wait_dma2 semaphore(%run_scoped3A_35 : memref<!tpu.dma_semaphore, #tpu.memory_space<semaphore_mem>>) src(%arg10 : memref<160x128xf32, #tpu.memory_space<vmem>>) dst(%dma_wait3A_41 : memref<160x128xf32, #tpu.memory_space<hbm>>)
      tpu.yield
    }) : () -> ()
    return
  }
}

module attributes {stable_mosaic.version = 14 : i64} {
  func.func @_clamp_body(%arg0: i32, %arg1: memref<2500x128xi32, #tpu.memory_space<vmem>>, %arg2: memref<2x2500x128xi32, #tpu.memory_space<vmem>>, %arg3: memref<2x2x2500x128xi32, #tpu.memory_space<vmem>>) attributes {dimension_semantics = [#tpu.dimension_semantics<arbitrary>], iteration_bounds = array<i64: 1>, scalar_prefetch = 0 : i64, scratch_operands = 0 : i64, tpu.core_type = #tpu.core_type<tc>, window_params = [{transform_indices = @transform_0, window_bounds = array<i64: 2500, 128>}, {transform_indices = @transform_1, window_bounds = array<i64: 2, 2500, 128>}, {transform_indices = @transform_2, window_bounds = array<i64: 2, 2, 2500, 128>}]} {
    %get3A = arith.constant 0 : index
    %get3A_0 = arith.constant 0 : index
    %get3A_1 = vector.load %arg1[%get3A, %get3A_0] : memref<2500x128xi32, #tpu.memory_space<vmem>>, vector<2500x128xi32>
    %sub3A = arith.constant 0 : i32
    %sub3A_2 = vector.broadcast %sub3A : i32 to vector<2500x128xi32>
    %sub3A_3 = arith.subi %get3A_1, %sub3A_2 : vector<2500x128xi32>
    %ge3A = arith.constant 0 : i32
    %ge3A_4 = vector.broadcast %ge3A : i32 to vector<2500x128xi32>
    %ge3A_5 = arith.cmpi sge, %sub3A_3, %ge3A_4 : vector<2500x128xi32>
    %lt3A = arith.constant 5120 : i32
    %lt3A_6 = vector.broadcast %lt3A : i32 to vector<2500x128xi32>
    %lt3A_7 = arith.cmpi slt, %sub3A_3, %lt3A_6 : vector<2500x128xi32>
    %and3A = arith.andi %ge3A_5, %lt3A_7 : vector<2500x128xi1>
    %jit3A = arith.constant 5120 : i32
    %broadcast_in_dim3A = vector.broadcast %jit3A : i32 to vector<2500x128xi32>
    %select_n3A = arith.select %and3A, %sub3A_3, %broadcast_in_dim3A : vector<2500x128xi1>, vector<2500x128xi32>
    %swap3A = arith.constant 0 : index
    %swap3A_8 = arith.constant 0 : index
    %swap3A_9 = arith.constant 0 : index
    %swap3A_10 = vector.load %arg2[%swap3A, %swap3A_8, %swap3A_9] : memref<2x2500x128xi32, #tpu.memory_space<vmem>>, vector<1x2500x128xi32>
    %swap3A_11 = vector.shape_cast %swap3A_10 : vector<1x2500x128xi32> to vector<2500x128xi32>
    %swap3A_12 = vector.shape_cast %select_n3A : vector<2500x128xi32> to vector<1x2500x128xi32>
    tpu.vector_store %arg2[%swap3A, %swap3A_8, %swap3A_9], %swap3A_12 {strides = array<i32>} : memref<2x2500x128xi32, #tpu.memory_space<vmem>>, vector<1x2500x128xi32>,
    %sub3A_13 = arith.constant 0 : i32
    %sub3A_14 = vector.broadcast %sub3A_13 : i32 to vector<2500x128xi32>
    %sub3A_15 = arith.subi %get3A_1, %sub3A_14 : vector<2500x128xi32>
    %ge3A_16 = arith.constant 0 : i32
    %ge3A_17 = vector.broadcast %ge3A_16 : i32 to vector<2500x128xi32>
    %ge3A_18 = arith.cmpi sge, %sub3A_15, %ge3A_17 : vector<2500x128xi32>
    %lt3A_19 = arith.constant 2560 : i32
    %lt3A_20 = vector.broadcast %lt3A_19 : i32 to vector<2500x128xi32>
    %lt3A_21 = arith.cmpi slt, %sub3A_15, %lt3A_20 : vector<2500x128xi32>
    %and3A_22 = arith.andi %ge3A_18, %lt3A_21 : vector<2500x128xi1>
    %jit3A_23 = arith.constant 2560 : i32
    %broadcast_in_dim3A_24 = vector.broadcast %jit3A_23 : i32 to vector<2500x128xi32>
    %select_n3A_25 = arith.select %and3A_22, %sub3A_15, %broadcast_in_dim3A_24 : vector<2500x128xi1>, vector<2500x128xi32>
    %swap3A_26 = arith.constant 0 : index
    %swap3A_27 = arith.constant 0 : index
    %swap3A_28 = arith.constant 0 : index
    %swap3A_29 = arith.constant 0 : index
    %swap3A_30 = vector.load %arg3[%swap3A_26, %swap3A_27, %swap3A_28, %swap3A_29] : memref<2x2x2500x128xi32, #tpu.memory_space<vmem>>, vector<1x1x2500x128xi32>
    %swap3A_31 = vector.shape_cast %swap3A_30 : vector<1x1x2500x128xi32> to vector<2500x128xi32>
    %swap3A_32 = vector.shape_cast %select_n3A_25 : vector<2500x128xi32> to vector<1x1x2500x128xi32>
    tpu.vector_store %arg3[%swap3A_26, %swap3A_27, %swap3A_28, %swap3A_29], %swap3A_32 {strides = array<i32>} : memref<2x2x2500x128xi32, #tpu.memory_space<vmem>>, vector<1x1x2500x128xi32>,
    %sub3A_33 = arith.constant 2560 : i32
    %sub3A_34 = vector.broadcast %sub3A_33 : i32 to vector<2500x128xi32>
    %sub3A_35 = arith.subi %get3A_1, %sub3A_34 : vector<2500x128xi32>
    %ge3A_36 = arith.constant 0 : i32
    %ge3A_37 = vector.broadcast %ge3A_36 : i32 to vector<2500x128xi32>
    %ge3A_38 = arith.cmpi sge, %sub3A_35, %ge3A_37 : vector<2500x128xi32>
    %lt3A_39 = arith.constant 2560 : i32
    %lt3A_40 = vector.broadcast %lt3A_39 : i32 to vector<2500x128xi32>
    %lt3A_41 = arith.cmpi slt, %sub3A_35, %lt3A_40 : vector<2500x128xi32>
    %and3A_42 = arith.andi %ge3A_38, %lt3A_41 : vector<2500x128xi1>
    %jit3A_43 = arith.constant 2560 : i32
    %broadcast_in_dim3A_44 = vector.broadcast %jit3A_43 : i32 to vector<2500x128xi32>
    %select_n3A_45 = arith.select %and3A_42, %sub3A_35, %broadcast_in_dim3A_44 : vector<2500x128xi1>, vector<2500x128xi32>
    %swap3A_46 = arith.constant 0 : index
    %swap3A_47 = arith.constant 1 : index
    %swap3A_48 = arith.constant 0 : index
    %swap3A_49 = arith.constant 0 : index
    %swap3A_50 = vector.load %arg3[%swap3A_46, %swap3A_47, %swap3A_48, %swap3A_49] : memref<2x2x2500x128xi32, #tpu.memory_space<vmem>>, vector<1x1x2500x128xi32>
    %swap3A_51 = vector.shape_cast %swap3A_50 : vector<1x1x2500x128xi32> to vector<2500x128xi32>
    %swap3A_52 = vector.shape_cast %select_n3A_45 : vector<2500x128xi32> to vector<1x1x2500x128xi32>
    tpu.vector_store %arg3[%swap3A_46, %swap3A_47, %swap3A_48, %swap3A_49], %swap3A_52 {strides = array<i32>} : memref<2x2x2500x128xi32, #tpu.memory_space<vmem>>, vector<1x1x2500x128xi32>,
    %sub3A_53 = arith.constant 5120 : i32
    %sub3A_54 = vector.broadcast %sub3A_53 : i32 to vector<2500x128xi32>
    %sub3A_55 = arith.subi %get3A_1, %sub3A_54 : vector<2500x128xi32>
    %ge3A_56 = arith.constant 0 : i32
    %ge3A_57 = vector.broadcast %ge3A_56 : i32 to vector<2500x128xi32>
    %ge3A_58 = arith.cmpi sge, %sub3A_55, %ge3A_57 : vector<2500x128xi32>
    %lt3A_59 = arith.constant 5120 : i32
    %lt3A_60 = vector.broadcast %lt3A_59 : i32 to vector<2500x128xi32>
    %lt3A_61 = arith.cmpi slt, %sub3A_55, %lt3A_60 : vector<2500x128xi32>
    %and3A_62 = arith.andi %ge3A_58, %lt3A_61 : vector<2500x128xi1>
    %jit3A_63 = arith.constant 5120 : i32
    %broadcast_in_dim3A_64 = vector.broadcast %jit3A_63 : i32 to vector<2500x128xi32>
    %select_n3A_65 = arith.select %and3A_62, %sub3A_55, %broadcast_in_dim3A_64 : vector<2500x128xi1>, vector<2500x128xi32>
    %swap3A_66 = arith.constant 1 : index
    %swap3A_67 = arith.constant 0 : index
    %swap3A_68 = arith.constant 0 : index
    %swap3A_69 = vector.load %arg2[%swap3A_66, %swap3A_67, %swap3A_68] : memref<2x2500x128xi32, #tpu.memory_space<vmem>>, vector<1x2500x128xi32>
    %swap3A_70 = vector.shape_cast %swap3A_69 : vector<1x2500x128xi32> to vector<2500x128xi32>
    %swap3A_71 = vector.shape_cast %select_n3A_65 : vector<2500x128xi32> to vector<1x2500x128xi32>
    tpu.vector_store %arg2[%swap3A_66, %swap3A_67, %swap3A_68], %swap3A_71 {strides = array<i32>} : memref<2x2500x128xi32, #tpu.memory_space<vmem>>, vector<1x2500x128xi32>,
    %sub3A_72 = arith.constant 5120 : i32
    %sub3A_73 = vector.broadcast %sub3A_72 : i32 to vector<2500x128xi32>
    %sub3A_74 = arith.subi %get3A_1, %sub3A_73 : vector<2500x128xi32>
    %ge3A_75 = arith.constant 0 : i32
    %ge3A_76 = vector.broadcast %ge3A_75 : i32 to vector<2500x128xi32>
    %ge3A_77 = arith.cmpi sge, %sub3A_74, %ge3A_76 : vector<2500x128xi32>
    %lt3A_78 = arith.constant 2560 : i32
    %lt3A_79 = vector.broadcast %lt3A_78 : i32 to vector<2500x128xi32>
    %lt3A_80 = arith.cmpi slt, %sub3A_74, %lt3A_79 : vector<2500x128xi32>
    %and3A_81 = arith.andi %ge3A_77, %lt3A_80 : vector<2500x128xi1>
    %jit3A_82 = arith.constant 2560 : i32
    %broadcast_in_dim3A_83 = vector.broadcast %jit3A_82 : i32 to vector<2500x128xi32>
    %select_n3A_84 = arith.select %and3A_81, %sub3A_74, %broadcast_in_dim3A_83 : vector<2500x128xi1>, vector<2500x128xi32>
    %swap3A_85 = arith.constant 1 : index
    %swap3A_86 = arith.constant 0 : index
    %swap3A_87 = arith.constant 0 : index
    %swap3A_88 = arith.constant 0 : index
    %swap3A_89 = vector.load %arg3[%swap3A_85, %swap3A_86, %swap3A_87, %swap3A_88] : memref<2x2x2500x128xi32, #tpu.memory_space<vmem>>, vector<1x1x2500x128xi32>
    %swap3A_90 = vector.shape_cast %swap3A_89 : vector<1x1x2500x128xi32> to vector<2500x128xi32>
    %swap3A_91 = vector.shape_cast %select_n3A_84 : vector<2500x128xi32> to vector<1x1x2500x128xi32>
    tpu.vector_store %arg3[%swap3A_85, %swap3A_86, %swap3A_87, %swap3A_88], %swap3A_91 {strides = array<i32>} : memref<2x2x2500x128xi32, #tpu.memory_space<vmem>>, vector<1x1x2500x128xi32>,
    %sub3A_92 = arith.constant 7680 : i32
    %sub3A_93 = vector.broadcast %sub3A_92 : i32 to vector<2500x128xi32>
    %sub3A_94 = arith.subi %get3A_1, %sub3A_93 : vector<2500x128xi32>
    %ge3A_95 = arith.constant 0 : i32
    %ge3A_96 = vector.broadcast %ge3A_95 : i32 to vector<2500x128xi32>
    %ge3A_97 = arith.cmpi sge, %sub3A_94, %ge3A_96 : vector<2500x128xi32>
    %lt3A_98 = arith.constant 2560 : i32
    %lt3A_99 = vector.broadcast %lt3A_98 : i32 to vector<2500x128xi32>
    %lt3A_100 = arith.cmpi slt, %sub3A_94, %lt3A_99 : vector<2500x128xi32>
    %and3A_101 = arith.andi %ge3A_97, %lt3A_100 : vector<2500x128xi1>
    %jit3A_102 = arith.constant 2560 : i32
    %broadcast_in_dim3A_103 = vector.broadcast %jit3A_102 : i32 to vector<2500x128xi32>
    %select_n3A_104 = arith.select %and3A_101, %sub3A_94, %broadcast_in_dim3A_103 : vector<2500x128xi1>, vector<2500x128xi32>
    %swap3A_105 = arith.constant 1 : index
    %swap3A_106 = arith.constant 1 : index
    %swap3A_107 = arith.constant 0 : index
    %swap3A_108 = arith.constant 0 : index
    %swap3A_109 = vector.load %arg3[%swap3A_105, %swap3A_106, %swap3A_107, %swap3A_108] : memref<2x2x2500x128xi32, #tpu.memory_space<vmem>>, vector<1x1x2500x128xi32>
    %swap3A_110 = vector.shape_cast %swap3A_109 : vector<1x1x2500x128xi32> to vector<2500x128xi32>
    %swap3A_111 = vector.shape_cast %select_n3A_104 : vector<2500x128xi32> to vector<1x1x2500x128xi32>
    tpu.vector_store %arg3[%swap3A_105, %swap3A_106, %swap3A_107, %swap3A_108], %swap3A_111 {strides = array<i32>} : memref<2x2x2500x128xi32, #tpu.memory_space<vmem>>, vector<1x1x2500x128xi32>,
    return
  }
  func.func @transform_0(%arg0: i32) -> (i32, i32) {
    %c0_i32 = arith.constant 0 : i32
    %c0_i32_0 = arith.constant 0 : i32
    return %arg0, %c0_i32 : i32, i32
  }
  func.func @transform_1(%arg0: i32) -> (i32, i32, i32) {
    %c0_i32 = arith.constant 0 : i32
    %c0_i32_0 = arith.constant 0 : i32
    %c0_i32_1 = arith.constant 0 : i32
    return %c0_i32, %arg0, %c0_i32_0 : i32, i32, i32
  }
  func.func @transform_2(%arg0: i32) -> (i32, i32, i32, i32) {
    %c0_i32 = arith.constant 0 : i32
    %c0_i32_0 = arith.constant 0 : i32
    %c0_i32_1 = arith.constant 0 : i32
    %c0_i32_2 = arith.constant 0 : i32
    return %c0_i32, %c0_i32_0, %arg0, %c0_i32_1 : i32, i32, i32, i32
  }
}

module attributes {stable_mosaic.version = 14 : i64} {
  func.func @_stage0_body(%arg0: i32, %arg1: memref<1000x128xf32, #tpu.memory_space<vmem>>, %arg2: memref<1000x128xf32, #tpu.memory_space<vmem>>, %arg3: memref<128x64xf32, #tpu.memory_space<vmem>>, %arg4: memref<1000x1xf32, #tpu.memory_space<vmem>>, %arg5: memref<1000x128xf32, #tpu.memory_space<vmem>>) attributes {dimension_semantics = [#tpu.dimension_semantics<arbitrary>], iteration_bounds = array<i64: 10>, scalar_prefetch = 0 : i64, scratch_operands = 0 : i64, tpu.core_type = #tpu.core_type<tc>, window_params = [{transform_indices = @transform_0, window_bounds = array<i64: 1000, 128>}, {transform_indices = @transform_1, window_bounds = array<i64: 1000, 128>}, {pipeline_mode = #tpu.pipeline_mode<synchronous>, transform_indices = @transform_2, window_bounds = array<i64: 128, 64>}, {transform_indices = @transform_3, window_bounds = array<i64: 1000, 1>}, {transform_indices = @transform_4, window_bounds = array<i64: 1000, 128>}]} {
    %get3A = arith.constant 0 : index
    %get3A_0 = arith.constant 0 : index
    %get3A_1 = vector.load %arg1[%get3A, %get3A_0] : memref<1000x128xf32, #tpu.memory_space<vmem>>, vector<1000x1xf32>
    %get3A_2 = vector.shape_cast %get3A_1 : vector<1000x1xf32> to vector<1000xf32>
    %add3A = arith.constant 1.000000e+00 : f32
    %add3A_3 = vector.broadcast %add3A : f32 to vector<1000xf32>
    %add3A_4 = arith.addf %get3A_2, %add3A_3 : vector<1000xf32>
    %rsqrt3A = math.rsqrt %add3A_4 : vector<1000xf32>
    %broadcast_in_dim3A = vector.shape_cast %rsqrt3A : vector<1000xf32> to vector<1000x1xf32>
    %swap3A = arith.constant 0 : index
    %swap3A_5 = arith.constant 0 : index
    %swap3A_6 = vector.load %arg4[%swap3A, %swap3A_5] : memref<1000x1xf32, #tpu.memory_space<vmem>>, vector<1000x1xf32>
    tpu.vector_store %arg4[%swap3A, %swap3A_5], %broadcast_in_dim3A {strides = array<i32>} : memref<1000x1xf32, #tpu.memory_space<vmem>>, vector<1000x1xf32>,
    %get3A_7 = arith.constant 0 : index
    %get3A_8 = arith.constant 0 : index
    %get3A_9 = vector.load %arg2[%get3A_7, %get3A_8] : memref<1000x128xf32, #tpu.memory_space<vmem>>, vector<1000x128xf32>
    %get3A_10 = arith.constant 0 : index
    %get3A_11 = arith.constant 0 : index
    %get3A_12 = vector.load %arg3[%get3A_10, %get3A_11] : memref<128x64xf32, #tpu.memory_space<vmem>>, vector<128x64xf32>
    %dot_general3A = arith.constant dense<0.000000e+00> : vector<1000x64xf32>
    %dot_general3A_13 = tpu.matmul %get3A_9, %get3A_12, %dot_general3A {dimension_numbers = #tpu.dot_dimension_numbers<[1], [0], [0], [1], [0, 0, 1, 1], [], []>, precision = #tpu.contract_precision<fp32>, transpose_lhs_hint = false} : vector<1000x128xf32>, vector<128x64xf32>, vector<1000x64xf32> -> vector<1000x64xf32>
    %broadcast_in_dim3A_14 = vector.shape_cast %rsqrt3A : vector<1000xf32> to vector<1000x1xf32>
    %mul3A = vector.broadcast %broadcast_in_dim3A_14 : vector<1000x1xf32> to vector<1000x64xf32>
    %mul3A_15 = arith.mulf %dot_general3A_13, %mul3A : vector<1000x64xf32>
    %broadcast_in_dim3A_16 = arith.constant 0.000000e+00 : f32
    %broadcast_in_dim3A_17 = vector.broadcast %broadcast_in_dim3A_16 : f32 to vector<1000x64xf32>
    %concatenate3A = tpu.concatenate %mul3A_15, %broadcast_in_dim3A_17 in 1 : vector<1000x64xf32>, vector<1000x64xf32> -> vector<1000x128xf32>
    %swap3A_18 = arith.constant 0 : index
    %swap3A_19 = arith.constant 0 : index
    %swap3A_20 = vector.load %arg5[%swap3A_18, %swap3A_19] : memref<1000x128xf32, #tpu.memory_space<vmem>>, vector<1000x128xf32>
    tpu.vector_store %arg5[%swap3A_18, %swap3A_19], %concatenate3A {strides = array<i32>} : memref<1000x128xf32, #tpu.memory_space<vmem>>, vector<1000x128xf32>,
    return
  }
  func.func @transform_0(%arg0: i32) -> (i32, i32) {
    %c0_i32 = arith.constant 0 : i32
    %c0_i32_0 = arith.constant 0 : i32
    return %arg0, %c0_i32 : i32, i32
  }
  func.func @transform_1(%arg0: i32) -> (i32, i32) {
    %c0_i32 = arith.constant 0 : i32
    %c0_i32_0 = arith.constant 0 : i32
    return %arg0, %c0_i32 : i32, i32
  }
  func.func @transform_2(%arg0: i32) -> (i32, i32) {
    %c0_i32 = arith.constant 0 : i32
    %c0_i32_0 = arith.constant 0 : i32
    %c0_i32_1 = arith.constant 0 : i32
    return %c0_i32, %c0_i32_0 : i32, i32
  }
  func.func @transform_3(%arg0: i32) -> (i32, i32) {
    %c0_i32 = arith.constant 0 : i32
    %c0_i32_0 = arith.constant 0 : i32
    return %arg0, %c0_i32 : i32, i32
  }
  func.func @transform_4(%arg0: i32) -> (i32, i32) {
    %c0_i32 = arith.constant 0 : i32
    %c0_i32_0 = arith.constant 0 : i32
    return %arg0, %c0_i32 : i32, i32
  }
}

module attributes {stable_mosaic.version = 14 : i64} {
  func.func @_mid_body(%arg0: i32, %arg1: memref<1000x128xf32, #tpu.memory_space<vmem>>, %arg2: memref<1000x128xf32, #tpu.memory_space<vmem>>, %arg3: memref<1000x1xf32, #tpu.memory_space<vmem>>, %arg4: memref<1x64xf32, #tpu.memory_space<vmem>>, %arg5: memref<64x64xf32, #tpu.memory_space<vmem>>, %arg6: memref<1000x128xf32, #tpu.memory_space<vmem>>) attributes {dimension_semantics = [#tpu.dimension_semantics<arbitrary>], iteration_bounds = array<i64: 10>, scalar_prefetch = 0 : i64, scratch_operands = 0 : i64, tpu.core_type = #tpu.core_type<tc>, window_params = [{transform_indices = @transform_0, window_bounds = array<i64: 1000, 128>}, {transform_indices = @transform_1, window_bounds = array<i64: 1000, 128>}, {transform_indices = @transform_2, window_bounds = array<i64: 1000, 1>}, {pipeline_mode = #tpu.pipeline_mode<synchronous>, transform_indices = @transform_3, window_bounds = array<i64: 1, 64>}, {pipeline_mode = #tpu.pipeline_mode<synchronous>, transform_indices = @transform_4, window_bounds = array<i64: 64, 64>}, {transform_indices = @transform_5, window_bounds = array<i64: 1000, 128>}]} {
    %get3A = arith.constant 0 : index
    %get3A_0 = arith.constant 0 : index
    %get3A_1 = vector.load %arg1[%get3A, %get3A_0] : memref<1000x128xf32, #tpu.memory_space<vmem>>, vector<1000x64xf32>
    %get3A_2 = arith.constant 0 : index
    %get3A_3 = arith.constant 0 : index
    %get3A_4 = vector.load %arg2[%get3A_2, %get3A_3] : memref<1000x128xf32, #tpu.memory_space<vmem>>, vector<1000x64xf32>
    %add3A = arith.addf %get3A_1, %get3A_4 : vector<1000x64xf32>
    %get3A_5 = arith.constant 0 : index
    %get3A_6 = arith.constant 0 : index
    %get3A_7 = vector.load %arg3[%get3A_5, %get3A_6] : memref<1000x1xf32, #tpu.memory_space<vmem>>, vector<1000x1xf32>
    %mul3A = vector.broadcast %get3A_7 : vector<1000x1xf32> to vector<1000x64xf32>
    %mul3A_8 = arith.mulf %add3A, %mul3A : vector<1000x64xf32>
    %get3A_9 = arith.constant 0 : index
    %get3A_10 = arith.constant 0 : index
    %get3A_11 = vector.load %arg4[%get3A_9, %get3A_10] : memref<1x64xf32, #tpu.memory_space<vmem>>, vector<1x64xf32>
    %add3A_12 = vector.broadcast %get3A_11 : vector<1x64xf32> to vector<1000x64xf32>
    %add3A_13 = arith.addf %mul3A_8, %add3A_12 : vector<1000x64xf32>
    %max3A = arith.constant 0.000000e+00 : f32
    %max3A_14 = vector.broadcast %max3A : f32 to vector<1000x64xf32>
    %max3A_15 = arith.maximumf %add3A_13, %max3A_14 : vector<1000x64xf32>
    %get3A_16 = arith.constant 0 : index
    %get3A_17 = arith.constant 0 : index
    %get3A_18 = vector.load %arg5[%get3A_16, %get3A_17] : memref<64x64xf32, #tpu.memory_space<vmem>>, vector<64x64xf32>
    %dot_general3A = arith.constant dense<0.000000e+00> : vector<1000x64xf32>
    %dot_general3A_19 = tpu.matmul %max3A_15, %get3A_18, %dot_general3A {dimension_numbers = #tpu.dot_dimension_numbers<[1], [0], [0], [1], [0, 0, 1, 1], [], []>, precision = #tpu.contract_precision<fp32>, transpose_lhs_hint = false} : vector<1000x64xf32>, vector<64x64xf32>, vector<1000x64xf32> -> vector<1000x64xf32>
    %mul3A_20 = vector.broadcast %get3A_7 : vector<1000x1xf32> to vector<1000x64xf32>
    %mul3A_21 = arith.mulf %dot_general3A_19, %mul3A_20 : vector<1000x64xf32>
    %broadcast_in_dim3A = arith.constant 0.000000e+00 : f32
    %broadcast_in_dim3A_22 = vector.broadcast %broadcast_in_dim3A : f32 to vector<1000x64xf32>
    %concatenate3A = tpu.concatenate %mul3A_21, %broadcast_in_dim3A_22 in 1 : vector<1000x64xf32>, vector<1000x64xf32> -> vector<1000x128xf32>
    %swap3A = arith.constant 0 : index
    %swap3A_23 = arith.constant 0 : index
    %swap3A_24 = vector.load %arg6[%swap3A, %swap3A_23] : memref<1000x128xf32, #tpu.memory_space<vmem>>, vector<1000x128xf32>
    tpu.vector_store %arg6[%swap3A, %swap3A_23], %concatenate3A {strides = array<i32>} : memref<1000x128xf32, #tpu.memory_space<vmem>>, vector<1000x128xf32>,
    return
  }
  func.func @transform_0(%arg0: i32) -> (i32, i32) {
    %c0_i32 = arith.constant 0 : i32
    %c0_i32_0 = arith.constant 0 : i32
    return %arg0, %c0_i32 : i32, i32
  }
  func.func @transform_1(%arg0: i32) -> (i32, i32) {
    %c0_i32 = arith.constant 0 : i32
    %c0_i32_0 = arith.constant 0 : i32
    return %arg0, %c0_i32 : i32, i32
  }
  func.func @transform_2(%arg0: i32) -> (i32, i32) {
    %c0_i32 = arith.constant 0 : i32
    %c0_i32_0 = arith.constant 0 : i32
    return %arg0, %c0_i32 : i32, i32
  }
  func.func @transform_3(%arg0: i32) -> (i32, i32) {
    %c0_i32 = arith.constant 0 : i32
    %c0_i32_0 = arith.constant 0 : i32
    %c0_i32_1 = arith.constant 0 : i32
    return %c0_i32, %c0_i32_0 : i32, i32
  }
  func.func @transform_4(%arg0: i32) -> (i32, i32) {
    %c0_i32 = arith.constant 0 : i32
    %c0_i32_0 = arith.constant 0 : i32
    %c0_i32_1 = arith.constant 0 : i32
    return %c0_i32, %c0_i32_0 : i32, i32
  }
  func.func @transform_5(%arg0: i32) -> (i32, i32) {
    %c0_i32 = arith.constant 0 : i32
    %c0_i32_0 = arith.constant 0 : i32
    return %arg0, %c0_i32 : i32, i32
  }
}

module attributes {stable_mosaic.version = 14 : i64} {
  func.func @_final_body(%arg0: i32, %arg1: memref<1000x128xf32, #tpu.memory_space<vmem>>, %arg2: memref<1000x128xf32, #tpu.memory_space<vmem>>, %arg3: memref<1000x1xf32, #tpu.memory_space<vmem>>, %arg4: memref<1x64xf32, #tpu.memory_space<vmem>>, %arg5: memref<1000x1xi32, #tpu.memory_space<vmem>>, %arg6: memref<64x10xf32, #tpu.memory_space<vmem>>, %arg7: memref<1x10xf32, #tpu.memory_space<vmem>>, %arg8: memref<128x10xf32, #tpu.memory_space<vmem>>, %arg9: memref<128x64xf32, #tpu.memory_space<vmem>>, %arg10: memref<128x1xf32, #tpu.memory_space<vmem>>) attributes {dimension_semantics = [#tpu.dimension_semantics<arbitrary>], iteration_bounds = array<i64: 10>, scalar_prefetch = 0 : i64, scratch_operands = 2 : i64, tpu.core_type = #tpu.core_type<tc>, window_params = [{transform_indices = @transform_0, window_bounds = array<i64: 1000, 128>}, {transform_indices = @transform_1, window_bounds = array<i64: 1000, 128>}, {transform_indices = @transform_2, window_bounds = array<i64: 1000, 1>}, {pipeline_mode = #tpu.pipeline_mode<synchronous>, transform_indices = @transform_3, window_bounds = array<i64: 1, 64>}, {transform_indices = @transform_4, window_bounds = array<i64: 1000, 1>}, {pipeline_mode = #tpu.pipeline_mode<synchronous>, transform_indices = @transform_5, window_bounds = array<i64: 64, 10>}, {pipeline_mode = #tpu.pipeline_mode<synchronous>, transform_indices = @transform_6, window_bounds = array<i64: 1, 10>}, {pipeline_mode = #tpu.pipeline_mode<synchronous>, transform_indices = @transform_7, window_bounds = array<i64: 128, 10>}]} {
    %eq3A = arith.constant 0 : i32
    %eq3A_0 = arith.cmpi eq, %arg0, %eq3A : i32
    %convert_element_type3A = arith.extui %eq3A_0 : i1 to i32
    %cond3A = arith.constant 0 : i32
    %cond3A_1 = arith.cmpi ne, %convert_element_type3A, %cond3A : i32
    scf.if %cond3A_1 {
      %broadcast_in_dim3A_44 = arith.constant 0.000000e+00 : f32
      %broadcast_in_dim3A_45 = vector.broadcast %broadcast_in_dim3A_44 : f32 to vector<128x64xf32>
      %swap3A_46 = arith.constant 0 : index
      %swap3A_47 = arith.constant 0 : index
      %swap3A_48 = vector.load %arg9[%swap3A_46, %swap3A_47] : memref<128x64xf32, #tpu.memory_space<vmem>>, vector<128x64xf32>
      tpu.vector_store %arg9[%swap3A_46, %swap3A_47], %broadcast_in_dim3A_45 {strides = array<i32>} : memref<128x64xf32, #tpu.memory_space<vmem>>, vector<128x64xf32>,
      %broadcast_in_dim3A_49 = arith.constant 0.000000e+00 : f32
      %broadcast_in_dim3A_50 = vector.broadcast %broadcast_in_dim3A_49 : f32 to vector<128x1xf32>
      %swap3A_51 = arith.constant 0 : index
      %swap3A_52 = arith.constant 0 : index
      %swap3A_53 = vector.load %arg10[%swap3A_51, %swap3A_52] : memref<128x1xf32, #tpu.memory_space<vmem>>, vector<128x1xf32>
      tpu.vector_store %arg10[%swap3A_51, %swap3A_52], %broadcast_in_dim3A_50 {strides = array<i32>} : memref<128x1xf32, #tpu.memory_space<vmem>>, vector<128x1xf32>,
    } else {
    }
    %get3A = arith.constant 0 : index
    %get3A_2 = arith.constant 0 : index
    %get3A_3 = vector.load %arg1[%get3A, %get3A_2] : memref<1000x128xf32, #tpu.memory_space<vmem>>, vector<1000x64xf32>
    %get3A_4 = arith.constant 0 : index
    %get3A_5 = arith.constant 0 : index
    %get3A_6 = vector.load %arg2[%get3A_4, %get3A_5] : memref<1000x128xf32, #tpu.memory_space<vmem>>, vector<1000x64xf32>
    %add3A = arith.addf %get3A_3, %get3A_6 : vector<1000x64xf32>
    %get3A_7 = arith.constant 0 : index
    %get3A_8 = arith.constant 0 : index
    %get3A_9 = vector.load %arg3[%get3A_7, %get3A_8] : memref<1000x1xf32, #tpu.memory_space<vmem>>, vector<1000x1xf32>
    %mul3A = vector.broadcast %get3A_9 : vector<1000x1xf32> to vector<1000x64xf32>
    %mul3A_10 = arith.mulf %add3A, %mul3A : vector<1000x64xf32>
    %get3A_11 = arith.constant 0 : index
    %get3A_12 = arith.constant 0 : index
    %get3A_13 = vector.load %arg4[%get3A_11, %get3A_12] : memref<1x64xf32, #tpu.memory_space<vmem>>, vector<1x64xf32>
    %add3A_14 = vector.broadcast %get3A_13 : vector<1x64xf32> to vector<1000x64xf32>
    %add3A_15 = arith.addf %mul3A_10, %add3A_14 : vector<1000x64xf32>
    %iota3A = tpu.iota {dimensions = array<i32: 1>} : vector<1x128xi32>
    %get3A_16 = arith.constant 0 : index
    %get3A_17 = arith.constant 0 : index
    %get3A_18 = vector.load %arg5[%get3A_16, %get3A_17] : memref<1000x1xi32, #tpu.memory_space<vmem>>, vector<1000x1xi32>
    %eq3A_19 = vector.broadcast %get3A_18 : vector<1000x1xi32> to vector<1000x128xi32>
    %eq3A_20 = vector.broadcast %iota3A : vector<1x128xi32> to vector<1000x128xi32>
    %eq3A_21 = arith.cmpi eq, %eq3A_19, %eq3A_20 : vector<1000x128xi32>
    %convert_element_type3A_22 = arith.extui %eq3A_21 : vector<1000x128xi1> to vector<1000x128xi32>
    %convert_element_type3A_23 = arith.sitofp %convert_element_type3A_22 : vector<1000x128xi32> to vector<1000x128xf32>
    %get3A_24 = arith.constant 0 : index
    %get3A_25 = arith.constant 0 : index
    %get3A_26 = vector.load %arg9[%get3A_24, %get3A_25] : memref<128x64xf32, #tpu.memory_space<vmem>>, vector<128x64xf32>
    %dot_general3A = arith.constant dense<0.000000e+00> : vector<128x64xf32>
    %dot_general3A_27 = tpu.matmul %convert_element_type3A_23, %add3A_15, %dot_general3A {dimension_numbers = #tpu.dot_dimension_numbers<[0], [0], [1], [1], [0, 1, 1, 1], [], []>, precision = #tpu.contract_precision<fp32>, transpose_lhs_hint = false} : vector<1000x128xf32>, vector<1000x64xf32>, vector<128x64xf32> -> vector<128x64xf32>
    %add3A_28 = arith.addf %get3A_26, %dot_general3A_27 : vector<128x64xf32>
    %swap3A = arith.constant 0 : index
    %swap3A_29 = arith.constant 0 : index
    %swap3A_30 = vector.load %arg9[%swap3A, %swap3A_29] : memref<128x64xf32, #tpu.memory_space<vmem>>, vector<128x64xf32>
    tpu.vector_store %arg9[%swap3A, %swap3A_29], %add3A_28 {strides = array<i32>} : memref<128x64xf32, #tpu.memory_space<vmem>>, vector<128x64xf32>,
    %get3A_31 = arith.constant 0 : index
    %get3A_32 = arith.constant 0 : index
    %get3A_33 = vector.load %arg10[%get3A_31, %get3A_32] : memref<128x1xf32, #tpu.memory_space<vmem>>, vector<128x1xf32>
    %reduce_sum3A = arith.constant dense<0.000000e+00> : vector<128xf32>
    %reduce_sum3A_34 = vector.multi_reduction <add>, %convert_element_type3A_23, %reduce_sum3A [0] : vector<1000x128xf32> to vector<128xf32>
    %broadcast_in_dim3A = vector.shape_cast %reduce_sum3A_34 : vector<128xf32> to vector<128x1xf32>
    %add3A_35 = arith.addf %get3A_33, %broadcast_in_dim3A : vector<128x1xf32>
    %swap3A_36 = arith.constant 0 : index
    %swap3A_37 = arith.constant 0 : index
    %swap3A_38 = vector.load %arg10[%swap3A_36, %swap3A_37] : memref<128x1xf32, #tpu.memory_space<vmem>>, vector<128x1xf32>
    tpu.vector_store %arg10[%swap3A_36, %swap3A_37], %add3A_35 {strides = array<i32>} : memref<128x1xf32, #tpu.memory_space<vmem>>, vector<128x1xf32>,
    %eq3A_39 = arith.constant 9 : i32
    %eq3A_40 = arith.cmpi eq, %arg0, %eq3A_39 : i32
    %convert_element_type3A_41 = arith.extui %eq3A_40 : i1 to i32
    %cond3A_42 = arith.constant 0 : i32
    %cond3A_43 = arith.cmpi ne, %convert_element_type3A_41, %cond3A_42 : i32
    scf.if %cond3A_43 {
      %get3A_44 = arith.constant 0 : index
      %get3A_45 = arith.constant 0 : index
      %get3A_46 = vector.load %arg9[%get3A_44, %get3A_45] : memref<128x64xf32, #tpu.memory_space<vmem>>, vector<128x64xf32>
      %get3A_47 = arith.constant 0 : index
      %get3A_48 = arith.constant 0 : index
      %get3A_49 = vector.load %arg10[%get3A_47, %get3A_48] : memref<128x1xf32, #tpu.memory_space<vmem>>, vector<128x1xf32>
      %max3A = arith.constant 1.000000e+00 : f32
      %max3A_50 = vector.broadcast %max3A : f32 to vector<128x1xf32>
      %max3A_51 = arith.maximumf %get3A_49, %max3A_50 : vector<128x1xf32>
      %div3A = vector.broadcast %max3A_51 : vector<128x1xf32> to vector<128x64xf32>
      %div3A_52 = arith.divf %get3A_46, %div3A : vector<128x64xf32>
      %get3A_53 = arith.constant 0 : index
      %get3A_54 = arith.constant 0 : index
      %get3A_55 = vector.load %arg6[%get3A_53, %get3A_54] : memref<64x10xf32, #tpu.memory_space<vmem>>, vector<64x10xf32>
      %dot_general3A_56 = arith.constant dense<0.000000e+00> : vector<128x10xf32>
      %dot_general3A_57 = tpu.matmul %div3A_52, %get3A_55, %dot_general3A_56 {dimension_numbers = #tpu.dot_dimension_numbers<[1], [0], [0], [1], [0, 0, 1, 1], [], []>, precision = #tpu.contract_precision<fp32>, transpose_lhs_hint = false} : vector<128x64xf32>, vector<64x10xf32>, vector<128x10xf32> -> vector<128x10xf32>
      %get3A_58 = arith.constant 0 : index
      %get3A_59 = arith.constant 0 : index
      %get3A_60 = vector.load %arg7[%get3A_58, %get3A_59] : memref<1x10xf32, #tpu.memory_space<vmem>>, vector<1x10xf32>
      %add3A_61 = vector.broadcast %get3A_60 : vector<1x10xf32> to vector<128x10xf32>
      %add3A_62 = arith.addf %dot_general3A_57, %add3A_61 : vector<128x10xf32>
      %swap3A_63 = arith.constant 0 : index
      %swap3A_64 = arith.constant 0 : index
      %swap3A_65 = vector.load %arg8[%swap3A_63, %swap3A_64] : memref<128x10xf32, #tpu.memory_space<vmem>>, vector<128x10xf32>
      tpu.vector_store %arg8[%swap3A_63, %swap3A_64], %add3A_62 {strides = array<i32>} : memref<128x10xf32, #tpu.memory_space<vmem>>, vector<128x10xf32>,
    } else {
    }
    return
  }
  func.func @transform_0(%arg0: i32) -> (i32, i32) {
    %c0_i32 = arith.constant 0 : i32
    %c0_i32_0 = arith.constant 0 : i32
    return %arg0, %c0_i32 : i32, i32
  }
  func.func @transform_1(%arg0: i32) -> (i32, i32) {
    %c0_i32 = arith.constant 0 : i32
    %c0_i32_0 = arith.constant 0 : i32
    return %arg0, %c0_i32 : i32, i32
  }
  func.func @transform_2(%arg0: i32) -> (i32, i32) {
    %c0_i32 = arith.constant 0 : i32
    %c0_i32_0 = arith.constant 0 : i32
    return %arg0, %c0_i32 : i32, i32
  }
  func.func @transform_3(%arg0: i32) -> (i32, i32) {
    %c0_i32 = arith.constant 0 : i32
    %c0_i32_0 = arith.constant 0 : i32
    %c0_i32_1 = arith.constant 0 : i32
    return %c0_i32, %c0_i32_0 : i32, i32
  }
  func.func @transform_4(%arg0: i32) -> (i32, i32) {
    %c0_i32 = arith.constant 0 : i32
    %c0_i32_0 = arith.constant 0 : i32
    return %arg0, %c0_i32 : i32, i32
  }
  func.func @transform_5(%arg0: i32) -> (i32, i32) {
    %c0_i32 = arith.constant 0 : i32
    %c0_i32_0 = arith.constant 0 : i32
    %c0_i32_1 = arith.constant 0 : i32
    return %c0_i32, %c0_i32_0 : i32, i32
  }
  func.func @transform_6(%arg0: i32) -> (i32, i32) {
    %c0_i32 = arith.constant 0 : i32
    %c0_i32_0 = arith.constant 0 : i32
    %c0_i32_1 = arith.constant 0 : i32
    return %c0_i32, %c0_i32_0 : i32, i32
  }
  func.func @transform_7(%arg0: i32) -> (i32, i32) {
    %c0_i32 = arith.constant 0 : i32
    %c0_i32_0 = arith.constant 0 : i32
    %c0_i32_1 = arith.constant 0 : i32
    return %c0_i32, %c0_i32_0 : i32, i32
  }
}

</mosaic_0001>

<sc_bundles>
// kernel: kernel.11.cloned.1.call-start
scs
__scs_entry_jumppad:
0x0: {  	(pc) =	sbr.rel $0x88, $3  }
0x1: {  	(tag) =	ssettag $0x0;
	lr =	simm.s32 $0x1  }
0x2: {  	[smem:$0x3F96] =	sst lr;
	_ =	strace $0xD0000000  }
0x3: {  	_ = 	snop  }
0x4: {  	_ = 	snop  }
0x5: {  	_ = 	snop  }
0x6: {  	_ = 	snop  }
0x7: {  	_ = 	snop  }
__scs_overlays_trampoline_lowered:
0x8: {  	[smem:$0x3FA5] =	sst s0  }
0x9: {  	[smem:$0x3FA6] =	sst s1  }
0xa: {  	[smem:$0x3FA7] =	sst s2  }
0xb: {  	[smem:$0x3FA8] =	sst s3  }
0xc: {  	[smem:$0x3FA9] =	sst s4  }
0xd: {  	[smem:$0x3FAA] =	sst s5  }
0xe: {  	[smem:$0x3FAB] =	sst s6  }
0xf: {  	[smem:$0x3FAC] =	sst s7  }
0x10: {  	[smem:$0x3FAD] =	sst s8  }
0x11: {  	[smem:$0x3FAE] =	sst s9;
	s0 =	simm.s32 @!p0 $0x0  }
0x12: {  	s1 =	sld [smem:$0x3F94];
	s0 =	simm.s32 @p0 $0x1  }
0x13: {  	[smem:$0x3FAF] =	sst s0;
	s0 =	simm.s32 @!p1 $0x0  }
0x14: {  	s2 =	sld [smem:$0x3F93];
	s0 =	simm.s32 @p1 $0x1  }
0x15: {  	[smem:$0x3FB0] =	sst s0;
	s0 =	simm.s32 @!p2 $0x0  }
0x16: {  	s3 =	sld [smem:$0x3FDB];
	s0 =	simm.s32 @p2 $0x1  }
0x17: {  	s4 =	simm.s32 $0x1BF5;
	[smem:$0x3FB2] =	sst s0  }
0x18: {  	s0 =	sld [smem:$0x3F95];
	_ =	swait.ge [sflag:s4], $0x0  }
0x19: {  	s7 =	sld [smem:$0x3F96]  }
0x1a: {  	s8 =	sadd.s32 $0xFFFFE003, lr  }
0x1b: {  	s9 =	sadd.s32 $0xFFFFFEF7, lr;
	s5 =	simm.s32 $0xFFFFFFFF;
	p2 =	slt.u32 s8, $0xFFFFF086  }
0x1c: {  	p1 =	slt.u32 s9, $0xF7A;
	s5 =	simm.s32 @!p2 $0x0  }
0x1d: {  	s5 =	simm.s32 @p1 $0x1;
	p0 =	seq.s32 s7, s2  }
0x1e: {  	s7 =	smul.u32 @!p0 $0xF7A, s2;
	p2 =	seq.s32 @!p0 s5, $0x0  }
0x1f: {  	s9 =	smul.u32 $0xF7A, s1;
	s8 =	simm.s32 @!p0 $0x1BF5;
	p2 =	por !p2, p0  }
0x20: {  	[sflag:s8] =	ssyncset.s32 @!p0 $0xFFFFF086;
	s6 =	sadd.s32 @!p0 s3, s7;
	s7 =	simm.s32 @!p0 $0x108  }
0x21: {  	s3 =	sadd.s32 s3, s9;
	s6 =	sadd.s32 @!p0 $0x88, s6;
	s7 =	simm.s32 @p2 $0x1082  }
0x22: {  	[simem:s7], [sflag:s8] =	dma.local @!p0 [hbm:s6], $0xF7A  }
0x23: {  	s9 =	sor.u32 $0xD0000000, s2;
	s6 =	simm.s32 $0x108;
	_ =	swait.ge @!p0 [sflag:s8], $0x0  }
0x24: {  	s3 =	sadd.s32 $0x88, s3;
	s6 =	simm.s32 @!p1 $0x1082;
	[sflag:s4] =	ssyncset.s32 $0xFFFFF086  }
0x25: {  	[simem:s6], [sflag:s4] =	dma.local [hbm:s3], $0xF7A  }
0x26: {  	[smem:$0x3F96] =	sst s1;
	(tag) =	ssettag s2;
	_ =	strace s9  }
0x27: {  	s1 =	sld [smem:$0x3FA6]  }
0x28: {  	s2 =	sld [smem:$0x3FA7]  }
0x29: {  	s4 =	sld [smem:$0x3FA9]  }
0x2a: {  	p0 =	seq.s32 s5, $0x0;
	s5 =	sld [smem:$0x3FAA]  }
0x2b: {  	s6 =	sld [smem:$0x3FAB]  }
0x2c: {  	s7 =	sld [smem:$0x3FAC]  }
0x2d: {  	s3 =	simm.s32 $0x108;
	s8 =	sld [smem:$0x3FAD]  }
0x2e: {  	s3 =	simm.s32 @!p0 $0x1082;
	s9 =	sld [smem:$0x3FAE]  }
0x2f: {  	lr =	sadd.s32 s0, s3;
	s0 =	sld [smem:$0x3FA5]  }
0x30: {  	s3 =	sld [smem:$0x3FA8]  }
0x31: {  	[smem:$0x3FB1] =	sst s10  }
0x32: {  	s10 =	sld [smem:$0x3FAF];
	_ =	sdelay $0x3  }
0x33: {  	p0 =	seq.s32 s10, $0x1;
	s10 =	sld [smem:$0x3FB1];
	_ =	sdelay $0x3  }
0x34: {  	[smem:$0x3FB1] =	sst s10  }
0x35: {  	s10 =	sld [smem:$0x3FB0];
	_ =	sdelay $0x3  }
0x36: {  	p1 =	seq.s32 s10, $0x1;
	s10 =	sld [smem:$0x3FB1];
	_ =	sdelay $0x3  }
0x37: {  	[smem:$0x3FB1] =	sst s10  }
0x38: {  	s10 =	sld [smem:$0x3FB2]  }
0x39: {  	_ = 	snop;
	(pc) =	sbr.ind lr, $3  }
0x3a: {  	_ = 	snop  }
0x3b: {  	_ = 	snop  }
0x3c: {  	p2 =	seq.s32 s10, $0x1;
	s10 =	sld [smem:$0x3FB1]  }
0x3d: {  	_ =	shalt  }
0x3e: {  	_ =	shalt  }
0x3f: {  	_ =	shalt  }
0x40: {  	_ =	shalt  }
0x41: {  	_ =	shalt  }
0x42: {  	_ =	shalt  }
0x43: {  	_ =	shalt  }
0x44: {  	_ =	shalt  }
0x45: {  	_ =	shalt  }
0x46: {  	_ =	shalt  }
0x47: {  	_ =	shalt  }
0x48: {  	_ =	shalt  }
0x49: {  	_ =	shalt  }
0x4a: {  	_ =	shalt  }
0x4b: {  	_ =	shalt  }
0x4c: {  	_ =	shalt  }
0x4d: {  	_ =	shalt  }
0x4e: {  	_ =	shalt  }
0x4f: {  	_ =	shalt  }
0x50: {  	_ =	shalt  }
0x51: {  	_ =	shalt  }
0x52: {  	_ =	shalt  }
0x53: {  	_ =	shalt  }
0x54: {  	_ =	shalt  }
0x55: {  	_ =	shalt  }
0x56: {  	_ =	shalt  }
0x57: {  	_ =	shalt  }
0x58: {  	_ =	shalt  }
0x59: {  	_ =	shalt  }
0x5a: {  	_ =	shalt  }
0x5b: {  	_ =	shalt  }
0x5c: {  	_ =	shalt  }
0x5d: {  	_ =	shalt  }
0x5e: {  	_ =	shalt  }
0x5f: {  	_ =	shalt  }
0x60: {  	_ =	shalt  }
0x61: {  	_ =	shalt  }
0x62: {  	_ =	shalt  }
0x63: {  	_ =	shalt  }
0x64: {  	_ =	shalt  }
0x65: {  	_ =	shalt  }
0x66: {  	_ =	shalt  }
0x67: {  	_ =	shalt  }
0x68: {  	_ =	shalt  }
0x69: {  	_ =	shalt  }
0x6a: {  	_ =	shalt  }
0x6b: {  	_ =	shalt  }
0x6c: {  	_ =	shalt  }
0x6d: {  	_ =	shalt  }
0x6e: {  	_ =	shalt  }
0x6f: {  	_ =	shalt  }
0x70: {  	_ =	shalt  }
0x71: {  	_ =	shalt  }
0x72: {  	_ =	shalt  }
0x73: {  	_ =	shalt  }
0x74: {  	_ =	shalt  }
0x75: {  	_ =	shalt  }
0x76: {  	_ =	shalt  }
0x77: {  	_ =	shalt  }
0x78: {  	_ =	shalt  }
0x79: {  	_ =	shalt  }
0x7a: {  	_ =	shalt  }
0x7b: {  	_ =	shalt  }
0x7c: {  	_ =	shalt  }
0x7d: {  	_ =	shalt  }
0x7e: {  	_ =	shalt  }
0x7f: {  	_ =	shalt  }
0x80: {  	_ =	shalt  }
0x81: {  	_ =	shalt  }
0x82: {  	_ =	shalt  }
0x83: {  	_ =	shalt  }
0x84: {  	_ =	shalt  }
0x85: {  	_ =	shalt  }
0x86: {  	_ =	shalt  }
0x87: {  	_ =	shalt  }
.Lfunc_end0:
.L_simem_size_0:
called_computation_lowered:
.L_overlay_start_0:
0x88: {  	s2 =	sld [smem:$0x3FD9]  }
0x89: {  	s3 =	sld [smem:$0x3FFE];
	_ =	sdelay $0x1  }
0x8a: {  	s1 =	srdreg.scid  }
0x8b: {  	s0 =	sand.u32 $0x1, s1  }
0x8c: {  	s16 =	sshll.u32 s0, $0xA;
	s2 =	sadd.s32 s3, s2  }
0x8d: {  	s2 =	sadd.s32 s2, s16  }
0x8e: {  	[smem:$0x3FBD] =	sst s2  }
0x8f: {  	_ = 	snop  }
0x90: {  	(tm) =	ssettm $0x1  }
0x91: {  	s17 =	sld [smem:$0x3FFB];
	_ =	sdelay $0x3  }
0x92: {  	_ =	strace s17  }
0x93: {  	s2 =	sld [smem:$0x3FFC];
	_ =	sdelay $0x3  }
0x94: {  	_ =	strace s2  }
0x95: {  	s2 =	sld [smem:$0x3FFD];
	_ =	sdelay $0x3  }
0x96: {  	_ =	strace s2  }
0x97: {  	_ =	strace $0x8FFFFFFF  }
0x98: {  	s18 =	sld [smem:$0x3FDB];
	_ =	sdelay $0x1  }
0x99: {  	s19 =	simm.s32 $_scs_section_size  }
0x9a: {  	s4 =	simm.s32 $_size__tile_overlayer_lowered;
	s5 =	simm.s32 $_tile_overlayer_lowered  }
0x9b: {  	s22 =	simm.s32 $0x1BFF;
	s21 =	sshll.u32 s5, $0x1;
	s2 =	sadd.s32 s19, s18  }
0x9c: {  	s6 =	simm.s32 $0x0;
	s20 =	sshll.u32 s4, $0x1;
	s4 =	sadd.s32 s21, s2  }
0x9d: {  	[timem:s6], [sflag:s22] =	dma.local [hbm:s4], s20  }
0x9e: {  	_ =	swait.ge [sflag:s22], s20  }
0x9f: {  	s3 =	ssub.s32 $0x0, s20;
	[sflag:s22] =	ssyncset.done $0x0  }
0xa0: {  	[sflag:s22] =	ssyncadd.s32 s3;
	_ =	sdelay $0x1  }
0xa1: {  	s23 =	simm.s32 $0x1B8B  }
0xa2: {  	_ =	swait.ge [sflag:s23], $0x1  }
0xa3: {  	[sflag:s23] =	ssyncset.done $0x0  }
0xa4: {  	s25 =	simm.s32 $0x1B8E;
	s24 =	sld [smem:$0x3FFE];
	[sflag:s23] =	ssyncadd.s32 $0xFFFFFFFF  }
0xa5: {  	s26 =	simm.s32 $execute0_lowered;
	[smem:$0x3FD2] =	sst s25  }
0xa6: {  	s4 =	sshll.u32 s26, $0x1;
	_ =	strace $0x80000046;
	[dreg:$0x1] =	wrdreg $0xFFFFFFFF  }
0xa7: {  	s28 =	simm.s32 $_size_execute0_lowered;
	s2 =	sadd.s32 s2, s4;
	[dreg:$0x0] =	wrdreg $0x0  }
0xa8: {  	s4 =	sshll.u32 s28, $0x1;
	[dreg:$0x2] =	wrdreg s2  }
0xa9: {  	[dreg:$0x3] =	wrdreg s4  }
0xaa: {  	[dreg:$0x4] =	wrdreg $0xC0  }
0xab: {  	_ =	task [dreg:s6], $0x5FFFF  }
0xac: {  	[dreg:$0x1] =	wrdreg $0xFFFFFFFF  }
0xad: {  	[dreg:$0x0] =	wrdreg $0x60  }
0xae: {  	[dreg:$0x2] =	wrdreg s24  }
0xaf: {  	[dreg:$0x3] =	wrdreg $0x178000  }
0xb0: {  	[dreg:$0x4] =	wrdreg $0x9  }
0xb1: {  	_ =	task.clear_ibuf [dreg:s6], $0x5FFFF;
	_ =	strace $0x90000046  }
0xb2: {  	s29 =	simm.s32 $0x9;
	_ =	strace $0x80000048  }
0xb3: {  	_ =	swait.ge [sflag:s29], $0x1  }
0xb4: {  	[sflag:s29] =	ssyncadd.s32 $0xFFFFFFFF  }
0xb5: {  	_ =	strace $0x90000048  }
0xb6: {  	_ =	sfence  }
0xb7: {  	s30 =	sld [smem:$0x0];
	_ =	sdelay $0x2  }
0xb8: {  	s31 =	sshll.u32 s1, $0xD;
	s1 =	sshrl.u32 s1, $0x2  }
0xb9: {  	s3 =	sand.u32 $0x4000, s31;
	s1 =	sadd.s32 s1, s30  }
0xba: {  	s0 =	sor.u32 s3, s0;
	s1 =	sshll.u32 s1, $0x11  }
0xbb: {  	s0 =	sor.u32 s1, s0  }
0xbc: {  	s0 =	sadd.s32 $0x8F2B, s0  }
0xbd: {  	[sflag:s0] =	ssyncadd.remote.s32 $0x1  }
0xbe: {  	_ =	sfence.sel $0xFFFF  }
0xbf: {  	[dreg:$0x0] =	wrdreg $0xFFFFFFFF;
	(pc) =	sbr.abs _section_cstart, $3  }
0xc0: {  	[dreg:$0x1] =	wrdreg $0xFFFFFFFF  }
0xc1: {  	_ =	task.clear_ibuf [dreg:s6], $0x2FFFF;
	_ =	strace $0x9FFFFFFF  }
0xc2: {  	(tm) =	ssettm $0x7FFFFFFF  }
0xc3: {  	_ =	shalt  }
tec
execute0_lowered:
.L_overlay_start_1:
0x0: {  	(tag) =	ssettag $0x1  }
0x1: {  	s6 =	rddreg [dreg:$0x0]  }
0x2: {  	s2 =	rddreg [dreg:$0x1]  }
0x3: {  	s0 =	rddreg [dreg:$0x2];
	s4 =	srdreg.scid  }
0x4: {  	s3 =	simm.s32 $0x0;
	s1 =	stileid.u32;
	s15 =	simm.s32 $0x12800  }
0x5: {  	s16 =	simm.s32 $0x50;
	s17 =	simm.s32 $0x10000;
	s18 =	simm.s32 $0x1  }
0x6: {  	s19 =	simm.s32 $0x0;
	s5 =	sand.u32 $0x1, s4;
	s9 =	smul.u32 $0xA0, s1  }
0x7: {  	s26 =	sshll.u32 s1, $0xC;
	[smem:$0x7FF] =	sst s3;
	s12 =	smul.u32 $0x14000, s1  }
0x8: {  	s4 =	sadd.s32 $0x54400, s6;
	s7 =	sshll.u32 s5, $0x11;
	s8 =	smul.u32 $0x1400, s5  }
0x9: {  	_ =	strace $0x80000047;
	s10 =	sadd.s32 s26, s6;
	s29 =	ssub.s32 $0x2, s5  }
0xa: {  	s5 =	sadd.s32 $0x53A00, s6;
	s7 =	sor.u32 s26, s7;
	s30 =	sshrl.u32 s29, $0x1  }
0xb: {  	s31 =	sshrl.u32 s12, $0x2;
	s11 =	sadd.s32 s7, s6;
	s28 =	sadd.s32 s9, s8  }
0xc: {  	s14 =	ssub.s32 s29, s30;
	s8 =	sadd.s32 s31, s2;
	s7 =	sshll.u32 s28, $0x4  }
0xd: {  	s12 =	smax.u32 s14, $0x1;
	s14 =	simm.s32 $0x8000;
	s13 =	sadd.s32 s7, s6  }
0xe: {  	s6 =	sadd.s32 $0x43A00, s10;
	s7 =	sadd.s32 $0x3A00, s11;
	s10 =	sadd.s32 $0x13A00, s11  }
0xf: {  	s9 =	sadd.s32 $0x7B600, s13;
	s11 =	sadd.s32 $0x85600, s13;
	s13 =	simm.s32 $0x2  }
.LBB2_1:
0x10: {  	[tilespmem:s3], [sflag:$0x2] =	stream.linear.gather [hbm4b:s6+s3], $0x7D00, $0x38;
	[tilespmem:$0x1C840] =	vst v63  }
0x11: {  	_ =	swait.ge [sflag:s13], $0x7D00  }
0x12: {  	[sflag:s13] =	ssyncset.done $0x0  }
0x13: {  	[sflag:s13] =	ssyncadd.s32 $0xFFFF8300  }
0x14: {  	[tilespmem:s14], [sflag:$0x2] =	stream.linear.gather [hbm4b:s7+s3], $0x7D00, $0x38;
	[tilespmem:$0x1C840] =	vst v63  }
0x15: {  	_ =	swait.ge [sflag:s13], $0x7D00  }
0x16: {  	[sflag:s13] =	ssyncset.done $0x0  }
0x17: {  	[sflag:s13] =	ssyncadd.s32 $0xFFFF8300  }
0x18: {  	[tilespmem:s15], [sflag:$0x2] =	stream.linear.gather [hbm4b:s5+s3], $0x5000, $0x38;
	[tilespmem:$0x1C840] =	vst v63  }
0x19: {  	_ =	swait.ge [sflag:s13], $0x5000  }
0x1a: {  	[sflag:s13] =	ssyncset.done $0x0  }
0x1b: {  	[sflag:s13] =	ssyncadd.s32 $0xFFFFB000  }
0x1c: {  	[spmem:s8] =	stream.linear.scatter [tilespmem:s15], [sflag:$0x2], $0x5000, $0x38;
	[tilespmem:$0x1C840] =	vst v63  }
0x1d: {  	_ =	swait.ge [sflag:s13], $0x5000  }
0x1e: {  	[sflag:s13] =	ssyncset.done $0x0  }
0x1f: {  	[sflag:s13] =	ssyncadd.s32 $0xFFFFB000  }
0x20: {  	s20 =	simm.s32 $0x0;
	[bflag:$0x0] =	sbarrier.arrive $0xFFFF  }
0x21: {  	[tilespmem:s17], [sflag:$0x1] =	stream.indirect.gather [hbm4b:s4+s16], $0x80, s20, s16, $0xb8;
	[tilespmem:$0x1C840] =	vst v63  }
0x22: {  	_ =	swait.ge [sflag:s18], $0x2800  }
0x23: {  	[sflag:s18] =	ssyncset.done $0x0  }
0x24: {  	s31 =	simm.s32 $0x8000;
	[sflag:s18] =	ssyncadd.s32 $0xFFFFD800  }
0x25: {  	[spmem:s2] =	stream.indirect.scatter.add.f32 [tilespmem:s17], [sflag:$0x2], $0x80, s31, s16, $0xb8;
	[tilespmem:$0x1C840] =	vst v63  }
0x26: {  	_ =	swait.ge [sflag:s13], $0x2800  }
0x27: {  	s21 =	simm.s32 $0x400;
	s20 =	simm.s32 $0x200;
	[sflag:s13] =	ssyncset.done $0x0  }
.LBB2_2:
0x28: {  	s22 =	sshra.s32 s20, $0x2  }
0x29: {  	[sflag:s13] =	ssyncadd.s32 $0xFFFFD800;
	s20 =	smov.u32 s21;
	s23 =	sadd.s32 $0x200, s21  }
0x2a: {  	[tilespmem:s17], [sflag:$0x1] =	stream.indirect.gather [hbm4b:s4+s16], $0x80, s22, s16, $0xb8;
	[tilespmem:$0x1C840] =	vst v63  }
0x2b: {  	p0 =	sne.s32 s21, $0x1F200;
	_ =	swait.ge [sflag:s18], $0x2800  }
.Ltmp0:
0x2c: {  	[sflag:s18] =	ssyncset.done $0x0;
	(pc) =	sbr.rel @p0 .LBB2_2-.Ltmp0, $4  }
0x2d: {  	s21 =	sadd.s32 $0x8000, s22;
	[sflag:s18] =	ssyncadd.s32 $0xFFFFD800  }
0x2e: {  	[spmem:s2] =	stream.indirect.scatter.add.f32 [tilespmem:s17], [sflag:$0x2], $0x80, s21, s16, $0xb8;
	[tilespmem:$0x1C840] =	vst v63  }
0x2f: {  	_ =	swait.ge [sflag:s13], $0x2800  }
0x30: {  	s21 =	smov.u32 s23;
	[sflag:s13] =	ssyncset.done $0x0  }
0x31: {  	s20 =	sshra.s32 s20, $0x2;
	[sflag:s13] =	ssyncadd.s32 $0xFFFFD800  }
0x32: {  	[tilespmem:s17], [sflag:$0x1] =	stream.indirect.gather [hbm4b:s4+s16], $0x80, s20, s16, $0xb8;
	[tilespmem:$0x1C840] =	vst v63  }
0x33: {  	_ =	swait.ge [sflag:s18], $0x2800  }
0x34: {  	[sflag:s18] =	ssyncset.done $0x0  }
0x35: {  	s20 =	sadd.s32 $0x8000, s20;
	[sflag:s18] =	ssyncadd.s32 $0xFFFFD800  }
0x36: {  	[spmem:s2] =	stream.indirect.scatter.add.f32 [tilespmem:s17], [sflag:$0x2], $0x80, s20, s16, $0xb8;
	[tilespmem:$0x1C840] =	vst v63  }
0x37: {  	_ =	swait.ge [sflag:s13], $0x2800  }
0x38: {  	[sflag:s13] =	ssyncset.done $0x0  }
0x39: {  	[sflag:s13] =	ssyncadd.s32 $0xFFFFD800  }
0x3a: {  	[bflag:$0x0] =	sbarrier.arrive $0xFFFF  }
0x3b: {  	[tilespmem:s15], [sflag:$0x2] =	stream.linear.gather [spmem:s8], $0x5000, $0x38;
	[tilespmem:$0x1C840] =	vst v63  }
0x3c: {  	_ =	swait.ge [sflag:s13], $0x5000  }
0x3d: {  	[sflag:s13] =	ssyncset.done $0x0  }
0x3e: {  	s29 =	simm.s32 $0x0;
	[sflag:s13] =	ssyncadd.s32 $0xFFFFB000  }
0x3f: {  	[hbm4b:s9+s29] =	stream.linear.scatter [tilespmem:s15], [sflag:$0x2], $0x5000, $0x38;
	[tilespmem:$0x1C840] =	vst v63  }
0x40: {  	_ =	swait.ge [sflag:s13], $0x5000  }
0x41: {  	[sflag:s13] =	ssyncset.done $0x0  }
0x42: {  	[sflag:s13] =	ssyncadd.s32 $0xFFFFB000  }
0x43: {  	[tilespmem:s14], [sflag:$0x2] =	stream.linear.gather [hbm4b:s10+s29], $0x7D00, $0x38;
	[tilespmem:$0x1C840] =	vst v63  }
0x44: {  	_ =	swait.ge [sflag:s13], $0x7D00  }
0x45: {  	[sflag:s13] =	ssyncset.done $0x0  }
0x46: {  	[sflag:s13] =	ssyncadd.s32 $0xFFFF8300  }
0x47: {  	[tilespmem:s15], [sflag:$0x2] =	stream.linear.gather [hbm4b:s5+s29], $0x5000, $0x38;
	[tilespmem:$0x1C840] =	vst v63  }
0x48: {  	_ =	swait.ge [sflag:s13], $0x5000  }
0x49: {  	[sflag:s13] =	ssyncset.done $0x0  }
0x4a: {  	[sflag:s13] =	ssyncadd.s32 $0xFFFFB000  }
0x4b: {  	[spmem:s8] =	stream.linear.scatter [tilespmem:s15], [sflag:$0x2], $0x5000, $0x38;
	[tilespmem:$0x1C840] =	vst v63  }
0x4c: {  	_ =	swait.ge [sflag:s13], $0x5000  }
0x4d: {  	[sflag:s13] =	ssyncset.done $0x0  }
0x4e: {  	[sflag:s13] =	ssyncadd.s32 $0xFFFFB000  }
0x4f: {  	s30 =	simm.s32 $0x0;
	[bflag:$0x0] =	sbarrier.arrive $0xFFFF  }
0x50: {  	[tilespmem:s17], [sflag:$0x1] =	stream.indirect.gather [hbm4b:s4+s16], $0x80, s30, s16, $0xb8;
	[tilespmem:$0x1C840] =	vst v63  }
0x51: {  	_ =	swait.ge [sflag:s18], $0x2800  }
0x52: {  	[sflag:s18] =	ssyncset.done $0x0  }
0x53: {  	s31 =	simm.s32 $0x8000;
	[sflag:s18] =	ssyncadd.s32 $0xFFFFD800  }
0x54: {  	[spmem:s2] =	stream.indirect.scatter.add.f32 [tilespmem:s17], [sflag:$0x2], $0x80, s31, s16, $0xb8;
	[tilespmem:$0x1C840] =	vst v63  }
0x55: {  	_ =	swait.ge [sflag:s13], $0x2800  }
0x56: {  	s21 =	simm.s32 $0x400;
	s20 =	simm.s32 $0x200;
	[sflag:s13] =	ssyncset.done $0x0  }
.LBB2_4:
0x57: {  	s22 =	sshra.s32 s20, $0x2  }
0x58: {  	[sflag:s13] =	ssyncadd.s32 $0xFFFFD800;
	s20 =	smov.u32 s21;
	s23 =	sadd.s32 $0x200, s21  }
0x59: {  	[tilespmem:s17], [sflag:$0x1] =	stream.indirect.gather [hbm4b:s4+s16], $0x80, s22, s16, $0xb8;
	[tilespmem:$0x1C840] =	vst v63  }
0x5a: {  	p0 =	sne.s32 s21, $0x1F200;
	_ =	swait.ge [sflag:s18], $0x2800  }
.Ltmp1:
0x5b: {  	[sflag:s18] =	ssyncset.done $0x0;
	(pc) =	sbr.rel @p0 .LBB2_4-.Ltmp1, $4  }
0x5c: {  	s21 =	sadd.s32 $0x8000, s22;
	[sflag:s18] =	ssyncadd.s32 $0xFFFFD800  }
0x5d: {  	[spmem:s2] =	stream.indirect.scatter.add.f32 [tilespmem:s17], [sflag:$0x2], $0x80, s21, s16, $0xb8;
	[tilespmem:$0x1C840] =	vst v63  }
0x5e: {  	_ =	swait.ge [sflag:s13], $0x2800  }
0x5f: {  	s21 =	smov.u32 s23;
	[sflag:s13] =	ssyncset.done $0x0  }
0x60: {  	s20 =	sshra.s32 s20, $0x2;
	[sflag:s13] =	ssyncadd.s32 $0xFFFFD800  }
0x61: {  	[tilespmem:s17], [sflag:$0x1] =	stream.indirect.gather [hbm4b:s4+s16], $0x80, s20, s16, $0xb8;
	[tilespmem:$0x1C840] =	vst v63  }
0x62: {  	_ =	swait.ge [sflag:s18], $0x2800  }
0x63: {  	[sflag:s18] =	ssyncset.done $0x0  }
0x64: {  	s20 =	sadd.s32 $0x8000, s20;
	[sflag:s18] =	ssyncadd.s32 $0xFFFFD800  }
0x65: {  	[spmem:s2] =	stream.indirect.scatter.add.f32 [tilespmem:s17], [sflag:$0x2], $0x80, s20, s16, $0xb8;
	[tilespmem:$0x1C840] =	vst v63  }
0x66: {  	_ =	swait.ge [sflag:s13], $0x2800  }
0x67: {  	[sflag:s13] =	ssyncset.done $0x0  }
0x68: {  	[sflag:s13] =	ssyncadd.s32 $0xFFFFD800  }
0x69: {  	[bflag:$0x0] =	sbarrier.arrive $0xFFFF  }
0x6a: {  	[tilespmem:s15], [sflag:$0x2] =	stream.linear.gather [spmem:s8], $0x5000, $0x38;
	[tilespmem:$0x1C840] =	vst v63  }
0x6b: {  	s19 =	sadd.s32 $0x1, s19;
	_ =	swait.ge [sflag:s13], $0x5000  }
0x6c: {  	p0 =	sne.s32 s19, s12;
	[sflag:s13] =	ssyncset.done $0x0  }
.Ltmp2:
0x6d: {  	[sflag:s13] =	ssyncadd.s32 $0xFFFFB000;
	(pc) =	sbr.rel @p0 .LBB2_1-.Ltmp2, $4  }
0x6e: {  	[hbm4b:s11+s3] =	stream.linear.scatter [tilespmem:s15], [sflag:$0x2], $0x5000, $0x38;
	[tilespmem:$0x1C840] =	vst v63  }
0x6f: {  	_ =	swait.ge [sflag:s13], $0x5000  }
0x70: {  	[sflag:s13] =	ssyncset.done $0x0  }
0x71: {  	[sflag:s13] =	ssyncadd.s32 $0xFFFFB000  }
0x72: {  	_ =	sfence.sel $0x180000  }
0x73: {  	[bflag:$0x0] =	sbarrier.arrive $0xFFFF  }
0x74: {  	p0 =	sne.s32 s1, $0x0;
	_ =	strace $0x90000047  }
0x75: {  	s0 =	sadd.s32 @!p0 $0x100000, s0;
	[bflag:$0x2] =	sbarrier.arrive $0xFFFF  }
0x76: {  	[sflag:s0] =	ssyncadd.tile.s32 @!p0 $0x1;
	_ =	shalt  }
.Lfunc_end2:
_tile_overlayer_lowered:
.L_overlay_start_2:
0x77: {  	(tag) =	ssettag $0x2  }
0x78: {  	s0 =	rddreg [dreg:$0x0];
	s2 =	stileid.u32  }
0x79: {  	s1 =	rddreg [dreg:$0x1];
	p0 =	sne.s32 s2, $0x0  }
0x7a: {  	s3 =	rddreg [dreg:$0x2];
	[bflag:$0x3] =	sbarrier.arrive $0xFFFF;
	s2 =	simm.s32 @!p0 $0x1C02  }
0x7b: {  	[timem:s3], [sflag:s2] =	dma.local @!p0 [hbm:s0], s1  }
0x7c: {  	s0 =	simm.s32 @!p0 $0x2  }
0x7d: {  	_ =	swait.ge @!p0 [sflag:s0], s1  }
0x7e: {  	s1 =	ssub.s32 @!p0 $0x0, s1;
	[sflag:s0] =	ssyncset.done @!p0 $0x0  }
0x7f: {  	[sflag:s0] =	ssyncadd.s32 @!p0 s1  }
0x80: {  	[bflag:$0x3] =	sbarrier.arrive $0xFFFF  }
0x81: {  	_ =	shalt  }

// kernel: kernel.14.cloned.1.call-start
scs
__scs_entry_jumppad:
0x0: {  	(pc) =	sbr.rel $0x88, $3  }
0x1: {  	(tag) =	ssettag $0x0;
	lr =	simm.s32 $0x1  }
0x2: {  	[smem:$0x3F96] =	sst lr;
	_ =	strace $0xD0000000  }
0x3: {  	_ = 	snop  }
0x4: {  	_ = 	snop  }
0x5: {  	_ = 	snop  }
0x6: {  	_ = 	snop  }
0x7: {  	_ = 	snop  }
__scs_overlays_trampoline_lowered:
0x8: {  	[smem:$0x3FA5] =	sst s0  }
0x9: {  	[smem:$0x3FA6] =	sst s1  }
0xa: {  	[smem:$0x3FA7] =	sst s2  }
0xb: {  	[smem:$0x3FA8] =	sst s3  }
0xc: {  	[smem:$0x3FA9] =	sst s4  }
0xd: {  	[smem:$0x3FAA] =	sst s5  }
0xe: {  	[smem:$0x3FAB] =	sst s6  }
0xf: {  	[smem:$0x3FAC] =	sst s7  }
0x10: {  	[smem:$0x3FAD] =	sst s8  }
0x11: {  	[smem:$0x3FAE] =	sst s9;
	s0 =	simm.s32 @!p0 $0x0  }
0x12: {  	s1 =	sld [smem:$0x3F94];
	s0 =	simm.s32 @p0 $0x1  }
0x13: {  	[smem:$0x3FAF] =	sst s0;
	s0 =	simm.s32 @!p1 $0x0  }
0x14: {  	s2 =	sld [smem:$0x3F93];
	s0 =	simm.s32 @p1 $0x1  }
0x15: {  	[smem:$0x3FB0] =	sst s0;
	s0 =	simm.s32 @!p2 $0x0  }
0x16: {  	s3 =	sld [smem:$0x3FDB];
	s0 =	simm.s32 @p2 $0x1  }
0x17: {  	s4 =	simm.s32 $0x1BF5;
	[smem:$0x3FB2] =	sst s0  }
0x18: {  	s0 =	sld [smem:$0x3F95];
	_ =	swait.ge [sflag:s4], $0x0  }
0x19: {  	s7 =	sld [smem:$0x3F96]  }
0x1a: {  	s8 =	sadd.s32 $0xFFFFE003, lr  }
0x1b: {  	s9 =	sadd.s32 $0xFFFFFEF7, lr;
	s5 =	simm.s32 $0xFFFFFFFF;
	p2 =	slt.u32 s8, $0xFFFFF086  }
0x1c: {  	p1 =	slt.u32 s9, $0xF7A;
	s5 =	simm.s32 @!p2 $0x0  }
0x1d: {  	s5 =	simm.s32 @p1 $0x1;
	p0 =	seq.s32 s7, s2  }
0x1e: {  	s7 =	smul.u32 @!p0 $0xF7A, s2;
	p2 =	seq.s32 @!p0 s5, $0x0  }
0x1f: {  	s9 =	smul.u32 $0xF7A, s1;
	s8 =	simm.s32 @!p0 $0x1BF5;
	p2 =	por !p2, p0  }
0x20: {  	[sflag:s8] =	ssyncset.s32 @!p0 $0xFFFFF086;
	s6 =	sadd.s32 @!p0 s3, s7;
	s7 =	simm.s32 @!p0 $0x108  }
0x21: {  	s3 =	sadd.s32 s3, s9;
	s6 =	sadd.s32 @!p0 $0x88, s6;
	s7 =	simm.s32 @p2 $0x1082  }
0x22: {  	[simem:s7], [sflag:s8] =	dma.local @!p0 [hbm:s6], $0xF7A  }
0x23: {  	s9 =	sor.u32 $0xD0000000, s2;
	s6 =	simm.s32 $0x108;
	_ =	swait.ge @!p0 [sflag:s8], $0x0  }
0x24: {  	s3 =	sadd.s32 $0x88, s3;
	s6 =	simm.s32 @!p1 $0x1082;
	[sflag:s4] =	ssyncset.s32 $0xFFFFF086  }
0x25: {  	[simem:s6], [sflag:s4] =	dma.local [hbm:s3], $0xF7A  }
0x26: {  	[smem:$0x3F96] =	sst s1;
	(tag) =	ssettag s2;
	_ =	strace s9  }
0x27: {  	s1 =	sld [smem:$0x3FA6]  }
0x28: {  	s2 =	sld [smem:$0x3FA7]  }
0x29: {  	s4 =	sld [smem:$0x3FA9]  }
0x2a: {  	p0 =	seq.s32 s5, $0x0;
	s5 =	sld [smem:$0x3FAA]  }
0x2b: {  	s6 =	sld [smem:$0x3FAB]  }
0x2c: {  	s7 =	sld [smem:$0x3FAC]  }
0x2d: {  	s3 =	simm.s32 $0x108;
	s8 =	sld [smem:$0x3FAD]  }
0x2e: {  	s3 =	simm.s32 @!p0 $0x1082;
	s9 =	sld [smem:$0x3FAE]  }
0x2f: {  	lr =	sadd.s32 s0, s3;
	s0 =	sld [smem:$0x3FA5]  }
0x30: {  	s3 =	sld [smem:$0x3FA8]  }
0x31: {  	[smem:$0x3FB1] =	sst s10  }
0x32: {  	s10 =	sld [smem:$0x3FAF];
	_ =	sdelay $0x3  }
0x33: {  	p0 =	seq.s32 s10, $0x1;
	s10 =	sld [smem:$0x3FB1];
	_ =	sdelay $0x3  }
0x34: {  	[smem:$0x3FB1] =	sst s10  }
0x35: {  	s10 =	sld [smem:$0x3FB0];
	_ =	sdelay $0x3  }
0x36: {  	p1 =	seq.s32 s10, $0x1;
	s10 =	sld [smem:$0x3FB1];
	_ =	sdelay $0x3  }
0x37: {  	[smem:$0x3FB1] =	sst s10  }
0x38: {  	s10 =	sld [smem:$0x3FB2]  }
0x39: {  	_ = 	snop;
	(pc) =	sbr.ind lr, $3  }
0x3a: {  	_ = 	snop  }
0x3b: {  	_ = 	snop  }
0x3c: {  	p2 =	seq.s32 s10, $0x1;
	s10 =	sld [smem:$0x3FB1]  }
0x3d: {  	_ =	shalt  }
0x3e: {  	_ =	shalt  }
0x3f: {  	_ =	shalt  }
0x40: {  	_ =	shalt  }
0x41: {  	_ =	shalt  }
0x42: {  	_ =	shalt  }
0x43: {  	_ =	shalt  }
0x44: {  	_ =	shalt  }
0x45: {  	_ =	shalt  }
0x46: {  	_ =	shalt  }
0x47: {  	_ =	shalt  }
0x48: {  	_ =	shalt  }
0x49: {  	_ =	shalt  }
0x4a: {  	_ =	shalt  }
0x4b: {  	_ =	shalt  }
0x4c: {  	_ =	shalt  }
0x4d: {  	_ =	shalt  }
0x4e: {  	_ =	shalt  }
0x4f: {  	_ =	shalt  }
0x50: {  	_ =	shalt  }
0x51: {  	_ =	shalt  }
0x52: {  	_ =	shalt  }
0x53: {  	_ =	shalt  }
0x54: {  	_ =	shalt  }
0x55: {  	_ =	shalt  }
0x56: {  	_ =	shalt  }
0x57: {  	_ =	shalt  }
0x58: {  	_ =	shalt  }
0x59: {  	_ =	shalt  }
0x5a: {  	_ =	shalt  }
0x5b: {  	_ =	shalt  }
0x5c: {  	_ =	shalt  }
0x5d: {  	_ =	shalt  }
0x5e: {  	_ =	shalt  }
0x5f: {  	_ =	shalt  }
0x60: {  	_ =	shalt  }
0x61: {  	_ =	shalt  }
0x62: {  	_ =	shalt  }
0x63: {  	_ =	shalt  }
0x64: {  	_ =	shalt  }
0x65: {  	_ =	shalt  }
0x66: {  	_ =	shalt  }
0x67: {  	_ =	shalt  }
0x68: {  	_ =	shalt  }
0x69: {  	_ =	shalt  }
0x6a: {  	_ =	shalt  }
0x6b: {  	_ =	shalt  }
0x6c: {  	_ =	shalt  }
0x6d: {  	_ =	shalt  }
0x6e: {  	_ =	shalt  }
0x6f: {  	_ =	shalt  }
0x70: {  	_ =	shalt  }
0x71: {  	_ =	shalt  }
0x72: {  	_ =	shalt  }
0x73: {  	_ =	shalt  }
0x74: {  	_ =	shalt  }
0x75: {  	_ =	shalt  }
0x76: {  	_ =	shalt  }
0x77: {  	_ =	shalt  }
0x78: {  	_ =	shalt  }
0x79: {  	_ =	shalt  }
0x7a: {  	_ =	shalt  }
0x7b: {  	_ =	shalt  }
0x7c: {  	_ =	shalt  }
0x7d: {  	_ =	shalt  }
0x7e: {  	_ =	shalt  }
0x7f: {  	_ =	shalt  }
0x80: {  	_ =	shalt  }
0x81: {  	_ =	shalt  }
0x82: {  	_ =	shalt  }
0x83: {  	_ =	shalt  }
0x84: {  	_ =	shalt  }
0x85: {  	_ =	shalt  }
0x86: {  	_ =	shalt  }
0x87: {  	_ =	shalt  }
.Lfunc_end0:
.L_simem_size_0:
called_computation.1_lowered:
.L_overlay_start_0:
0x88: {  	s2 =	sld [smem:$0x3FD9]  }
0x89: {  	s3 =	sld [smem:$0x3FFE];
	_ =	sdelay $0x1  }
0x8a: {  	s1 =	srdreg.scid  }
0x8b: {  	s0 =	sand.u32 $0x1, s1  }
0x8c: {  	s16 =	sshll.u32 s0, $0xA;
	s2 =	sadd.s32 s3, s2  }
0x8d: {  	s2 =	sadd.s32 s2, s16  }
0x8e: {  	[smem:$0x3FBD] =	sst s2  }
0x8f: {  	_ = 	snop  }
0x90: {  	(tm) =	ssettm $0x1  }
0x91: {  	s17 =	sld [smem:$0x3FFB];
	_ =	sdelay $0x3  }
0x92: {  	_ =	strace s17  }
0x93: {  	s2 =	sld [smem:$0x3FFC];
	_ =	sdelay $0x3  }
0x94: {  	_ =	strace s2  }
0x95: {  	s2 =	sld [smem:$0x3FFD];
	_ =	sdelay $0x3  }
0x96: {  	_ =	strace s2  }
0x97: {  	_ =	strace $0x8FFFFFFF  }
0x98: {  	s18 =	sld [smem:$0x3FDB];
	_ =	sdelay $0x1  }
0x99: {  	s19 =	simm.s32 $_scs_section_size  }
0x9a: {  	s4 =	simm.s32 $_size__tile_overlayer_lowered;
	s5 =	simm.s32 $_tile_overlayer_lowered  }
0x9b: {  	s22 =	simm.s32 $0x1BFF;
	s21 =	sshll.u32 s5, $0x1;
	s2 =	sadd.s32 s19, s18  }
0x9c: {  	s6 =	simm.s32 $0x0;
	s20 =	sshll.u32 s4, $0x1;
	s4 =	sadd.s32 s21, s2  }
0x9d: {  	[timem:s6], [sflag:s22] =	dma.local [hbm:s4], s20  }
0x9e: {  	_ =	swait.ge [sflag:s22], s20  }
0x9f: {  	s3 =	ssub.s32 $0x0, s20;
	[sflag:s22] =	ssyncset.done $0x0  }
0xa0: {  	[sflag:s22] =	ssyncadd.s32 s3;
	_ =	sdelay $0x1  }
0xa1: {  	s23 =	simm.s32 $0x1B8B  }
0xa2: {  	_ =	swait.ge [sflag:s23], $0x1  }
0xa3: {  	[sflag:s23] =	ssyncset.done $0x0  }
0xa4: {  	s25 =	simm.s32 $0x1B8E;
	s24 =	sld [smem:$0x3FFE];
	[sflag:s23] =	ssyncadd.s32 $0xFFFFFFFF  }
0xa5: {  	s26 =	simm.s32 $execute0_lowered;
	[smem:$0x3FD2] =	sst s25  }
0xa6: {  	s4 =	sshll.u32 s26, $0x1;
	_ =	strace $0x80000049;
	[dreg:$0x1] =	wrdreg $0xFFFFFFFF  }
0xa7: {  	s28 =	simm.s32 $_size_execute0_lowered;
	s2 =	sadd.s32 s2, s4;
	[dreg:$0x0] =	wrdreg $0x0  }
0xa8: {  	s4 =	sshll.u32 s28, $0x1;
	[dreg:$0x2] =	wrdreg s2  }
0xa9: {  	[dreg:$0x3] =	wrdreg s4  }
0xaa: {  	[dreg:$0x4] =	wrdreg $0xC0  }
0xab: {  	_ =	task [dreg:s6], $0x5FFFF  }
0xac: {  	[dreg:$0x1] =	wrdreg $0xFFFFFFFF  }
0xad: {  	[dreg:$0x0] =	wrdreg $0x60  }
0xae: {  	[dreg:$0x2] =	wrdreg s24  }
0xaf: {  	[dreg:$0x3] =	wrdreg $0x178000  }
0xb0: {  	[dreg:$0x4] =	wrdreg $0x9  }
0xb1: {  	_ =	task.clear_ibuf [dreg:s6], $0x5FFFF;
	_ =	strace $0x90000049  }
0xb2: {  	s29 =	simm.s32 $0x9;
	_ =	strace $0x8000004B  }
0xb3: {  	_ =	swait.ge [sflag:s29], $0x1  }
0xb4: {  	[sflag:s29] =	ssyncadd.s32 $0xFFFFFFFF  }
0xb5: {  	_ =	strace $0x9000004B  }
0xb6: {  	_ =	sfence  }
0xb7: {  	s30 =	sld [smem:$0x0];
	_ =	sdelay $0x2  }
0xb8: {  	s31 =	sshll.u32 s1, $0xD;
	s1 =	sshrl.u32 s1, $0x2  }
0xb9: {  	s3 =	sand.u32 $0x4000, s31;
	s1 =	sadd.s32 s1, s30  }
0xba: {  	s0 =	sor.u32 s3, s0;
	s1 =	sshll.u32 s1, $0x11  }
0xbb: {  	s0 =	sor.u32 s1, s0  }
0xbc: {  	s0 =	sadd.s32 $0x8F2B, s0  }
0xbd: {  	[sflag:s0] =	ssyncadd.remote.s32 $0x1  }
0xbe: {  	_ =	sfence.sel $0xFFFF  }
0xbf: {  	[dreg:$0x0] =	wrdreg $0xFFFFFFFF;
	(pc) =	sbr.abs _section_cstart, $3  }
0xc0: {  	[dreg:$0x1] =	wrdreg $0xFFFFFFFF  }
0xc1: {  	_ =	task.clear_ibuf [dreg:s6], $0x2FFFF;
	_ =	strace $0x9FFFFFFF  }
0xc2: {  	(tm) =	ssettm $0x7FFFFFFF  }
0xc3: {  	_ =	shalt  }
tec
execute0_lowered:
.L_overlay_start_1:
0x0: {  	(tag) =	ssettag $0x1  }
0x1: {  	s6 =	rddreg [dreg:$0x0]  }
0x2: {  	s2 =	rddreg [dreg:$0x1]  }
0x3: {  	s0 =	rddreg [dreg:$0x2];
	s4 =	srdreg.scid  }
0x4: {  	s3 =	simm.s32 $0x0;
	s1 =	stileid.u32;
	s15 =	simm.s32 $0x12800  }
0x5: {  	s16 =	simm.s32 $0x50;
	s17 =	simm.s32 $0x10000;
	s18 =	simm.s32 $0x1  }
0x6: {  	s19 =	simm.s32 $0x0;
	s5 =	sand.u32 $0x1, s4;
	s9 =	smul.u32 $0xA0, s1  }
0x7: {  	s26 =	sshll.u32 s1, $0xC;
	[smem:$0x7FF] =	sst s3;
	s12 =	smul.u32 $0x14000, s1  }
0x8: {  	s4 =	sadd.s32 $0x54400, s6;
	s7 =	sshll.u32 s5, $0x11;
	s8 =	smul.u32 $0x1400, s5  }
0x9: {  	_ =	strace $0x8000004A;
	s10 =	sadd.s32 s26, s6;
	s29 =	ssub.s32 $0x2, s5  }
0xa: {  	s5 =	sadd.s32 $0x53A00, s6;
	s7 =	sor.u32 s26, s7;
	s30 =	sshrl.u32 s29, $0x1  }
0xb: {  	s31 =	sshrl.u32 s12, $0x2;
	s11 =	sadd.s32 s7, s6;
	s28 =	sadd.s32 s9, s8  }
0xc: {  	s14 =	ssub.s32 s29, s30;
	s8 =	sadd.s32 s31, s2;
	s7 =	sshll.u32 s28, $0x4  }
0xd: {  	s12 =	smax.u32 s14, $0x1;
	s14 =	simm.s32 $0x8000;
	s13 =	sadd.s32 s7, s6  }
0xe: {  	s6 =	sadd.s32 $0x43A00, s10;
	s7 =	sadd.s32 $0x3A00, s11;
	s10 =	sadd.s32 $0x13A00, s11  }
0xf: {  	s9 =	sadd.s32 $0x7B600, s13;
	s11 =	sadd.s32 $0x85600, s13;
	s13 =	simm.s32 $0x2  }
.LBB2_1:
0x10: {  	[tilespmem:s3], [sflag:$0x2] =	stream.linear.gather [hbm4b:s6+s3], $0x7D00, $0x38;
	[tilespmem:$0x1C840] =	vst v63  }
0x11: {  	_ =	swait.ge [sflag:s13], $0x7D00  }
0x12: {  	[sflag:s13] =	ssyncset.done $0x0  }
0x13: {  	[sflag:s13] =	ssyncadd.s32 $0xFFFF8300  }
0x14: {  	[tilespmem:s14], [sflag:$0x2] =	stream.linear.gather [hbm4b:s7+s3], $0x7D00, $0x38;
	[tilespmem:$0x1C840] =	vst v63  }
0x15: {  	_ =	swait.ge [sflag:s13], $0x7D00  }
0x16: {  	[sflag:s13] =	ssyncset.done $0x0  }
0x17: {  	[sflag:s13] =	ssyncadd.s32 $0xFFFF8300  }
0x18: {  	[tilespmem:s15], [sflag:$0x2] =	stream.linear.gather [hbm4b:s5+s3], $0x5000, $0x38;
	[tilespmem:$0x1C840] =	vst v63  }
0x19: {  	_ =	swait.ge [sflag:s13], $0x5000  }
0x1a: {  	[sflag:s13] =	ssyncset.done $0x0  }
0x1b: {  	[sflag:s13] =	ssyncadd.s32 $0xFFFFB000  }
0x1c: {  	[spmem:s8] =	stream.linear.scatter [tilespmem:s15], [sflag:$0x2], $0x5000, $0x38;
	[tilespmem:$0x1C840] =	vst v63  }
0x1d: {  	_ =	swait.ge [sflag:s13], $0x5000  }
0x1e: {  	[sflag:s13] =	ssyncset.done $0x0  }
0x1f: {  	[sflag:s13] =	ssyncadd.s32 $0xFFFFB000  }
0x20: {  	s20 =	simm.s32 $0x0;
	[bflag:$0x0] =	sbarrier.arrive $0xFFFF  }
0x21: {  	[tilespmem:s17], [sflag:$0x1] =	stream.indirect.gather [hbm4b:s4+s16], $0x80, s20, s16, $0xb8;
	[tilespmem:$0x1C840] =	vst v63  }
0x22: {  	_ =	swait.ge [sflag:s18], $0x2800  }
0x23: {  	[sflag:s18] =	ssyncset.done $0x0  }
0x24: {  	s31 =	simm.s32 $0x8000;
	[sflag:s18] =	ssyncadd.s32 $0xFFFFD800  }
0x25: {  	[spmem:s2] =	stream.indirect.scatter.add.f32 [tilespmem:s17], [sflag:$0x2], $0x80, s31, s16, $0xb8;
	[tilespmem:$0x1C840] =	vst v63  }
0x26: {  	_ =	swait.ge [sflag:s13], $0x2800  }
0x27: {  	s21 =	simm.s32 $0x400;
	s20 =	simm.s32 $0x200;
	[sflag:s13] =	ssyncset.done $0x0  }
.LBB2_2:
0x28: {  	s22 =	sshra.s32 s20, $0x2  }
0x29: {  	[sflag:s13] =	ssyncadd.s32 $0xFFFFD800;
	s20 =	smov.u32 s21;
	s23 =	sadd.s32 $0x200, s21  }
0x2a: {  	[tilespmem:s17], [sflag:$0x1] =	stream.indirect.gather [hbm4b:s4+s16], $0x80, s22, s16, $0xb8;
	[tilespmem:$0x1C840] =	vst v63  }
0x2b: {  	p0 =	sne.s32 s21, $0x1F200;
	_ =	swait.ge [sflag:s18], $0x2800  }
.Ltmp0:
0x2c: {  	[sflag:s18] =	ssyncset.done $0x0;
	(pc) =	sbr.rel @p0 .LBB2_2-.Ltmp0, $4  }
0x2d: {  	s21 =	sadd.s32 $0x8000, s22;
	[sflag:s18] =	ssyncadd.s32 $0xFFFFD800  }
0x2e: {  	[spmem:s2] =	stream.indirect.scatter.add.f32 [tilespmem:s17], [sflag:$0x2], $0x80, s21, s16, $0xb8;
	[tilespmem:$0x1C840] =	vst v63  }
0x2f: {  	_ =	swait.ge [sflag:s13], $0x2800  }
0x30: {  	s21 =	smov.u32 s23;
	[sflag:s13] =	ssyncset.done $0x0  }
0x31: {  	s20 =	sshra.s32 s20, $0x2;
	[sflag:s13] =	ssyncadd.s32 $0xFFFFD800  }
0x32: {  	[tilespmem:s17], [sflag:$0x1] =	stream.indirect.gather [hbm4b:s4+s16], $0x80, s20, s16, $0xb8;
	[tilespmem:$0x1C840] =	vst v63  }
0x33: {  	_ =	swait.ge [sflag:s18], $0x2800  }
0x34: {  	[sflag:s18] =	ssyncset.done $0x0  }
0x35: {  	s20 =	sadd.s32 $0x8000, s20;
	[sflag:s18] =	ssyncadd.s32 $0xFFFFD800  }
0x36: {  	[spmem:s2] =	stream.indirect.scatter.add.f32 [tilespmem:s17], [sflag:$0x2], $0x80, s20, s16, $0xb8;
	[tilespmem:$0x1C840] =	vst v63  }
0x37: {  	_ =	swait.ge [sflag:s13], $0x2800  }
0x38: {  	[sflag:s13] =	ssyncset.done $0x0  }
0x39: {  	[sflag:s13] =	ssyncadd.s32 $0xFFFFD800  }
0x3a: {  	[bflag:$0x0] =	sbarrier.arrive $0xFFFF  }
0x3b: {  	[tilespmem:s15], [sflag:$0x2] =	stream.linear.gather [spmem:s8], $0x5000, $0x38;
	[tilespmem:$0x1C840] =	vst v63  }
0x3c: {  	_ =	swait.ge [sflag:s13], $0x5000  }
0x3d: {  	[sflag:s13] =	ssyncset.done $0x0  }
0x3e: {  	s29 =	simm.s32 $0x0;
	[sflag:s13] =	ssyncadd.s32 $0xFFFFB000  }
0x3f: {  	[hbm4b:s9+s29] =	stream.linear.scatter [tilespmem:s15], [sflag:$0x2], $0x5000, $0x38;
	[tilespmem:$0x1C840] =	vst v63  }
0x40: {  	_ =	swait.ge [sflag:s13], $0x5000  }
0x41: {  	[sflag:s13] =	ssyncset.done $0x0  }
0x42: {  	[sflag:s13] =	ssyncadd.s32 $0xFFFFB000  }
0x43: {  	[tilespmem:s14], [sflag:$0x2] =	stream.linear.gather [hbm4b:s10+s29], $0x7D00, $0x38;
	[tilespmem:$0x1C840] =	vst v63  }
0x44: {  	_ =	swait.ge [sflag:s13], $0x7D00  }
0x45: {  	[sflag:s13] =	ssyncset.done $0x0  }
0x46: {  	[sflag:s13] =	ssyncadd.s32 $0xFFFF8300  }
0x47: {  	[tilespmem:s15], [sflag:$0x2] =	stream.linear.gather [hbm4b:s5+s29], $0x5000, $0x38;
	[tilespmem:$0x1C840] =	vst v63  }
0x48: {  	_ =	swait.ge [sflag:s13], $0x5000  }
0x49: {  	[sflag:s13] =	ssyncset.done $0x0  }
0x4a: {  	[sflag:s13] =	ssyncadd.s32 $0xFFFFB000  }
0x4b: {  	[spmem:s8] =	stream.linear.scatter [tilespmem:s15], [sflag:$0x2], $0x5000, $0x38;
	[tilespmem:$0x1C840] =	vst v63  }
0x4c: {  	_ =	swait.ge [sflag:s13], $0x5000  }
0x4d: {  	[sflag:s13] =	ssyncset.done $0x0  }
0x4e: {  	[sflag:s13] =	ssyncadd.s32 $0xFFFFB000  }
0x4f: {  	s30 =	simm.s32 $0x0;
	[bflag:$0x0] =	sbarrier.arrive $0xFFFF  }
0x50: {  	[tilespmem:s17], [sflag:$0x1] =	stream.indirect.gather [hbm4b:s4+s16], $0x80, s30, s16, $0xb8;
	[tilespmem:$0x1C840] =	vst v63  }
0x51: {  	_ =	swait.ge [sflag:s18], $0x2800  }
0x52: {  	[sflag:s18] =	ssyncset.done $0x0  }
0x53: {  	s31 =	simm.s32 $0x8000;
	[sflag:s18] =	ssyncadd.s32 $0xFFFFD800  }
0x54: {  	[spmem:s2] =	stream.indirect.scatter.add.f32 [tilespmem:s17], [sflag:$0x2], $0x80, s31, s16, $0xb8;
	[tilespmem:$0x1C840] =	vst v63  }
0x55: {  	_ =	swait.ge [sflag:s13], $0x2800  }
0x56: {  	s21 =	simm.s32 $0x400;
	s20 =	simm.s32 $0x200;
	[sflag:s13] =	ssyncset.done $0x0  }
.LBB2_4:
0x57: {  	s22 =	sshra.s32 s20, $0x2  }
0x58: {  	[sflag:s13] =	ssyncadd.s32 $0xFFFFD800;
	s20 =	smov.u32 s21;
	s23 =	sadd.s32 $0x200, s21  }
0x59: {  	[tilespmem:s17], [sflag:$0x1] =	stream.indirect.gather [hbm4b:s4+s16], $0x80, s22, s16, $0xb8;
	[tilespmem:$0x1C840] =	vst v63  }
0x5a: {  	p0 =	sne.s32 s21, $0x1F200;
	_ =	swait.ge [sflag:s18], $0x2800  }
.Ltmp1:
0x5b: {  	[sflag:s18] =	ssyncset.done $0x0;
	(pc) =	sbr.rel @p0 .LBB2_4-.Ltmp1, $4  }
0x5c: {  	s21 =	sadd.s32 $0x8000, s22;
	[sflag:s18] =	ssyncadd.s32 $0xFFFFD800  }
0x5d: {  	[spmem:s2] =	stream.indirect.scatter.add.f32 [tilespmem:s17], [sflag:$0x2], $0x80, s21, s16, $0xb8;
	[tilespmem:$0x1C840] =	vst v63  }
0x5e: {  	_ =	swait.ge [sflag:s13], $0x2800  }
0x5f: {  	s21 =	smov.u32 s23;
	[sflag:s13] =	ssyncset.done $0x0  }
0x60: {  	s20 =	sshra.s32 s20, $0x2;
	[sflag:s13] =	ssyncadd.s32 $0xFFFFD800  }
0x61: {  	[tilespmem:s17], [sflag:$0x1] =	stream.indirect.gather [hbm4b:s4+s16], $0x80, s20, s16, $0xb8;
	[tilespmem:$0x1C840] =	vst v63  }
0x62: {  	_ =	swait.ge [sflag:s18], $0x2800  }
0x63: {  	[sflag:s18] =	ssyncset.done $0x0  }
0x64: {  	s20 =	sadd.s32 $0x8000, s20;
	[sflag:s18] =	ssyncadd.s32 $0xFFFFD800  }
0x65: {  	[spmem:s2] =	stream.indirect.scatter.add.f32 [tilespmem:s17], [sflag:$0x2], $0x80, s20, s16, $0xb8;
	[tilespmem:$0x1C840] =	vst v63  }
0x66: {  	_ =	swait.ge [sflag:s13], $0x2800  }
0x67: {  	[sflag:s13] =	ssyncset.done $0x0  }
0x68: {  	[sflag:s13] =	ssyncadd.s32 $0xFFFFD800  }
0x69: {  	[bflag:$0x0] =	sbarrier.arrive $0xFFFF  }
0x6a: {  	[tilespmem:s15], [sflag:$0x2] =	stream.linear.gather [spmem:s8], $0x5000, $0x38;
	[tilespmem:$0x1C840] =	vst v63  }
0x6b: {  	s19 =	sadd.s32 $0x1, s19;
	_ =	swait.ge [sflag:s13], $0x5000  }
0x6c: {  	p0 =	sne.s32 s19, s12;
	[sflag:s13] =	ssyncset.done $0x0  }
.Ltmp2:
0x6d: {  	[sflag:s13] =	ssyncadd.s32 $0xFFFFB000;
	(pc) =	sbr.rel @p0 .LBB2_1-.Ltmp2, $4  }
0x6e: {  	[hbm4b:s11+s3] =	stream.linear.scatter [tilespmem:s15], [sflag:$0x2], $0x5000, $0x38;
	[tilespmem:$0x1C840] =	vst v63  }
0x6f: {  	_ =	swait.ge [sflag:s13], $0x5000  }
0x70: {  	[sflag:s13] =	ssyncset.done $0x0  }
0x71: {  	[sflag:s13] =	ssyncadd.s32 $0xFFFFB000  }
0x72: {  	_ =	sfence.sel $0x180000  }
0x73: {  	[bflag:$0x0] =	sbarrier.arrive $0xFFFF  }
0x74: {  	p0 =	sne.s32 s1, $0x0;
	_ =	strace $0x9000004A  }
0x75: {  	s0 =	sadd.s32 @!p0 $0x100000, s0;
	[bflag:$0x2] =	sbarrier.arrive $0xFFFF  }
0x76: {  	[sflag:s0] =	ssyncadd.tile.s32 @!p0 $0x1;
	_ =	shalt  }
.Lfunc_end2:
_tile_overlayer_lowered:
.L_overlay_start_2:
0x77: {  	(tag) =	ssettag $0x2  }
0x78: {  	s0 =	rddreg [dreg:$0x0];
	s2 =	stileid.u32  }
0x79: {  	s1 =	rddreg [dreg:$0x1];
	p0 =	sne.s32 s2, $0x0  }
0x7a: {  	s3 =	rddreg [dreg:$0x2];
	[bflag:$0x3] =	sbarrier.arrive $0xFFFF;
	s2 =	simm.s32 @!p0 $0x1C02  }
0x7b: {  	[timem:s3], [sflag:s2] =	dma.local @!p0 [hbm:s0], s1  }
0x7c: {  	s0 =	simm.s32 @!p0 $0x2  }
0x7d: {  	_ =	swait.ge @!p0 [sflag:s0], s1  }
0x7e: {  	s1 =	ssub.s32 @!p0 $0x0, s1;
	[sflag:s0] =	ssyncset.done @!p0 $0x0  }
0x7f: {  	[sflag:s0] =	ssyncadd.s32 @!p0 s1  }
0x80: {  	[bflag:$0x3] =	sbarrier.arrive $0xFFFF  }
0x81: {  	_ =	shalt  }

// kernel: kernel.17.cloned.1.call-start
scs
__scs_entry_jumppad:
0x0: {  	(pc) =	sbr.rel $0x88, $3  }
0x1: {  	(tag) =	ssettag $0x0;
	lr =	simm.s32 $0x1  }
0x2: {  	[smem:$0x3F96] =	sst lr;
	_ =	strace $0xD0000000  }
0x3: {  	_ = 	snop  }
0x4: {  	_ = 	snop  }
0x5: {  	_ = 	snop  }
0x6: {  	_ = 	snop  }
0x7: {  	_ = 	snop  }
__scs_overlays_trampoline_lowered:
0x8: {  	[smem:$0x3FA5] =	sst s0  }
0x9: {  	[smem:$0x3FA6] =	sst s1  }
0xa: {  	[smem:$0x3FA7] =	sst s2  }
0xb: {  	[smem:$0x3FA8] =	sst s3  }
0xc: {  	[smem:$0x3FA9] =	sst s4  }
0xd: {  	[smem:$0x3FAA] =	sst s5  }
0xe: {  	[smem:$0x3FAB] =	sst s6  }
0xf: {  	[smem:$0x3FAC] =	sst s7  }
0x10: {  	[smem:$0x3FAD] =	sst s8  }
0x11: {  	[smem:$0x3FAE] =	sst s9;
	s0 =	simm.s32 @!p0 $0x0  }
0x12: {  	s1 =	sld [smem:$0x3F94];
	s0 =	simm.s32 @p0 $0x1  }
0x13: {  	[smem:$0x3FAF] =	sst s0;
	s0 =	simm.s32 @!p1 $0x0  }
0x14: {  	s2 =	sld [smem:$0x3F93];
	s0 =	simm.s32 @p1 $0x1  }
0x15: {  	[smem:$0x3FB0] =	sst s0;
	s0 =	simm.s32 @!p2 $0x0  }
0x16: {  	s3 =	sld [smem:$0x3FDB];
	s0 =	simm.s32 @p2 $0x1  }
0x17: {  	s4 =	simm.s32 $0x1BF5;
	[smem:$0x3FB2] =	sst s0  }
0x18: {  	s0 =	sld [smem:$0x3F95];
	_ =	swait.ge [sflag:s4], $0x0  }
0x19: {  	s7 =	sld [smem:$0x3F96]  }
0x1a: {  	s8 =	sadd.s32 $0xFFFFE003, lr  }
0x1b: {  	s9 =	sadd.s32 $0xFFFFFEF7, lr;
	s5 =	simm.s32 $0xFFFFFFFF;
	p2 =	slt.u32 s8, $0xFFFFF086  }
0x1c: {  	p1 =	slt.u32 s9, $0xF7A;
	s5 =	simm.s32 @!p2 $0x0  }
0x1d: {  	s5 =	simm.s32 @p1 $0x1;
	p0 =	seq.s32 s7, s2  }
0x1e: {  	s7 =	smul.u32 @!p0 $0xF7A, s2;
	p2 =	seq.s32 @!p0 s5, $0x0  }
0x1f: {  	s9 =	smul.u32 $0xF7A, s1;
	s8 =	simm.s32 @!p0 $0x1BF5;
	p2 =	por !p2, p0  }
0x20: {  	[sflag:s8] =	ssyncset.s32 @!p0 $0xFFFFF086;
	s6 =	sadd.s32 @!p0 s3, s7;
	s7 =	simm.s32 @!p0 $0x108  }
0x21: {  	s3 =	sadd.s32 s3, s9;
	s6 =	sadd.s32 @!p0 $0x88, s6;
	s7 =	simm.s32 @p2 $0x1082  }
0x22: {  	[simem:s7], [sflag:s8] =	dma.local @!p0 [hbm:s6], $0xF7A  }
0x23: {  	s9 =	sor.u32 $0xD0000000, s2;
	s6 =	simm.s32 $0x108;
	_ =	swait.ge @!p0 [sflag:s8], $0x0  }
0x24: {  	s3 =	sadd.s32 $0x88, s3;
	s6 =	simm.s32 @!p1 $0x1082;
	[sflag:s4] =	ssyncset.s32 $0xFFFFF086  }
0x25: {  	[simem:s6], [sflag:s4] =	dma.local [hbm:s3], $0xF7A  }
0x26: {  	[smem:$0x3F96] =	sst s1;
	(tag) =	ssettag s2;
	_ =	strace s9  }
0x27: {  	s1 =	sld [smem:$0x3FA6]  }
0x28: {  	s2 =	sld [smem:$0x3FA7]  }
0x29: {  	s4 =	sld [smem:$0x3FA9]  }
0x2a: {  	p0 =	seq.s32 s5, $0x0;
	s5 =	sld [smem:$0x3FAA]  }
0x2b: {  	s6 =	sld [smem:$0x3FAB]  }
0x2c: {  	s7 =	sld [smem:$0x3FAC]  }
0x2d: {  	s3 =	simm.s32 $0x108;
	s8 =	sld [smem:$0x3FAD]  }
0x2e: {  	s3 =	simm.s32 @!p0 $0x1082;
	s9 =	sld [smem:$0x3FAE]  }
0x2f: {  	lr =	sadd.s32 s0, s3;
	s0 =	sld [smem:$0x3FA5]  }
0x30: {  	s3 =	sld [smem:$0x3FA8]  }
0x31: {  	[smem:$0x3FB1] =	sst s10  }
0x32: {  	s10 =	sld [smem:$0x3FAF];
	_ =	sdelay $0x3  }
0x33: {  	p0 =	seq.s32 s10, $0x1;
	s10 =	sld [smem:$0x3FB1];
	_ =	sdelay $0x3  }
0x34: {  	[smem:$0x3FB1] =	sst s10  }
0x35: {  	s10 =	sld [smem:$0x3FB0];
	_ =	sdelay $0x3  }
0x36: {  	p1 =	seq.s32 s10, $0x1;
	s10 =	sld [smem:$0x3FB1];
	_ =	sdelay $0x3  }
0x37: {  	[smem:$0x3FB1] =	sst s10  }
0x38: {  	s10 =	sld [smem:$0x3FB2]  }
0x39: {  	_ = 	snop;
	(pc) =	sbr.ind lr, $3  }
0x3a: {  	_ = 	snop  }
0x3b: {  	_ = 	snop  }
0x3c: {  	p2 =	seq.s32 s10, $0x1;
	s10 =	sld [smem:$0x3FB1]  }
0x3d: {  	_ =	shalt  }
0x3e: {  	_ =	shalt  }
0x3f: {  	_ =	shalt  }
0x40: {  	_ =	shalt  }
0x41: {  	_ =	shalt  }
0x42: {  	_ =	shalt  }
0x43: {  	_ =	shalt  }
0x44: {  	_ =	shalt  }
0x45: {  	_ =	shalt  }
0x46: {  	_ =	shalt  }
0x47: {  	_ =	shalt  }
0x48: {  	_ =	shalt  }
0x49: {  	_ =	shalt  }
0x4a: {  	_ =	shalt  }
0x4b: {  	_ =	shalt  }
0x4c: {  	_ =	shalt  }
0x4d: {  	_ =	shalt  }
0x4e: {  	_ =	shalt  }
0x4f: {  	_ =	shalt  }
0x50: {  	_ =	shalt  }
0x51: {  	_ =	shalt  }
0x52: {  	_ =	shalt  }
0x53: {  	_ =	shalt  }
0x54: {  	_ =	shalt  }
0x55: {  	_ =	shalt  }
0x56: {  	_ =	shalt  }
0x57: {  	_ =	shalt  }
0x58: {  	_ =	shalt  }
0x59: {  	_ =	shalt  }
0x5a: {  	_ =	shalt  }
0x5b: {  	_ =	shalt  }
0x5c: {  	_ =	shalt  }
0x5d: {  	_ =	shalt  }
0x5e: {  	_ =	shalt  }
0x5f: {  	_ =	shalt  }
0x60: {  	_ =	shalt  }
0x61: {  	_ =	shalt  }
0x62: {  	_ =	shalt  }
0x63: {  	_ =	shalt  }
0x64: {  	_ =	shalt  }
0x65: {  	_ =	shalt  }
0x66: {  	_ =	shalt  }
0x67: {  	_ =	shalt  }
0x68: {  	_ =	shalt  }
0x69: {  	_ =	shalt  }
0x6a: {  	_ =	shalt  }
0x6b: {  	_ =	shalt  }
0x6c: {  	_ =	shalt  }
0x6d: {  	_ =	shalt  }
0x6e: {  	_ =	shalt  }
0x6f: {  	_ =	shalt  }
0x70: {  	_ =	shalt  }
0x71: {  	_ =	shalt  }
0x72: {  	_ =	shalt  }
0x73: {  	_ =	shalt  }
0x74: {  	_ =	shalt  }
0x75: {  	_ =	shalt  }
0x76: {  	_ =	shalt  }
0x77: {  	_ =	shalt  }
0x78: {  	_ =	shalt  }
0x79: {  	_ =	shalt  }
0x7a: {  	_ =	shalt  }
0x7b: {  	_ =	shalt  }
0x7c: {  	_ =	shalt  }
0x7d: {  	_ =	shalt  }
0x7e: {  	_ =	shalt  }
0x7f: {  	_ =	shalt  }
0x80: {  	_ =	shalt  }
0x81: {  	_ =	shalt  }
0x82: {  	_ =	shalt  }
0x83: {  	_ =	shalt  }
0x84: {  	_ =	shalt  }
0x85: {  	_ =	shalt  }
0x86: {  	_ =	shalt  }
0x87: {  	_ =	shalt  }
.Lfunc_end0:
.L_simem_size_0:
called_computation.2_lowered:
.L_overlay_start_0:
0x88: {  	s2 =	sld [smem:$0x3FD9]  }
0x89: {  	s3 =	sld [smem:$0x3FFE];
	_ =	sdelay $0x1  }
0x8a: {  	s1 =	srdreg.scid  }
0x8b: {  	s0 =	sand.u32 $0x1, s1  }
0x8c: {  	s16 =	sshll.u32 s0, $0xA;
	s2 =	sadd.s32 s3, s2  }
0x8d: {  	s2 =	sadd.s32 s2, s16  }
0x8e: {  	[smem:$0x3FBD] =	sst s2  }
0x8f: {  	_ = 	snop  }
0x90: {  	(tm) =	ssettm $0x1  }
0x91: {  	s17 =	sld [smem:$0x3FFB];
	_ =	sdelay $0x3  }
0x92: {  	_ =	strace s17  }
0x93: {  	s2 =	sld [smem:$0x3FFC];
	_ =	sdelay $0x3  }
0x94: {  	_ =	strace s2  }
0x95: {  	s2 =	sld [smem:$0x3FFD];
	_ =	sdelay $0x3  }
0x96: {  	_ =	strace s2  }
0x97: {  	_ =	strace $0x8FFFFFFF  }
0x98: {  	s18 =	sld [smem:$0x3FDB];
	_ =	sdelay $0x1  }
0x99: {  	s19 =	simm.s32 $_scs_section_size  }
0x9a: {  	s4 =	simm.s32 $_size__tile_overlayer_lowered;
	s5 =	simm.s32 $_tile_overlayer_lowered  }
0x9b: {  	s22 =	simm.s32 $0x1BFF;
	s21 =	sshll.u32 s5, $0x1;
	s2 =	sadd.s32 s19, s18  }
0x9c: {  	s6 =	simm.s32 $0x0;
	s20 =	sshll.u32 s4, $0x1;
	s4 =	sadd.s32 s21, s2  }
0x9d: {  	[timem:s6], [sflag:s22] =	dma.local [hbm:s4], s20  }
0x9e: {  	_ =	swait.ge [sflag:s22], s20  }
0x9f: {  	s3 =	ssub.s32 $0x0, s20;
	[sflag:s22] =	ssyncset.done $0x0  }
0xa0: {  	[sflag:s22] =	ssyncadd.s32 s3;
	_ =	sdelay $0x1  }
0xa1: {  	s23 =	simm.s32 $0x1B8B  }
0xa2: {  	_ =	swait.ge [sflag:s23], $0x1  }
0xa3: {  	[sflag:s23] =	ssyncset.done $0x0  }
0xa4: {  	s25 =	simm.s32 $0x1B8E;
	s24 =	sld [smem:$0x3FFE];
	[sflag:s23] =	ssyncadd.s32 $0xFFFFFFFF  }
0xa5: {  	s26 =	simm.s32 $execute0_lowered;
	[smem:$0x3FD2] =	sst s25  }
0xa6: {  	s4 =	sshll.u32 s26, $0x1;
	_ =	strace $0x8000004C;
	[dreg:$0x1] =	wrdreg $0xFFFFFFFF  }
0xa7: {  	s28 =	simm.s32 $_size_execute0_lowered;
	s2 =	sadd.s32 s2, s4;
	[dreg:$0x0] =	wrdreg $0x0  }
0xa8: {  	s4 =	sshll.u32 s28, $0x1;
	[dreg:$0x2] =	wrdreg s2  }
0xa9: {  	[dreg:$0x3] =	wrdreg s4  }
0xaa: {  	[dreg:$0x4] =	wrdreg $0xC0  }
0xab: {  	_ =	task [dreg:s6], $0x5FFFF  }
0xac: {  	[dreg:$0x1] =	wrdreg $0xFFFFFFFF  }
0xad: {  	[dreg:$0x0] =	wrdreg $0x60  }
0xae: {  	[dreg:$0x2] =	wrdreg s24  }
0xaf: {  	[dreg:$0x3] =	wrdreg $0x178000  }
0xb0: {  	[dreg:$0x4] =	wrdreg $0x9  }
0xb1: {  	_ =	task.clear_ibuf [dreg:s6], $0x5FFFF;
	_ =	strace $0x9000004C  }
0xb2: {  	s29 =	simm.s32 $0x9;
	_ =	strace $0x8000004E  }
0xb3: {  	_ =	swait.ge [sflag:s29], $0x1  }
0xb4: {  	[sflag:s29] =	ssyncadd.s32 $0xFFFFFFFF  }
0xb5: {  	_ =	strace $0x9000004E  }
0xb6: {  	_ =	sfence  }
0xb7: {  	s30 =	sld [smem:$0x0];
	_ =	sdelay $0x2  }
0xb8: {  	s31 =	sshll.u32 s1, $0xD;
	s1 =	sshrl.u32 s1, $0x2  }
0xb9: {  	s3 =	sand.u32 $0x4000, s31;
	s1 =	sadd.s32 s1, s30  }
0xba: {  	s0 =	sor.u32 s3, s0;
	s1 =	sshll.u32 s1, $0x11  }
0xbb: {  	s0 =	sor.u32 s1, s0  }
0xbc: {  	s0 =	sadd.s32 $0x8F2B, s0  }
0xbd: {  	[sflag:s0] =	ssyncadd.remote.s32 $0x1  }
0xbe: {  	_ =	sfence.sel $0xFFFF  }
0xbf: {  	[dreg:$0x0] =	wrdreg $0xFFFFFFFF;
	(pc) =	sbr.abs _section_cstart, $3  }
0xc0: {  	[dreg:$0x1] =	wrdreg $0xFFFFFFFF  }
0xc1: {  	_ =	task.clear_ibuf [dreg:s6], $0x2FFFF;
	_ =	strace $0x9FFFFFFF  }
0xc2: {  	(tm) =	ssettm $0x7FFFFFFF  }
0xc3: {  	_ =	shalt  }
tec
execute0_lowered:
.L_overlay_start_1:
0x0: {  	(tag) =	ssettag $0x1  }
0x1: {  	s6 =	rddreg [dreg:$0x0]  }
0x2: {  	s2 =	rddreg [dreg:$0x1]  }
0x3: {  	s0 =	rddreg [dreg:$0x2];
	s4 =	srdreg.scid  }
0x4: {  	s3 =	simm.s32 $0x0;
	s1 =	stileid.u32;
	s15 =	simm.s32 $0x12800  }
0x5: {  	s16 =	simm.s32 $0x50;
	s17 =	simm.s32 $0x10000;
	s18 =	simm.s32 $0x1  }
0x6: {  	s19 =	simm.s32 $0x0;
	s5 =	sand.u32 $0x1, s4;
	s9 =	smul.u32 $0xA0, s1  }
0x7: {  	s26 =	sshll.u32 s1, $0xC;
	[smem:$0x7FF] =	sst s3;
	s12 =	smul.u32 $0x14000, s1  }
0x8: {  	s4 =	sadd.s32 $0x54400, s6;
	s7 =	sshll.u32 s5, $0x11;
	s8 =	smul.u32 $0x1400, s5  }
0x9: {  	_ =	strace $0x8000004D;
	s10 =	sadd.s32 s26, s6;
	s29 =	ssub.s32 $0x2, s5  }
0xa: {  	s5 =	sadd.s32 $0x53A00, s6;
	s7 =	sor.u32 s26, s7;
	s30 =	sshrl.u32 s29, $0x1  }
0xb: {  	s31 =	sshrl.u32 s12, $0x2;
	s11 =	sadd.s32 s7, s6;
	s28 =	sadd.s32 s9, s8  }
0xc: {  	s14 =	ssub.s32 s29, s30;
	s8 =	sadd.s32 s31, s2;
	s7 =	sshll.u32 s28, $0x4  }
0xd: {  	s12 =	smax.u32 s14, $0x1;
	s14 =	simm.s32 $0x8000;
	s13 =	sadd.s32 s7, s6  }
0xe: {  	s6 =	sadd.s32 $0x43A00, s10;
	s7 =	sadd.s32 $0x3A00, s11;
	s10 =	sadd.s32 $0x13A00, s11  }
0xf: {  	s9 =	sadd.s32 $0x7B600, s13;
	s11 =	sadd.s32 $0x85600, s13;
	s13 =	simm.s32 $0x2  }
.LBB2_1:
0x10: {  	[tilespmem:s3], [sflag:$0x2] =	stream.linear.gather [hbm4b:s6+s3], $0x7D00, $0x38;
	[tilespmem:$0x1C840] =	vst v63  }
0x11: {  	_ =	swait.ge [sflag:s13], $0x7D00  }
0x12: {  	[sflag:s13] =	ssyncset.done $0x0  }
0x13: {  	[sflag:s13] =	ssyncadd.s32 $0xFFFF8300  }
0x14: {  	[tilespmem:s14], [sflag:$0x2] =	stream.linear.gather [hbm4b:s7+s3], $0x7D00, $0x38;
	[tilespmem:$0x1C840] =	vst v63  }
0x15: {  	_ =	swait.ge [sflag:s13], $0x7D00  }
0x16: {  	[sflag:s13] =	ssyncset.done $0x0  }
0x17: {  	[sflag:s13] =	ssyncadd.s32 $0xFFFF8300  }
0x18: {  	[tilespmem:s15], [sflag:$0x2] =	stream.linear.gather [hbm4b:s5+s3], $0x5000, $0x38;
	[tilespmem:$0x1C840] =	vst v63  }
0x19: {  	_ =	swait.ge [sflag:s13], $0x5000  }
0x1a: {  	[sflag:s13] =	ssyncset.done $0x0  }
0x1b: {  	[sflag:s13] =	ssyncadd.s32 $0xFFFFB000  }
0x1c: {  	[spmem:s8] =	stream.linear.scatter [tilespmem:s15], [sflag:$0x2], $0x5000, $0x38;
	[tilespmem:$0x1C840] =	vst v63  }
0x1d: {  	_ =	swait.ge [sflag:s13], $0x5000  }
0x1e: {  	[sflag:s13] =	ssyncset.done $0x0  }
0x1f: {  	[sflag:s13] =	ssyncadd.s32 $0xFFFFB000  }
0x20: {  	s20 =	simm.s32 $0x0;
	[bflag:$0x0] =	sbarrier.arrive $0xFFFF  }
0x21: {  	[tilespmem:s17], [sflag:$0x1] =	stream.indirect.gather [hbm4b:s4+s16], $0x80, s20, s16, $0xb8;
	[tilespmem:$0x1C840] =	vst v63  }
0x22: {  	_ =	swait.ge [sflag:s18], $0x2800  }
0x23: {  	[sflag:s18] =	ssyncset.done $0x0  }
0x24: {  	s31 =	simm.s32 $0x8000;
	[sflag:s18] =	ssyncadd.s32 $0xFFFFD800  }
0x25: {  	[spmem:s2] =	stream.indirect.scatter.add.f32 [tilespmem:s17], [sflag:$0x2], $0x80, s31, s16, $0xb8;
	[tilespmem:$0x1C840] =	vst v63  }
0x26: {  	_ =	swait.ge [sflag:s13], $0x2800  }
0x27: {  	s21 =	simm.s32 $0x400;
	s20 =	simm.s32 $0x200;
	[sflag:s13] =	ssyncset.done $0x0  }
.LBB2_2:
0x28: {  	s22 =	sshra.s32 s20, $0x2  }
0x29: {  	[sflag:s13] =	ssyncadd.s32 $0xFFFFD800;
	s20 =	smov.u32 s21;
	s23 =	sadd.s32 $0x200, s21  }
0x2a: {  	[tilespmem:s17], [sflag:$0x1] =	stream.indirect.gather [hbm4b:s4+s16], $0x80, s22, s16, $0xb8;
	[tilespmem:$0x1C840] =	vst v63  }
0x2b: {  	p0 =	sne.s32 s21, $0x1F200;
	_ =	swait.ge [sflag:s18], $0x2800  }
.Ltmp0:
0x2c: {  	[sflag:s18] =	ssyncset.done $0x0;
	(pc) =	sbr.rel @p0 .LBB2_2-.Ltmp0, $4  }
0x2d: {  	s21 =	sadd.s32 $0x8000, s22;
	[sflag:s18] =	ssyncadd.s32 $0xFFFFD800  }
0x2e: {  	[spmem:s2] =	stream.indirect.scatter.add.f32 [tilespmem:s17], [sflag:$0x2], $0x80, s21, s16, $0xb8;
	[tilespmem:$0x1C840] =	vst v63  }
0x2f: {  	_ =	swait.ge [sflag:s13], $0x2800  }
0x30: {  	s21 =	smov.u32 s23;
	[sflag:s13] =	ssyncset.done $0x0  }
0x31: {  	s20 =	sshra.s32 s20, $0x2;
	[sflag:s13] =	ssyncadd.s32 $0xFFFFD800  }
0x32: {  	[tilespmem:s17], [sflag:$0x1] =	stream.indirect.gather [hbm4b:s4+s16], $0x80, s20, s16, $0xb8;
	[tilespmem:$0x1C840] =	vst v63  }
0x33: {  	_ =	swait.ge [sflag:s18], $0x2800  }
0x34: {  	[sflag:s18] =	ssyncset.done $0x0  }
0x35: {  	s20 =	sadd.s32 $0x8000, s20;
	[sflag:s18] =	ssyncadd.s32 $0xFFFFD800  }
0x36: {  	[spmem:s2] =	stream.indirect.scatter.add.f32 [tilespmem:s17], [sflag:$0x2], $0x80, s20, s16, $0xb8;
	[tilespmem:$0x1C840] =	vst v63  }
0x37: {  	_ =	swait.ge [sflag:s13], $0x2800  }
0x38: {  	[sflag:s13] =	ssyncset.done $0x0  }
0x39: {  	[sflag:s13] =	ssyncadd.s32 $0xFFFFD800  }
0x3a: {  	[bflag:$0x0] =	sbarrier.arrive $0xFFFF  }
0x3b: {  	[tilespmem:s15], [sflag:$0x2] =	stream.linear.gather [spmem:s8], $0x5000, $0x38;
	[tilespmem:$0x1C840] =	vst v63  }
0x3c: {  	_ =	swait.ge [sflag:s13], $0x5000  }
0x3d: {  	[sflag:s13] =	ssyncset.done $0x0  }
0x3e: {  	s29 =	simm.s32 $0x0;
	[sflag:s13] =	ssyncadd.s32 $0xFFFFB000  }
0x3f: {  	[hbm4b:s9+s29] =	stream.linear.scatter [tilespmem:s15], [sflag:$0x2], $0x5000, $0x38;
	[tilespmem:$0x1C840] =	vst v63  }
0x40: {  	_ =	swait.ge [sflag:s13], $0x5000  }
0x41: {  	[sflag:s13] =	ssyncset.done $0x0  }
0x42: {  	[sflag:s13] =	ssyncadd.s32 $0xFFFFB000  }
0x43: {  	[tilespmem:s14], [sflag:$0x2] =	stream.linear.gather [hbm4b:s10+s29], $0x7D00, $0x38;
	[tilespmem:$0x1C840] =	vst v63  }
0x44: {  	_ =	swait.ge [sflag:s13], $0x7D00  }
0x45: {  	[sflag:s13] =	ssyncset.done $0x0  }
0x46: {  	[sflag:s13] =	ssyncadd.s32 $0xFFFF8300  }
0x47: {  	[tilespmem:s15], [sflag:$0x2] =	stream.linear.gather [hbm4b:s5+s29], $0x5000, $0x38;
	[tilespmem:$0x1C840] =	vst v63  }
0x48: {  	_ =	swait.ge [sflag:s13], $0x5000  }
0x49: {  	[sflag:s13] =	ssyncset.done $0x0  }
0x4a: {  	[sflag:s13] =	ssyncadd.s32 $0xFFFFB000  }
0x4b: {  	[spmem:s8] =	stream.linear.scatter [tilespmem:s15], [sflag:$0x2], $0x5000, $0x38;
	[tilespmem:$0x1C840] =	vst v63  }
0x4c: {  	_ =	swait.ge [sflag:s13], $0x5000  }
0x4d: {  	[sflag:s13] =	ssyncset.done $0x0  }
0x4e: {  	[sflag:s13] =	ssyncadd.s32 $0xFFFFB000  }
0x4f: {  	s30 =	simm.s32 $0x0;
	[bflag:$0x0] =	sbarrier.arrive $0xFFFF  }
0x50: {  	[tilespmem:s17], [sflag:$0x1] =	stream.indirect.gather [hbm4b:s4+s16], $0x80, s30, s16, $0xb8;
	[tilespmem:$0x1C840] =	vst v63  }
0x51: {  	_ =	swait.ge [sflag:s18], $0x2800  }
0x52: {  	[sflag:s18] =	ssyncset.done $0x0  }
0x53: {  	s31 =	simm.s32 $0x8000;
	[sflag:s18] =	ssyncadd.s32 $0xFFFFD800  }
0x54: {  	[spmem:s2] =	stream.indirect.scatter.add.f32 [tilespmem:s17], [sflag:$0x2], $0x80, s31, s16, $0xb8;
	[tilespmem:$0x1C840] =	vst v63  }
0x55: {  	_ =	swait.ge [sflag:s13], $0x2800  }
0x56: {  	s21 =	simm.s32 $0x400;
	s20 =	simm.s32 $0x200;
	[sflag:s13] =	ssyncset.done $0x0  }
.LBB2_4:
0x57: {  	s22 =	sshra.s32 s20, $0x2  }
0x58: {  	[sflag:s13] =	ssyncadd.s32 $0xFFFFD800;
	s20 =	smov.u32 s21;
	s23 =	sadd.s32 $0x200, s21  }
0x59: {  	[tilespmem:s17], [sflag:$0x1] =	stream.indirect.gather [hbm4b:s4+s16], $0x80, s22, s16, $0xb8;
	[tilespmem:$0x1C840] =	vst v63  }
0x5a: {  	p0 =	sne.s32 s21, $0x1F200;
	_ =	swait.ge [sflag:s18], $0x2800  }
.Ltmp1:
0x5b: {  	[sflag:s18] =	ssyncset.done $0x0;
	(pc) =	sbr.rel @p0 .LBB2_4-.Ltmp1, $4  }
0x5c: {  	s21 =	sadd.s32 $0x8000, s22;
	[sflag:s18] =	ssyncadd.s32 $0xFFFFD800  }
0x5d: {  	[spmem:s2] =	stream.indirect.scatter.add.f32 [tilespmem:s17], [sflag:$0x2], $0x80, s21, s16, $0xb8;
	[tilespmem:$0x1C840] =	vst v63  }
0x5e: {  	_ =	swait.ge [sflag:s13], $0x2800  }
0x5f: {  	s21 =	smov.u32 s23;
	[sflag:s13] =	ssyncset.done $0x0  }
0x60: {  	s20 =	sshra.s32 s20, $0x2;
	[sflag:s13] =	ssyncadd.s32 $0xFFFFD800  }
0x61: {  	[tilespmem:s17], [sflag:$0x1] =	stream.indirect.gather [hbm4b:s4+s16], $0x80, s20, s16, $0xb8;
	[tilespmem:$0x1C840] =	vst v63  }
0x62: {  	_ =	swait.ge [sflag:s18], $0x2800  }
0x63: {  	[sflag:s18] =	ssyncset.done $0x0  }
0x64: {  	s20 =	sadd.s32 $0x8000, s20;
	[sflag:s18] =	ssyncadd.s32 $0xFFFFD800  }
0x65: {  	[spmem:s2] =	stream.indirect.scatter.add.f32 [tilespmem:s17], [sflag:$0x2], $0x80, s20, s16, $0xb8;
	[tilespmem:$0x1C840] =	vst v63  }
0x66: {  	_ =	swait.ge [sflag:s13], $0x2800  }
0x67: {  	[sflag:s13] =	ssyncset.done $0x0  }
0x68: {  	[sflag:s13] =	ssyncadd.s32 $0xFFFFD800  }
0x69: {  	[bflag:$0x0] =	sbarrier.arrive $0xFFFF  }
0x6a: {  	[tilespmem:s15], [sflag:$0x2] =	stream.linear.gather [spmem:s8], $0x5000, $0x38;
	[tilespmem:$0x1C840] =	vst v63  }
0x6b: {  	s19 =	sadd.s32 $0x1, s19;
	_ =	swait.ge [sflag:s13], $0x5000  }
0x6c: {  	p0 =	sne.s32 s19, s12;
	[sflag:s13] =	ssyncset.done $0x0  }
.Ltmp2:
0x6d: {  	[sflag:s13] =	ssyncadd.s32 $0xFFFFB000;
	(pc) =	sbr.rel @p0 .LBB2_1-.Ltmp2, $4  }
0x6e: {  	[hbm4b:s11+s3] =	stream.linear.scatter [tilespmem:s15], [sflag:$0x2], $0x5000, $0x38;
	[tilespmem:$0x1C840] =	vst v63  }
0x6f: {  	_ =	swait.ge [sflag:s13], $0x5000  }
0x70: {  	[sflag:s13] =	ssyncset.done $0x0  }
0x71: {  	[sflag:s13] =	ssyncadd.s32 $0xFFFFB000  }
0x72: {  	_ =	sfence.sel $0x180000  }
0x73: {  	[bflag:$0x0] =	sbarrier.arrive $0xFFFF  }
0x74: {  	p0 =	sne.s32 s1, $0x0;
	_ =	strace $0x9000004D  }
0x75: {  	s0 =	sadd.s32 @!p0 $0x100000, s0;
	[bflag:$0x2] =	sbarrier.arrive $0xFFFF  }
0x76: {  	[sflag:s0] =	ssyncadd.tile.s32 @!p0 $0x1;
	_ =	shalt  }
.Lfunc_end2:
_tile_overlayer_lowered:
.L_overlay_start_2:
0x77: {  	(tag) =	ssettag $0x2  }
0x78: {  	s0 =	rddreg [dreg:$0x0];
	s2 =	stileid.u32  }
0x79: {  	s1 =	rddreg [dreg:$0x1];
	p0 =	sne.s32 s2, $0x0  }
0x7a: {  	s3 =	rddreg [dreg:$0x2];
	[bflag:$0x3] =	sbarrier.arrive $0xFFFF;
	s2 =	simm.s32 @!p0 $0x1C02  }
0x7b: {  	[timem:s3], [sflag:s2] =	dma.local @!p0 [hbm:s0], s1  }
0x7c: {  	s0 =	simm.s32 @!p0 $0x2  }
0x7d: {  	_ =	swait.ge @!p0 [sflag:s0], s1  }
0x7e: {  	s1 =	ssub.s32 @!p0 $0x0, s1;
	[sflag:s0] =	ssyncset.done @!p0 $0x0  }
0x7f: {  	[sflag:s0] =	ssyncadd.s32 @!p0 s1  }
0x80: {  	[bflag:$0x3] =	sbarrier.arrive $0xFFFF  }
0x81: {  	_ =	shalt  }

// kernel: kernel.20.cloned.1.call-start
scs
__scs_entry_jumppad:
0x0: {  	(pc) =	sbr.rel $0x88, $3  }
0x1: {  	(tag) =	ssettag $0x0;
	lr =	simm.s32 $0x1  }
0x2: {  	[smem:$0x3F96] =	sst lr;
	_ =	strace $0xD0000000  }
0x3: {  	_ = 	snop  }
0x4: {  	_ = 	snop  }
0x5: {  	_ = 	snop  }
0x6: {  	_ = 	snop  }
0x7: {  	_ = 	snop  }
__scs_overlays_trampoline_lowered:
0x8: {  	[smem:$0x3FA5] =	sst s0  }
0x9: {  	[smem:$0x3FA6] =	sst s1  }
0xa: {  	[smem:$0x3FA7] =	sst s2  }
0xb: {  	[smem:$0x3FA8] =	sst s3  }
0xc: {  	[smem:$0x3FA9] =	sst s4  }
0xd: {  	[smem:$0x3FAA] =	sst s5  }
0xe: {  	[smem:$0x3FAB] =	sst s6  }
0xf: {  	[smem:$0x3FAC] =	sst s7  }
0x10: {  	[smem:$0x3FAD] =	sst s8  }
0x11: {  	[smem:$0x3FAE] =	sst s9;
	s0 =	simm.s32 @!p0 $0x0  }
0x12: {  	s1 =	sld [smem:$0x3F94];
	s0 =	simm.s32 @p0 $0x1  }
0x13: {  	[smem:$0x3FAF] =	sst s0;
	s0 =	simm.s32 @!p1 $0x0  }
0x14: {  	s2 =	sld [smem:$0x3F93];
	s0 =	simm.s32 @p1 $0x1  }
0x15: {  	[smem:$0x3FB0] =	sst s0;
	s0 =	simm.s32 @!p2 $0x0  }
0x16: {  	s3 =	sld [smem:$0x3FDB];
	s0 =	simm.s32 @p2 $0x1  }
0x17: {  	s4 =	simm.s32 $0x1BF5;
	[smem:$0x3FB2] =	sst s0  }
0x18: {  	s0 =	sld [smem:$0x3F95];
	_ =	swait.ge [sflag:s4], $0x0  }
0x19: {  	s7 =	sld [smem:$0x3F96]  }
0x1a: {  	s8 =	sadd.s32 $0xFFFFE003, lr  }
0x1b: {  	s9 =	sadd.s32 $0xFFFFFEF7, lr;
	s5 =	simm.s32 $0xFFFFFFFF;
	p2 =	slt.u32 s8, $0xFFFFF086  }
0x1c: {  	p1 =	slt.u32 s9, $0xF7A;
	s5 =	simm.s32 @!p2 $0x0  }
0x1d: {  	s5 =	simm.s32 @p1 $0x1;
	p0 =	seq.s32 s7, s2  }
0x1e: {  	s7 =	smul.u32 @!p0 $0xF7A, s2;
	p2 =	seq.s32 @!p0 s5, $0x0  }
0x1f: {  	s9 =	smul.u32 $0xF7A, s1;
	s8 =	simm.s32 @!p0 $0x1BF5;
	p2 =	por !p2, p0  }
0x20: {  	[sflag:s8] =	ssyncset.s32 @!p0 $0xFFFFF086;
	s6 =	sadd.s32 @!p0 s3, s7;
	s7 =	simm.s32 @!p0 $0x108  }
0x21: {  	s3 =	sadd.s32 s3, s9;
	s6 =	sadd.s32 @!p0 $0x88, s6;
	s7 =	simm.s32 @p2 $0x1082  }
0x22: {  	[simem:s7], [sflag:s8] =	dma.local @!p0 [hbm:s6], $0xF7A  }
0x23: {  	s9 =	sor.u32 $0xD0000000, s2;
	s6 =	simm.s32 $0x108;
	_ =	swait.ge @!p0 [sflag:s8], $0x0  }
0x24: {  	s3 =	sadd.s32 $0x88, s3;
	s6 =	simm.s32 @!p1 $0x1082;
	[sflag:s4] =	ssyncset.s32 $0xFFFFF086  }
0x25: {  	[simem:s6], [sflag:s4] =	dma.local [hbm:s3], $0xF7A  }
0x26: {  	[smem:$0x3F96] =	sst s1;
	(tag) =	ssettag s2;
	_ =	strace s9  }
0x27: {  	s1 =	sld [smem:$0x3FA6]  }
0x28: {  	s2 =	sld [smem:$0x3FA7]  }
0x29: {  	s4 =	sld [smem:$0x3FA9]  }
0x2a: {  	p0 =	seq.s32 s5, $0x0;
	s5 =	sld [smem:$0x3FAA]  }
0x2b: {  	s6 =	sld [smem:$0x3FAB]  }
0x2c: {  	s7 =	sld [smem:$0x3FAC]  }
0x2d: {  	s3 =	simm.s32 $0x108;
	s8 =	sld [smem:$0x3FAD]  }
0x2e: {  	s3 =	simm.s32 @!p0 $0x1082;
	s9 =	sld [smem:$0x3FAE]  }
0x2f: {  	lr =	sadd.s32 s0, s3;
	s0 =	sld [smem:$0x3FA5]  }
0x30: {  	s3 =	sld [smem:$0x3FA8]  }
0x31: {  	[smem:$0x3FB1] =	sst s10  }
0x32: {  	s10 =	sld [smem:$0x3FAF];
	_ =	sdelay $0x3  }
0x33: {  	p0 =	seq.s32 s10, $0x1;
	s10 =	sld [smem:$0x3FB1];
	_ =	sdelay $0x3  }
0x34: {  	[smem:$0x3FB1] =	sst s10  }
0x35: {  	s10 =	sld [smem:$0x3FB0];
	_ =	sdelay $0x3  }
0x36: {  	p1 =	seq.s32 s10, $0x1;
	s10 =	sld [smem:$0x3FB1];
	_ =	sdelay $0x3  }
0x37: {  	[smem:$0x3FB1] =	sst s10  }
0x38: {  	s10 =	sld [smem:$0x3FB2]  }
0x39: {  	_ = 	snop;
	(pc) =	sbr.ind lr, $3  }
0x3a: {  	_ = 	snop  }
0x3b: {  	_ = 	snop  }
0x3c: {  	p2 =	seq.s32 s10, $0x1;
	s10 =	sld [smem:$0x3FB1]  }
0x3d: {  	_ =	shalt  }
0x3e: {  	_ =	shalt  }
0x3f: {  	_ =	shalt  }
0x40: {  	_ =	shalt  }
0x41: {  	_ =	shalt  }
0x42: {  	_ =	shalt  }
0x43: {  	_ =	shalt  }
0x44: {  	_ =	shalt  }
0x45: {  	_ =	shalt  }
0x46: {  	_ =	shalt  }
0x47: {  	_ =	shalt  }
0x48: {  	_ =	shalt  }
0x49: {  	_ =	shalt  }
0x4a: {  	_ =	shalt  }
0x4b: {  	_ =	shalt  }
0x4c: {  	_ =	shalt  }
0x4d: {  	_ =	shalt  }
0x4e: {  	_ =	shalt  }
0x4f: {  	_ =	shalt  }
0x50: {  	_ =	shalt  }
0x51: {  	_ =	shalt  }
0x52: {  	_ =	shalt  }
0x53: {  	_ =	shalt  }
0x54: {  	_ =	shalt  }
0x55: {  	_ =	shalt  }
0x56: {  	_ =	shalt  }
0x57: {  	_ =	shalt  }
0x58: {  	_ =	shalt  }
0x59: {  	_ =	shalt  }
0x5a: {  	_ =	shalt  }
0x5b: {  	_ =	shalt  }
0x5c: {  	_ =	shalt  }
0x5d: {  	_ =	shalt  }
0x5e: {  	_ =	shalt  }
0x5f: {  	_ =	shalt  }
0x60: {  	_ =	shalt  }
0x61: {  	_ =	shalt  }
0x62: {  	_ =	shalt  }
0x63: {  	_ =	shalt  }
0x64: {  	_ =	shalt  }
0x65: {  	_ =	shalt  }
0x66: {  	_ =	shalt  }
0x67: {  	_ =	shalt  }
0x68: {  	_ =	shalt  }
0x69: {  	_ =	shalt  }
0x6a: {  	_ =	shalt  }
0x6b: {  	_ =	shalt  }
0x6c: {  	_ =	shalt  }
0x6d: {  	_ =	shalt  }
0x6e: {  	_ =	shalt  }
0x6f: {  	_ =	shalt  }
0x70: {  	_ =	shalt  }
0x71: {  	_ =	shalt  }
0x72: {  	_ =	shalt  }
0x73: {  	_ =	shalt  }
0x74: {  	_ =	shalt  }
0x75: {  	_ =	shalt  }
0x76: {  	_ =	shalt  }
0x77: {  	_ =	shalt  }
0x78: {  	_ =	shalt  }
0x79: {  	_ =	shalt  }
0x7a: {  	_ =	shalt  }
0x7b: {  	_ =	shalt  }
0x7c: {  	_ =	shalt  }
0x7d: {  	_ =	shalt  }
0x7e: {  	_ =	shalt  }
0x7f: {  	_ =	shalt  }
0x80: {  	_ =	shalt  }
0x81: {  	_ =	shalt  }
0x82: {  	_ =	shalt  }
0x83: {  	_ =	shalt  }
0x84: {  	_ =	shalt  }
0x85: {  	_ =	shalt  }
0x86: {  	_ =	shalt  }
0x87: {  	_ =	shalt  }
.Lfunc_end0:
.L_simem_size_0:
called_computation.3_lowered:
.L_overlay_start_0:
0x88: {  	s2 =	sld [smem:$0x3FD9]  }
0x89: {  	s3 =	sld [smem:$0x3FFE];
	_ =	sdelay $0x1  }
0x8a: {  	s1 =	srdreg.scid  }
0x8b: {  	s0 =	sand.u32 $0x1, s1  }
0x8c: {  	s16 =	sshll.u32 s0, $0xA;
	s2 =	sadd.s32 s3, s2  }
0x8d: {  	s2 =	sadd.s32 s2, s16  }
0x8e: {  	[smem:$0x3FBD] =	sst s2  }
0x8f: {  	_ = 	snop  }
0x90: {  	(tm) =	ssettm $0x1  }
0x91: {  	s17 =	sld [smem:$0x3FFB];
	_ =	sdelay $0x3  }
0x92: {  	_ =	strace s17  }
0x93: {  	s2 =	sld [smem:$0x3FFC];
	_ =	sdelay $0x3  }
0x94: {  	_ =	strace s2  }
0x95: {  	s2 =	sld [smem:$0x3FFD];
	_ =	sdelay $0x3  }
0x96: {  	_ =	strace s2  }
0x97: {  	_ =	strace $0x8FFFFFFF  }
0x98: {  	s18 =	sld [smem:$0x3FDB];
	_ =	sdelay $0x1  }
0x99: {  	s19 =	simm.s32 $_scs_section_size  }
0x9a: {  	s4 =	simm.s32 $_size__tile_overlayer_lowered;
	s5 =	simm.s32 $_tile_overlayer_lowered  }
0x9b: {  	s22 =	simm.s32 $0x1BFF;
	s21 =	sshll.u32 s5, $0x1;
	s2 =	sadd.s32 s19, s18  }
0x9c: {  	s6 =	simm.s32 $0x0;
	s20 =	sshll.u32 s4, $0x1;
	s4 =	sadd.s32 s21, s2  }
0x9d: {  	[timem:s6], [sflag:s22] =	dma.local [hbm:s4], s20  }
0x9e: {  	_ =	swait.ge [sflag:s22], s20  }
0x9f: {  	s3 =	ssub.s32 $0x0, s20;
	[sflag:s22] =	ssyncset.done $0x0  }
0xa0: {  	[sflag:s22] =	ssyncadd.s32 s3;
	_ =	sdelay $0x1  }
0xa1: {  	s23 =	simm.s32 $0x1B8B  }
0xa2: {  	_ =	swait.ge [sflag:s23], $0x1  }
0xa3: {  	[sflag:s23] =	ssyncset.done $0x0  }
0xa4: {  	s25 =	simm.s32 $0x1B8E;
	s24 =	sld [smem:$0x3FFE];
	[sflag:s23] =	ssyncadd.s32 $0xFFFFFFFF  }
0xa5: {  	s26 =	simm.s32 $execute0_lowered;
	[smem:$0x3FD2] =	sst s25  }
0xa6: {  	s4 =	sshll.u32 s26, $0x1;
	_ =	strace $0x8000004F;
	[dreg:$0x1] =	wrdreg $0xFFFFFFFF  }
0xa7: {  	s28 =	simm.s32 $_size_execute0_lowered;
	s2 =	sadd.s32 s2, s4;
	[dreg:$0x0] =	wrdreg $0x0  }
0xa8: {  	s4 =	sshll.u32 s28, $0x1;
	[dreg:$0x2] =	wrdreg s2  }
0xa9: {  	[dreg:$0x3] =	wrdreg s4  }
0xaa: {  	[dreg:$0x4] =	wrdreg $0xC0  }
0xab: {  	_ =	task [dreg:s6], $0x5FFFF  }
0xac: {  	[dreg:$0x1] =	wrdreg $0xFFFFFFFF  }
0xad: {  	[dreg:$0x0] =	wrdreg $0x60  }
0xae: {  	[dreg:$0x2] =	wrdreg s24  }
0xaf: {  	[dreg:$0x3] =	wrdreg $0x178000  }
0xb0: {  	[dreg:$0x4] =	wrdreg $0x9  }
0xb1: {  	_ =	task.clear_ibuf [dreg:s6], $0x5FFFF;
	_ =	strace $0x9000004F  }
0xb2: {  	s29 =	simm.s32 $0x9;
	_ =	strace $0x80000051  }
0xb3: {  	_ =	swait.ge [sflag:s29], $0x1  }
0xb4: {  	[sflag:s29] =	ssyncadd.s32 $0xFFFFFFFF  }
0xb5: {  	_ =	strace $0x90000051  }
0xb6: {  	_ =	sfence  }
0xb7: {  	s30 =	sld [smem:$0x0];
	_ =	sdelay $0x2  }
0xb8: {  	s31 =	sshll.u32 s1, $0xD;
	s1 =	sshrl.u32 s1, $0x2  }
0xb9: {  	s3 =	sand.u32 $0x4000, s31;
	s1 =	sadd.s32 s1, s30  }
0xba: {  	s0 =	sor.u32 s3, s0;
	s1 =	sshll.u32 s1, $0x11  }
0xbb: {  	s0 =	sor.u32 s1, s0  }
0xbc: {  	s0 =	sadd.s32 $0x8F2B, s0  }
0xbd: {  	[sflag:s0] =	ssyncadd.remote.s32 $0x1  }
0xbe: {  	_ =	sfence.sel $0xFFFF  }
0xbf: {  	[dreg:$0x0] =	wrdreg $0xFFFFFFFF;
	(pc) =	sbr.abs _section_cstart, $3  }
0xc0: {  	[dreg:$0x1] =	wrdreg $0xFFFFFFFF  }
0xc1: {  	_ =	task.clear_ibuf [dreg:s6], $0x2FFFF;
	_ =	strace $0x9FFFFFFF  }
0xc2: {  	(tm) =	ssettm $0x7FFFFFFF  }
0xc3: {  	_ =	shalt  }
tec
execute0_lowered:
.L_overlay_start_1:
0x0: {  	(tag) =	ssettag $0x1  }
0x1: {  	s6 =	rddreg [dreg:$0x0]  }
0x2: {  	s2 =	rddreg [dreg:$0x1]  }
0x3: {  	s0 =	rddreg [dreg:$0x2];
	s4 =	srdreg.scid  }
0x4: {  	s3 =	simm.s32 $0x0;
	s1 =	stileid.u32;
	s15 =	simm.s32 $0x12800  }
0x5: {  	s16 =	simm.s32 $0x50;
	s17 =	simm.s32 $0x10000;
	s18 =	simm.s32 $0x1  }
0x6: {  	s19 =	simm.s32 $0x0;
	s5 =	sand.u32 $0x1, s4;
	s9 =	smul.u32 $0xA0, s1  }
0x7: {  	s26 =	sshll.u32 s1, $0xC;
	[smem:$0x7FF] =	sst s3;
	s12 =	smul.u32 $0x14000, s1  }
0x8: {  	s4 =	sadd.s32 $0x54400, s6;
	s7 =	sshll.u32 s5, $0x11;
	s8 =	smul.u32 $0x1400, s5  }
0x9: {  	_ =	strace $0x80000050;
	s10 =	sadd.s32 s26, s6;
	s29 =	ssub.s32 $0x2, s5  }
0xa: {  	s5 =	sadd.s32 $0x53A00, s6;
	s7 =	sor.u32 s26, s7;
	s30 =	sshrl.u32 s29, $0x1  }
0xb: {  	s31 =	sshrl.u32 s12, $0x2;
	s11 =	sadd.s32 s7, s6;
	s28 =	sadd.s32 s9, s8  }
0xc: {  	s14 =	ssub.s32 s29, s30;
	s8 =	sadd.s32 s31, s2;
	s7 =	sshll.u32 s28, $0x4  }
0xd: {  	s12 =	smax.u32 s14, $0x1;
	s14 =	simm.s32 $0x8000;
	s13 =	sadd.s32 s7, s6  }
0xe: {  	s6 =	sadd.s32 $0x43A00, s10;
	s7 =	sadd.s32 $0x3A00, s11;
	s10 =	sadd.s32 $0x13A00, s11  }
0xf: {  	s9 =	sadd.s32 $0x7B600, s13;
	s11 =	sadd.s32 $0x85600, s13;
	s13 =	simm.s32 $0x2  }
.LBB2_1:
0x10: {  	[tilespmem:s3], [sflag:$0x2] =	stream.linear.gather [hbm4b:s6+s3], $0x7D00, $0x38;
	[tilespmem:$0x1C840] =	vst v63  }
0x11: {  	_ =	swait.ge [sflag:s13], $0x7D00  }
0x12: {  	[sflag:s13] =	ssyncset.done $0x0  }
0x13: {  	[sflag:s13] =	ssyncadd.s32 $0xFFFF8300  }
0x14: {  	[tilespmem:s14], [sflag:$0x2] =	stream.linear.gather [hbm4b:s7+s3], $0x7D00, $0x38;
	[tilespmem:$0x1C840] =	vst v63  }
0x15: {  	_ =	swait.ge [sflag:s13], $0x7D00  }
0x16: {  	[sflag:s13] =	ssyncset.done $0x0  }
0x17: {  	[sflag:s13] =	ssyncadd.s32 $0xFFFF8300  }
0x18: {  	[tilespmem:s15], [sflag:$0x2] =	stream.linear.gather [hbm4b:s5+s3], $0x5000, $0x38;
	[tilespmem:$0x1C840] =	vst v63  }
0x19: {  	_ =	swait.ge [sflag:s13], $0x5000  }
0x1a: {  	[sflag:s13] =	ssyncset.done $0x0  }
0x1b: {  	[sflag:s13] =	ssyncadd.s32 $0xFFFFB000  }
0x1c: {  	[spmem:s8] =	stream.linear.scatter [tilespmem:s15], [sflag:$0x2], $0x5000, $0x38;
	[tilespmem:$0x1C840] =	vst v63  }
0x1d: {  	_ =	swait.ge [sflag:s13], $0x5000  }
0x1e: {  	[sflag:s13] =	ssyncset.done $0x0  }
0x1f: {  	[sflag:s13] =	ssyncadd.s32 $0xFFFFB000  }
0x20: {  	s20 =	simm.s32 $0x0;
	[bflag:$0x0] =	sbarrier.arrive $0xFFFF  }
0x21: {  	[tilespmem:s17], [sflag:$0x1] =	stream.indirect.gather [hbm4b:s4+s16], $0x80, s20, s16, $0xb8;
	[tilespmem:$0x1C840] =	vst v63  }
0x22: {  	_ =	swait.ge [sflag:s18], $0x2800  }
0x23: {  	[sflag:s18] =	ssyncset.done $0x0  }
0x24: {  	s31 =	simm.s32 $0x8000;
	[sflag:s18] =	ssyncadd.s32 $0xFFFFD800  }
0x25: {  	[spmem:s2] =	stream.indirect.scatter.add.f32 [tilespmem:s17], [sflag:$0x2], $0x80, s31, s16, $0xb8;
	[tilespmem:$0x1C840] =	vst v63  }
0x26: {  	_ =	swait.ge [sflag:s13], $0x2800  }
0x27: {  	s21 =	simm.s32 $0x400;
	s20 =	simm.s32 $0x200;
	[sflag:s13] =	ssyncset.done $0x0  }
.LBB2_2:
0x28: {  	s22 =	sshra.s32 s20, $0x2  }
0x29: {  	[sflag:s13] =	ssyncadd.s32 $0xFFFFD800;
	s20 =	smov.u32 s21;
	s23 =	sadd.s32 $0x200, s21  }
0x2a: {  	[tilespmem:s17], [sflag:$0x1] =	stream.indirect.gather [hbm4b:s4+s16], $0x80, s22, s16, $0xb8;
	[tilespmem:$0x1C840] =	vst v63  }
0x2b: {  	p0 =	sne.s32 s21, $0x1F200;
	_ =	swait.ge [sflag:s18], $0x2800  }
.Ltmp0:
0x2c: {  	[sflag:s18] =	ssyncset.done $0x0;
	(pc) =	sbr.rel @p0 .LBB2_2-.Ltmp0, $4  }
0x2d: {  	s21 =	sadd.s32 $0x8000, s22;
	[sflag:s18] =	ssyncadd.s32 $0xFFFFD800  }
0x2e: {  	[spmem:s2] =	stream.indirect.scatter.add.f32 [tilespmem:s17], [sflag:$0x2], $0x80, s21, s16, $0xb8;
	[tilespmem:$0x1C840] =	vst v63  }
0x2f: {  	_ =	swait.ge [sflag:s13], $0x2800  }
0x30: {  	s21 =	smov.u32 s23;
	[sflag:s13] =	ssyncset.done $0x0  }
0x31: {  	s20 =	sshra.s32 s20, $0x2;
	[sflag:s13] =	ssyncadd.s32 $0xFFFFD800  }
0x32: {  	[tilespmem:s17], [sflag:$0x1] =	stream.indirect.gather [hbm4b:s4+s16], $0x80, s20, s16, $0xb8;
	[tilespmem:$0x1C840] =	vst v63  }
0x33: {  	_ =	swait.ge [sflag:s18], $0x2800  }
0x34: {  	[sflag:s18] =	ssyncset.done $0x0  }
0x35: {  	s20 =	sadd.s32 $0x8000, s20;
	[sflag:s18] =	ssyncadd.s32 $0xFFFFD800  }
0x36: {  	[spmem:s2] =	stream.indirect.scatter.add.f32 [tilespmem:s17], [sflag:$0x2], $0x80, s20, s16, $0xb8;
	[tilespmem:$0x1C840] =	vst v63  }
0x37: {  	_ =	swait.ge [sflag:s13], $0x2800  }
0x38: {  	[sflag:s13] =	ssyncset.done $0x0  }
0x39: {  	[sflag:s13] =	ssyncadd.s32 $0xFFFFD800  }
0x3a: {  	[bflag:$0x0] =	sbarrier.arrive $0xFFFF  }
0x3b: {  	[tilespmem:s15], [sflag:$0x2] =	stream.linear.gather [spmem:s8], $0x5000, $0x38;
	[tilespmem:$0x1C840] =	vst v63  }
0x3c: {  	_ =	swait.ge [sflag:s13], $0x5000  }
0x3d: {  	[sflag:s13] =	ssyncset.done $0x0  }
0x3e: {  	s29 =	simm.s32 $0x0;
	[sflag:s13] =	ssyncadd.s32 $0xFFFFB000  }
0x3f: {  	[hbm4b:s9+s29] =	stream.linear.scatter [tilespmem:s15], [sflag:$0x2], $0x5000, $0x38;
	[tilespmem:$0x1C840] =	vst v63  }
0x40: {  	_ =	swait.ge [sflag:s13], $0x5000  }
0x41: {  	[sflag:s13] =	ssyncset.done $0x0  }
0x42: {  	[sflag:s13] =	ssyncadd.s32 $0xFFFFB000  }
0x43: {  	[tilespmem:s14], [sflag:$0x2] =	stream.linear.gather [hbm4b:s10+s29], $0x7D00, $0x38;
	[tilespmem:$0x1C840] =	vst v63  }
0x44: {  	_ =	swait.ge [sflag:s13], $0x7D00  }
0x45: {  	[sflag:s13] =	ssyncset.done $0x0  }
0x46: {  	[sflag:s13] =	ssyncadd.s32 $0xFFFF8300  }
0x47: {  	[tilespmem:s15], [sflag:$0x2] =	stream.linear.gather [hbm4b:s5+s29], $0x5000, $0x38;
	[tilespmem:$0x1C840] =	vst v63  }
0x48: {  	_ =	swait.ge [sflag:s13], $0x5000  }
0x49: {  	[sflag:s13] =	ssyncset.done $0x0  }
0x4a: {  	[sflag:s13] =	ssyncadd.s32 $0xFFFFB000  }
0x4b: {  	[spmem:s8] =	stream.linear.scatter [tilespmem:s15], [sflag:$0x2], $0x5000, $0x38;
	[tilespmem:$0x1C840] =	vst v63  }
0x4c: {  	_ =	swait.ge [sflag:s13], $0x5000  }
0x4d: {  	[sflag:s13] =	ssyncset.done $0x0  }
0x4e: {  	[sflag:s13] =	ssyncadd.s32 $0xFFFFB000  }
0x4f: {  	s30 =	simm.s32 $0x0;
	[bflag:$0x0] =	sbarrier.arrive $0xFFFF  }
0x50: {  	[tilespmem:s17], [sflag:$0x1] =	stream.indirect.gather [hbm4b:s4+s16], $0x80, s30, s16, $0xb8;
	[tilespmem:$0x1C840] =	vst v63  }
0x51: {  	_ =	swait.ge [sflag:s18], $0x2800  }
0x52: {  	[sflag:s18] =	ssyncset.done $0x0  }
0x53: {  	s31 =	simm.s32 $0x8000;
	[sflag:s18] =	ssyncadd.s32 $0xFFFFD800  }
0x54: {  	[spmem:s2] =	stream.indirect.scatter.add.f32 [tilespmem:s17], [sflag:$0x2], $0x80, s31, s16, $0xb8;
	[tilespmem:$0x1C840] =	vst v63  }
0x55: {  	_ =	swait.ge [sflag:s13], $0x2800  }
0x56: {  	s21 =	simm.s32 $0x400;
	s20 =	simm.s32 $0x200;
	[sflag:s13] =	ssyncset.done $0x0  }
.LBB2_4:
0x57: {  	s22 =	sshra.s32 s20, $0x2  }
0x58: {  	[sflag:s13] =	ssyncadd.s32 $0xFFFFD800;
	s20 =	smov.u32 s21;
	s23 =	sadd.s32 $0x200, s21  }
0x59: {  	[tilespmem:s17], [sflag:$0x1] =	stream.indirect.gather [hbm4b:s4+s16], $0x80, s22, s16, $0xb8;
	[tilespmem:$0x1C840] =	vst v63  }
0x5a: {  	p0 =	sne.s32 s21, $0x1F200;
	_ =	swait.ge [sflag:s18], $0x2800  }
.Ltmp1:
0x5b: {  	[sflag:s18] =	ssyncset.done $0x0;
	(pc) =	sbr.rel @p0 .LBB2_4-.Ltmp1, $4  }
0x5c: {  	s21 =	sadd.s32 $0x8000, s22;
	[sflag:s18] =	ssyncadd.s32 $0xFFFFD800  }
0x5d: {  	[spmem:s2] =	stream.indirect.scatter.add.f32 [tilespmem:s17], [sflag:$0x2], $0x80, s21, s16, $0xb8;
	[tilespmem:$0x1C840] =	vst v63  }
0x5e: {  	_ =	swait.ge [sflag:s13], $0x2800  }
0x5f: {  	s21 =	smov.u32 s23;
	[sflag:s13] =	ssyncset.done $0x0  }
0x60: {  	s20 =	sshra.s32 s20, $0x2;
	[sflag:s13] =	ssyncadd.s32 $0xFFFFD800  }
0x61: {  	[tilespmem:s17], [sflag:$0x1] =	stream.indirect.gather [hbm4b:s4+s16], $0x80, s20, s16, $0xb8;
	[tilespmem:$0x1C840] =	vst v63  }
0x62: {  	_ =	swait.ge [sflag:s18], $0x2800  }
0x63: {  	[sflag:s18] =	ssyncset.done $0x0  }
0x64: {  	s20 =	sadd.s32 $0x8000, s20;
	[sflag:s18] =	ssyncadd.s32 $0xFFFFD800  }
0x65: {  	[spmem:s2] =	stream.indirect.scatter.add.f32 [tilespmem:s17], [sflag:$0x2], $0x80, s20, s16, $0xb8;
	[tilespmem:$0x1C840] =	vst v63  }
0x66: {  	_ =	swait.ge [sflag:s13], $0x2800  }
0x67: {  	[sflag:s13] =	ssyncset.done $0x0  }
0x68: {  	[sflag:s13] =	ssyncadd.s32 $0xFFFFD800  }
0x69: {  	[bflag:$0x0] =	sbarrier.arrive $0xFFFF  }
0x6a: {  	[tilespmem:s15], [sflag:$0x2] =	stream.linear.gather [spmem:s8], $0x5000, $0x38;
	[tilespmem:$0x1C840] =	vst v63  }
0x6b: {  	s19 =	sadd.s32 $0x1, s19;
	_ =	swait.ge [sflag:s13], $0x5000  }
0x6c: {  	p0 =	sne.s32 s19, s12;
	[sflag:s13] =	ssyncset.done $0x0  }
.Ltmp2:
0x6d: {  	[sflag:s13] =	ssyncadd.s32 $0xFFFFB000;
	(pc) =	sbr.rel @p0 .LBB2_1-.Ltmp2, $4  }
0x6e: {  	[hbm4b:s11+s3] =	stream.linear.scatter [tilespmem:s15], [sflag:$0x2], $0x5000, $0x38;
	[tilespmem:$0x1C840] =	vst v63  }
0x6f: {  	_ =	swait.ge [sflag:s13], $0x5000  }
0x70: {  	[sflag:s13] =	ssyncset.done $0x0  }
0x71: {  	[sflag:s13] =	ssyncadd.s32 $0xFFFFB000  }
0x72: {  	_ =	sfence.sel $0x180000  }
0x73: {  	[bflag:$0x0] =	sbarrier.arrive $0xFFFF  }
0x74: {  	p0 =	sne.s32 s1, $0x0;
	_ =	strace $0x90000050  }
0x75: {  	s0 =	sadd.s32 @!p0 $0x100000, s0;
	[bflag:$0x2] =	sbarrier.arrive $0xFFFF  }
0x76: {  	[sflag:s0] =	ssyncadd.tile.s32 @!p0 $0x1;
	_ =	shalt  }
.Lfunc_end2:
_tile_overlayer_lowered:
.L_overlay_start_2:
0x77: {  	(tag) =	ssettag $0x2  }
0x78: {  	s0 =	rddreg [dreg:$0x0];
	s2 =	stileid.u32  }
0x79: {  	s1 =	rddreg [dreg:$0x1];
	p0 =	sne.s32 s2, $0x0  }
0x7a: {  	s3 =	rddreg [dreg:$0x2];
	[bflag:$0x3] =	sbarrier.arrive $0xFFFF;
	s2 =	simm.s32 @!p0 $0x1C02  }
0x7b: {  	[timem:s3], [sflag:s2] =	dma.local @!p0 [hbm:s0], s1  }
0x7c: {  	s0 =	simm.s32 @!p0 $0x2  }
0x7d: {  	_ =	swait.ge @!p0 [sflag:s0], s1  }
0x7e: {  	s1 =	ssub.s32 @!p0 $0x0, s1;
	[sflag:s0] =	ssyncset.done @!p0 $0x0  }
0x7f: {  	[sflag:s0] =	ssyncadd.s32 @!p0 s1  }
0x80: {  	[bflag:$0x3] =	sbarrier.arrive $0xFFFF  }
0x81: {  	_ =	shalt  }

</sc_bundles>
